<compile_context>
chip_gen: v7x
topology: tpu7x:2x2x1
jax: 0.10.2.dev20260603
libtpu: 0.0.44.dev20260713+nightly
codegen_flags: <defaults>
</compile_context>

<pallas_src>
import functools

import jax
import jax.numpy as jnp
from jax import lax
from jax.experimental import pallas as pl
from jax.experimental.pallas import tpu as pltpu
from jax.experimental.pallas import tpu_sc as plsc

HIDDEN = 64
CH = 128
NC = 2
NS = 16
NW = NC * NS
NBUF = 2


def _gather(table2, idx3d, seq, batch):
    rows_per_w = idx3d.shape[1]
    ngroups = rows_per_w // NBUF
    bblocks = batch // CH

    mesh = plsc.VectorSubcoreMesh(
        core_axis_name="c", subcore_axis_name="s", num_cores=NC, num_subcores=NS
    )

    @functools.partial(
        pl.kernel,
        out_type=jax.ShapeDtypeStruct((seq, HIDDEN, batch), jnp.float32),
        mesh=mesh,
        scratch_types=[
            pltpu.VMEM((rows_per_w, CH), jnp.int32),
            pltpu.VMEM((rows_per_w, CH), jnp.int32),
            pltpu.VMEM((NBUF, CH, 2 * HIDDEN), jnp.float32),
            pltpu.VMEM((NBUF, HIDDEN, CH), jnp.float32),
            pltpu.SemaphoreType.DMA((NBUF,)),
            pltpu.SemaphoreType.DMA((NBUF,)),
        ],
        compiler_params=pltpu.CompilerParams(
            use_tc_tiling_on_sc=True, needs_layout_passes=False
        ),
    )
    def k(table_hbm, idx_hbm, out_hbm, idx_v, pair_v, rows_v, rowst_v, gsem, wsem):
        wid = lax.axis_index("s") * NC + lax.axis_index("c")
        row0 = wid * rows_per_w
        pltpu.sync_copy(idx_hbm.at[wid], idx_v)

        lane = lax.iota(jnp.int32, 16)

        def mk_pairs(i, carry):
            for g in range(CH // 16):
                pair_v[i, pl.ds(g * 16, 16)] = (
                    idx_v[i, pl.ds(g * 16, 16)] >> 1
                )
            return carry

        lax.fori_loop(0, rows_per_w, mk_pairs, 0)

        def fire_gather(i, b):
            pltpu.async_copy(table_hbm.at[pair_v.at[i]], rows_v.at[b], gsem.at[b])

        def wait_gather(b):
            pltpu.make_async_copy(
                table_hbm.at[pl.ds(0, CH)], rows_v.at[b], gsem.at[b]
            ).wait()

        def fire_write(i, b):
            c = row0 + i
            s = c // bblocks
            bb = c % bblocks
            pltpu.async_copy(
                rowst_v.at[b], out_hbm.at[s, :, pl.ds(bb * CH, CH)], wsem.at[b]
            )

        def wait_write(b):
            pltpu.make_async_copy(
                rowst_v.at[b], out_hbm.at[0, :, pl.ds(0, CH)], wsem.at[b]
            ).wait()

        def select_transpose(i, b):
            for g in range(CH // 16):
                rvec = lane + g * 16
                half = (idx_v[i, pl.ds(g * 16, 16)] & 1) * HIDDEN

                @plsc.parallel_loop(0, HIDDEN, 1, unroll=8)
                def _(h):
                    vals = plsc.load_gather(rows_v.at[b], [rvec, half + h])
                    rowst_v[b, h, pl.ds(g * 16, 16)] = vals

        for b in range(NBUF):
            fire_gather(b, b)

        def group(g, carry):
            for b in range(NBUF):
                i = g * NBUF + b
                wait_gather(b)

                @pl.when(g > 0)
                def _():
                    wait_write(b)

                select_transpose(i, b)
                fire_write(i, b)

                @pl.when(g + 1 < ngroups)
                def _():
                    fire_gather(i + NBUF, b)

            return carry

        lax.fori_loop(0, ngroups, group, 0)
        for b in range(NBUF):
            wait_write(b)

    return k(table2, idx3d)


def kernel(token_ids, key, embed_table):
    b, s = token_ids.shape
    v, h = embed_table.shape
    tab2 = jnp.reshape(embed_table, (v // 2, 2 * h))
    tok_t = jnp.transpose(token_ids.astype(jnp.int32))
    idx3d = jnp.reshape(tok_t, (NW, s * b // (NW * CH), CH))
    out_phys = _gather(tab2, idx3d, s, b)
    return jnp.transpose(out_phys, (2, 0, 1))

# --- scband reference (transcript-rebuilt; emitter-appended) ---
"""Pipeline reference for scband-learnable-embedding-88038239633617 (READ-ONLY COPY).

The authoritative reference and input builder live on the scoring server;
editing this copy changes nothing except your own understanding.
"""

import jax, jax.numpy as jnp
import numpy as np

VOCAB = 1000000
HIDDEN = 64
BATCH = 1024
SEQ = 200

def setup_inputs(seed: int = 0) -> dict:
    key = jax.random.key(seed)
    k_idx, k_tab = jax.random.split(key)
    token_ids = jax.random.randint(k_idx, (BATCH, SEQ), 0, VOCAB, dtype=jnp.int64 if jax.config.jax_enable_x64 else jnp.int32)
    # hk.Embed default initializer is truncated normal with stddev 1.0; plain normal is faithful enough for a reference table
    embed_table = jax.random.normal(k_tab, (VOCAB, HIDDEN), dtype=jnp.float32)
    return {"token_ids": token_ids, "key": 0, "embed_table": embed_table}

def reference(token_ids, key, embed_table):
    # Faithful translation of LearnableEmbedding.__call__ (key/training unused in forward math)
    flat_token_ids = jnp.reshape(token_ids, (token_ids.shape[0] * token_ids.shape[1],))
    flat_token_embeddings = jnp.take(embed_table, flat_token_ids, axis=0)
    embeddings = jnp.reshape(flat_token_embeddings, (token_ids.shape[0], token_ids.shape[1], -1))
    return embeddings

if __name__ == "__main__":
    import jax
    _d = setup_inputs()
    print(jax.jit(kernel)(*tuple(_d.values())))

</pallas_src>

<mosaic_0001>
#map = affine_map<(d0, d1) -> (0, 0)>
#map1 = affine_map<(d0, d1) -> (0, 0, 0)>
module attributes {stable_mosaic.version = 14 : i64} {
  func.func @k(%arg0: i32, %arg1: i32, %arg2: memref<500000x128xf32, #tpu.memory_space<hbm>>, %arg3: memref<32x50x128xi32, #tpu.memory_space<hbm>>, %arg4: memref<200x64x1024xf32, #tpu.memory_space<hbm>>, %arg5: memref<50x128xi32, #tpu.memory_space<vmem>>, %arg6: memref<50x128xi32, #tpu.memory_space<vmem>>, %arg7: memref<2x128x128xf32, #tpu.memory_space<vmem>>, %arg8: memref<2x64x128xf32, #tpu.memory_space<vmem>>, %arg9: memref<2x!tpu.dma_semaphore, #tpu.memory_space<semaphore_mem>>, %arg10: memref<2x!tpu.dma_semaphore, #tpu.memory_space<semaphore_mem>>) attributes {dimension_semantics = [#tpu.dimension_semantics<core_parallel>, #tpu.dimension_semantics<subcore_parallel>], iteration_bounds = array<i64: 2, 16>, scalar_prefetch = 0 : i64, scratch_operands = 6 : i64, tpu.core_type = #tpu.core_type<sc_vector_subcore>, window_params = [{transform_indices = #map}, {transform_indices = #map1}, {transform_indices = #map1}]} {
    %mul3A = arith.constant 2 : i32
    %mul3A_0 = arith.muli %arg1, %mul3A : i32
    %add3A = arith.addi %mul3A_0, %arg0 : i32
    %mul3A_1 = arith.constant 50 : i32
    %mul3A_2 = arith.muli %add3A, %mul3A_1 : i32
    "tpu.region"() ({
      %run_scoped3A = tpu.sem_alloc : memref<!tpu.dma_semaphore, #tpu.memory_space<semaphore_mem>>
      %dma_start3A_84 = arith.constant 0 : i32
      %dma_start3A_85 = arith.constant 0 : i32
      %dma_start3A_86 = tpu.memref_slice %arg3[%add3A, %dma_start3A_84, %dma_start3A_85] : memref<32x50x128xi32, #tpu.memory_space<hbm>> -> memref<1x50x128xi32, #tpu.memory_space<hbm>>
      %dma_start3A_87 = tpu.memref_squeeze %dma_start3A_86 : memref<1x50x128xi32, #tpu.memory_space<hbm>> -> memref<50x128xi32, #tpu.memory_space<hbm>>
      %dma_start3A_88 = arith.constant 0 : i32
      %dma_start3A_89 = arith.constant 0 : i32
      %dma_start3A_90 = tpu.memref_slice %arg3[%add3A, %dma_start3A_88, %dma_start3A_89] : memref<32x50x128xi32, #tpu.memory_space<hbm>> -> memref<1x50x128xi32, #tpu.memory_space<hbm>>
      %dma_start3A_91 = tpu.memref_squeeze %dma_start3A_90 : memref<1x50x128xi32, #tpu.memory_space<hbm>> -> memref<50x128xi32, #tpu.memory_space<hbm>>
      tpu.enqueue_dma source(%dma_start3A_91 : memref<50x128xi32, #tpu.memory_space<hbm>>) target(%arg5 : memref<50x128xi32, #tpu.memory_space<vmem>>) target_semaphore(%run_scoped3A : memref<!tpu.dma_semaphore, #tpu.memory_space<semaphore_mem>>)
      %dma_wait3A_92 = arith.constant 0 : i32
      %dma_wait3A_93 = arith.constant 0 : i32
      %dma_wait3A_94 = tpu.memref_slice %arg3[%add3A, %dma_wait3A_92, %dma_wait3A_93] : memref<32x50x128xi32, #tpu.memory_space<hbm>> -> memref<1x50x128xi32, #tpu.memory_space<hbm>>
      %dma_wait3A_95 = tpu.memref_squeeze %dma_wait3A_94 : memref<1x50x128xi32, #tpu.memory_space<hbm>> -> memref<50x128xi32, #tpu.memory_space<hbm>>
      %dma_wait3A_96 = arith.constant 0 : i32
      %dma_wait3A_97 = arith.constant 0 : i32
      %dma_wait3A_98 = tpu.memref_slice %arg3[%add3A, %dma_wait3A_96, %dma_wait3A_97] : memref<32x50x128xi32, #tpu.memory_space<hbm>> -> memref<1x50x128xi32, #tpu.memory_space<hbm>>
      %dma_wait3A_99 = tpu.memref_squeeze %dma_wait3A_98 : memref<1x50x128xi32, #tpu.memory_space<hbm>> -> memref<50x128xi32, #tpu.memory_space<hbm>>
      tpu.wait_dma2 semaphore(%run_scoped3A : memref<!tpu.dma_semaphore, #tpu.memory_space<semaphore_mem>>) src(%dma_wait3A_99 : memref<50x128xi32, #tpu.memory_space<hbm>>) dst(%arg5 : memref<50x128xi32, #tpu.memory_space<vmem>>)
      tpu.yield
    }) : () -> ()
    %iota3A = tpu.iota {dimensions = array<i32: 0>} : vector<16xi32>
    %scan3A = arith.constant 0 : i32
    %scan3A_3 = arith.constant 0 : i32
    %scan3A_4 = arith.constant 50 : i32
    %scan3A_5 = arith.addi %scan3A_3, %scan3A_4 : i32
    %scan3A_6 = arith.constant 1 : i32
    scf.for %scan3A_84 = %scan3A_3 to %scan3A_5 step %scan3A_6  : i32 {
      %get3A = arith.index_cast %scan3A_84 : i32 to index
      %get3A_85 = arith.constant 0 : index
      %get3A_86 = tpu.vector_load %arg5[%get3A, %get3A_85] {strides = array<i32>} : memref<50x128xi32, #tpu.memory_space<vmem>>, vector<16xi32>,
      %shift_right_arithmetic3A = arith.constant 1 : i32
      %shift_right_arithmetic3A_87 = vector.broadcast %shift_right_arithmetic3A : i32 to vector<16xi32>
      %shift_right_arithmetic3A_88 = arith.shrsi %get3A_86, %shift_right_arithmetic3A_87 : vector<16xi32>
      %swap3A = arith.index_cast %scan3A_84 : i32 to index
      %swap3A_89 = arith.constant 0 : index
      %swap3A_90 = tpu.vector_load %arg6[%swap3A, %swap3A_89] {strides = array<i32>} : memref<50x128xi32, #tpu.memory_space<vmem>>, vector<16xi32>,
      tpu.vector_store %arg6[%swap3A, %swap3A_89], %shift_right_arithmetic3A_88 {strides = array<i32>} : memref<50x128xi32, #tpu.memory_space<vmem>>, vector<16xi32>,
      %get3A_91 = arith.index_cast %scan3A_84 : i32 to index
      %get3A_92 = arith.constant 16 : index
      %get3A_93 = tpu.vector_load %arg5[%get3A_91, %get3A_92] {strides = array<i32>} : memref<50x128xi32, #tpu.memory_space<vmem>>, vector<16xi32>,
      %shift_right_arithmetic3A_94 = arith.constant 1 : i32
      %shift_right_arithmetic3A_95 = vector.broadcast %shift_right_arithmetic3A_94 : i32 to vector<16xi32>
      %shift_right_arithmetic3A_96 = arith.shrsi %get3A_93, %shift_right_arithmetic3A_95 : vector<16xi32>
      %swap3A_97 = arith.index_cast %scan3A_84 : i32 to index
      %swap3A_98 = arith.constant 16 : index
      %swap3A_99 = tpu.vector_load %arg6[%swap3A_97, %swap3A_98] {strides = array<i32>} : memref<50x128xi32, #tpu.memory_space<vmem>>, vector<16xi32>,
      tpu.vector_store %arg6[%swap3A_97, %swap3A_98], %shift_right_arithmetic3A_96 {strides = array<i32>} : memref<50x128xi32, #tpu.memory_space<vmem>>, vector<16xi32>,
      %get3A_100 = arith.index_cast %scan3A_84 : i32 to index
      %get3A_101 = arith.constant 32 : index
      %get3A_102 = tpu.vector_load %arg5[%get3A_100, %get3A_101] {strides = array<i32>} : memref<50x128xi32, #tpu.memory_space<vmem>>, vector<16xi32>,
      %shift_right_arithmetic3A_103 = arith.constant 1 : i32
      %shift_right_arithmetic3A_104 = vector.broadcast %shift_right_arithmetic3A_103 : i32 to vector<16xi32>
      %shift_right_arithmetic3A_105 = arith.shrsi %get3A_102, %shift_right_arithmetic3A_104 : vector<16xi32>
      %swap3A_106 = arith.index_cast %scan3A_84 : i32 to index
      %swap3A_107 = arith.constant 32 : index
      %swap3A_108 = tpu.vector_load %arg6[%swap3A_106, %swap3A_107] {strides = array<i32>} : memref<50x128xi32, #tpu.memory_space<vmem>>, vector<16xi32>,
      tpu.vector_store %arg6[%swap3A_106, %swap3A_107], %shift_right_arithmetic3A_105 {strides = array<i32>} : memref<50x128xi32, #tpu.memory_space<vmem>>, vector<16xi32>,
      %get3A_109 = arith.index_cast %scan3A_84 : i32 to index
      %get3A_110 = arith.constant 48 : index
      %get3A_111 = tpu.vector_load %arg5[%get3A_109, %get3A_110] {strides = array<i32>} : memref<50x128xi32, #tpu.memory_space<vmem>>, vector<16xi32>,
      %shift_right_arithmetic3A_112 = arith.constant 1 : i32
      %shift_right_arithmetic3A_113 = vector.broadcast %shift_right_arithmetic3A_112 : i32 to vector<16xi32>
      %shift_right_arithmetic3A_114 = arith.shrsi %get3A_111, %shift_right_arithmetic3A_113 : vector<16xi32>
      %swap3A_115 = arith.index_cast %scan3A_84 : i32 to index
      %swap3A_116 = arith.constant 48 : index
      %swap3A_117 = tpu.vector_load %arg6[%swap3A_115, %swap3A_116] {strides = array<i32>} : memref<50x128xi32, #tpu.memory_space<vmem>>, vector<16xi32>,
      tpu.vector_store %arg6[%swap3A_115, %swap3A_116], %shift_right_arithmetic3A_114 {strides = array<i32>} : memref<50x128xi32, #tpu.memory_space<vmem>>, vector<16xi32>,
      %get3A_118 = arith.index_cast %scan3A_84 : i32 to index
      %get3A_119 = arith.constant 64 : index
      %get3A_120 = tpu.vector_load %arg5[%get3A_118, %get3A_119] {strides = array<i32>} : memref<50x128xi32, #tpu.memory_space<vmem>>, vector<16xi32>,
      %shift_right_arithmetic3A_121 = arith.constant 1 : i32
      %shift_right_arithmetic3A_122 = vector.broadcast %shift_right_arithmetic3A_121 : i32 to vector<16xi32>
      %shift_right_arithmetic3A_123 = arith.shrsi %get3A_120, %shift_right_arithmetic3A_122 : vector<16xi32>
      %swap3A_124 = arith.index_cast %scan3A_84 : i32 to index
      %swap3A_125 = arith.constant 64 : index
      %swap3A_126 = tpu.vector_load %arg6[%swap3A_124, %swap3A_125] {strides = array<i32>} : memref<50x128xi32, #tpu.memory_space<vmem>>, vector<16xi32>,
      tpu.vector_store %arg6[%swap3A_124, %swap3A_125], %shift_right_arithmetic3A_123 {strides = array<i32>} : memref<50x128xi32, #tpu.memory_space<vmem>>, vector<16xi32>,
      %get3A_127 = arith.index_cast %scan3A_84 : i32 to index
      %get3A_128 = arith.constant 80 : index
      %get3A_129 = tpu.vector_load %arg5[%get3A_127, %get3A_128] {strides = array<i32>} : memref<50x128xi32, #tpu.memory_space<vmem>>, vector<16xi32>,
      %shift_right_arithmetic3A_130 = arith.constant 1 : i32
      %shift_right_arithmetic3A_131 = vector.broadcast %shift_right_arithmetic3A_130 : i32 to vector<16xi32>
      %shift_right_arithmetic3A_132 = arith.shrsi %get3A_129, %shift_right_arithmetic3A_131 : vector<16xi32>
      %swap3A_133 = arith.index_cast %scan3A_84 : i32 to index
      %swap3A_134 = arith.constant 80 : index
      %swap3A_135 = tpu.vector_load %arg6[%swap3A_133, %swap3A_134] {strides = array<i32>} : memref<50x128xi32, #tpu.memory_space<vmem>>, vector<16xi32>,
      tpu.vector_store %arg6[%swap3A_133, %swap3A_134], %shift_right_arithmetic3A_132 {strides = array<i32>} : memref<50x128xi32, #tpu.memory_space<vmem>>, vector<16xi32>,
      %get3A_136 = arith.index_cast %scan3A_84 : i32 to index
      %get3A_137 = arith.constant 96 : index
      %get3A_138 = tpu.vector_load %arg5[%get3A_136, %get3A_137] {strides = array<i32>} : memref<50x128xi32, #tpu.memory_space<vmem>>, vector<16xi32>,
      %shift_right_arithmetic3A_139 = arith.constant 1 : i32
      %shift_right_arithmetic3A_140 = vector.broadcast %shift_right_arithmetic3A_139 : i32 to vector<16xi32>
      %shift_right_arithmetic3A_141 = arith.shrsi %get3A_138, %shift_right_arithmetic3A_140 : vector<16xi32>
      %swap3A_142 = arith.index_cast %scan3A_84 : i32 to index
      %swap3A_143 = arith.constant 96 : index
      %swap3A_144 = tpu.vector_load %arg6[%swap3A_142, %swap3A_143] {strides = array<i32>} : memref<50x128xi32, #tpu.memory_space<vmem>>, vector<16xi32>,
      tpu.vector_store %arg6[%swap3A_142, %swap3A_143], %shift_right_arithmetic3A_141 {strides = array<i32>} : memref<50x128xi32, #tpu.memory_space<vmem>>, vector<16xi32>,
      %get3A_145 = arith.index_cast %scan3A_84 : i32 to index
      %get3A_146 = arith.constant 112 : index
      %get3A_147 = tpu.vector_load %arg5[%get3A_145, %get3A_146] {strides = array<i32>} : memref<50x128xi32, #tpu.memory_space<vmem>>, vector<16xi32>,
      %shift_right_arithmetic3A_148 = arith.constant 1 : i32
      %shift_right_arithmetic3A_149 = vector.broadcast %shift_right_arithmetic3A_148 : i32 to vector<16xi32>
      %shift_right_arithmetic3A_150 = arith.shrsi %get3A_147, %shift_right_arithmetic3A_149 : vector<16xi32>
      %swap3A_151 = arith.index_cast %scan3A_84 : i32 to index
      %swap3A_152 = arith.constant 112 : index
      %swap3A_153 = tpu.vector_load %arg6[%swap3A_151, %swap3A_152] {strides = array<i32>} : memref<50x128xi32, #tpu.memory_space<vmem>>, vector<16xi32>,
      tpu.vector_store %arg6[%swap3A_151, %swap3A_152], %shift_right_arithmetic3A_150 {strides = array<i32>} : memref<50x128xi32, #tpu.memory_space<vmem>>, vector<16xi32>,
    }
    %scan3A_7 = arith.constant 50 : i32
    %dma_start3A = arith.constant 0 : i32
    %dma_start3A_8 = arith.constant 0 : i32
    %dma_start3A_9 = arith.constant 0 : i32
    %dma_start3A_10 = arith.constant 0 : i32
    %dma_start3A_11 = arith.constant 0 : i32
    %dma_start3A_12 = tpu.memref_slice %arg7[%dma_start3A_8, %dma_start3A_10, %dma_start3A_11] : memref<2x128x128xf32, #tpu.memory_space<vmem>> -> memref<1x128x128xf32, #tpu.memory_space<vmem>>
    %dma_start3A_13 = tpu.memref_squeeze %dma_start3A_12 : memref<1x128x128xf32, #tpu.memory_space<vmem>> -> memref<128x128xf32, #tpu.memory_space<vmem>>
    %dma_start3A_14 = arith.constant 0 : i32
    %dma_start3A_15 = tpu.memref_slice %arg6[%dma_start3A, %dma_start3A_14] : memref<50x128xi32, #tpu.memory_space<vmem>> -> memref<1x128xi32, #tpu.memory_space<vmem>>
    %dma_start3A_16 = tpu.memref_squeeze %dma_start3A_15 : memref<1x128xi32, #tpu.memory_space<vmem>> -> memref<128xi32, #tpu.memory_space<vmem>>
    %dma_start3A_17 = arith.constant 0 : i32
    %dma_start3A_18 = arith.constant 0 : i32
    %dma_start3A_19 = tpu.memref_slice %arg2[%dma_start3A_17, %dma_start3A_18] : memref<500000x128xf32, #tpu.memory_space<hbm>> -> memref<500000x128xf32, #tpu.memory_space<hbm>>
    %dma_start3A_20 = tpu.memref_slice %arg9[%dma_start3A_9] : memref<2x!tpu.dma_semaphore, #tpu.memory_space<semaphore_mem>> -> memref<1x!tpu.dma_semaphore, #tpu.memory_space<semaphore_mem>>
    %dma_start3A_21 = tpu.memref_squeeze %dma_start3A_20 : memref<1x!tpu.dma_semaphore, #tpu.memory_space<semaphore_mem>> -> memref<!tpu.dma_semaphore, #tpu.memory_space<semaphore_mem>>
    tpu.enqueue_indirect_dma source(%dma_start3A_19 : memref<500000x128xf32, #tpu.memory_space<hbm>>) target(%dma_start3A_13 : memref<128x128xf32, #tpu.memory_space<vmem>>) offsets(%dma_start3A_16 : memref<128xi32, #tpu.memory_space<vmem>>) semaphore(%dma_start3A_21 : memref<!tpu.dma_semaphore, #tpu.memory_space<semaphore_mem>>)
    %dma_start3A_22 = arith.constant 1 : i32
    %dma_start3A_23 = arith.constant 1 : i32
    %dma_start3A_24 = arith.constant 1 : i32
    %dma_start3A_25 = arith.constant 0 : i32
    %dma_start3A_26 = arith.constant 0 : i32
    %dma_start3A_27 = tpu.memref_slice %arg7[%dma_start3A_23, %dma_start3A_25, %dma_start3A_26] : memref<2x128x128xf32, #tpu.memory_space<vmem>> -> memref<1x128x128xf32, #tpu.memory_space<vmem>>
    %dma_start3A_28 = tpu.memref_squeeze %dma_start3A_27 : memref<1x128x128xf32, #tpu.memory_space<vmem>> -> memref<128x128xf32, #tpu.memory_space<vmem>>
    %dma_start3A_29 = arith.constant 0 : i32
    %dma_start3A_30 = tpu.memref_slice %arg6[%dma_start3A_22, %dma_start3A_29] : memref<50x128xi32, #tpu.memory_space<vmem>> -> memref<1x128xi32, #tpu.memory_space<vmem>>
    %dma_start3A_31 = tpu.memref_squeeze %dma_start3A_30 : memref<1x128xi32, #tpu.memory_space<vmem>> -> memref<128xi32, #tpu.memory_space<vmem>>
    %dma_start3A_32 = arith.constant 0 : i32
    %dma_start3A_33 = arith.constant 0 : i32
    %dma_start3A_34 = tpu.memref_slice %arg2[%dma_start3A_32, %dma_start3A_33] : memref<500000x128xf32, #tpu.memory_space<hbm>> -> memref<500000x128xf32, #tpu.memory_space<hbm>>
    %dma_start3A_35 = tpu.memref_slice %arg9[%dma_start3A_24] : memref<2x!tpu.dma_semaphore, #tpu.memory_space<semaphore_mem>> -> memref<1x!tpu.dma_semaphore, #tpu.memory_space<semaphore_mem>>
    %dma_start3A_36 = tpu.memref_squeeze %dma_start3A_35 : memref<1x!tpu.dma_semaphore, #tpu.memory_space<semaphore_mem>> -> memref<!tpu.dma_semaphore, #tpu.memory_space<semaphore_mem>>
    tpu.enqueue_indirect_dma source(%dma_start3A_34 : memref<500000x128xf32, #tpu.memory_space<hbm>>) target(%dma_start3A_28 : memref<128x128xf32, #tpu.memory_space<vmem>>) offsets(%dma_start3A_31 : memref<128xi32, #tpu.memory_space<vmem>>) semaphore(%dma_start3A_36 : memref<!tpu.dma_semaphore, #tpu.memory_space<semaphore_mem>>)
    %scan3A_37 = arith.constant 0 : i32
    %scan3A_38 = arith.constant 0 : i32
    %scan3A_39 = arith.constant 25 : i32
    %scan3A_40 = arith.addi %scan3A_38, %scan3A_39 : i32
    %scan3A_41 = arith.constant 1 : i32
    scf.for %scan3A_84 = %scan3A_38 to %scan3A_40 step %scan3A_41  : i32 {
      %mul3A_85 = arith.constant 2 : i32
      %mul3A_86 = arith.muli %scan3A_84, %mul3A_85 : i32
      %add3A_87 = arith.constant 0 : i32
      %add3A_88 = arith.addi %mul3A_86, %add3A_87 : i32
      %dma_wait3A_89 = arith.constant 0 : i32
      %dma_wait3A_90 = arith.constant 0 : i32
      %dma_wait3A_91 = arith.constant 0 : i32
      %dma_wait3A_92 = arith.constant 0 : i32
      %dma_wait3A_93 = tpu.memref_slice %arg7[%dma_wait3A_89, %dma_wait3A_91, %dma_wait3A_92] : memref<2x128x128xf32, #tpu.memory_space<vmem>> -> memref<1x128x128xf32, #tpu.memory_space<vmem>>
      %dma_wait3A_94 = tpu.memref_squeeze %dma_wait3A_93 : memref<1x128x128xf32, #tpu.memory_space<vmem>> -> memref<128x128xf32, #tpu.memory_space<vmem>>
      %dma_wait3A_95 = arith.constant 0 : i32
      %dma_wait3A_96 = arith.constant 0 : i32
      %dma_wait3A_97 = tpu.memref_slice %arg2[%dma_wait3A_95, %dma_wait3A_96] : memref<500000x128xf32, #tpu.memory_space<hbm>> -> memref<128x128xf32, #tpu.memory_space<hbm>>
      %dma_wait3A_98 = tpu.memref_slice %arg9[%dma_wait3A_90] : memref<2x!tpu.dma_semaphore, #tpu.memory_space<semaphore_mem>> -> memref<1x!tpu.dma_semaphore, #tpu.memory_space<semaphore_mem>>
      %dma_wait3A_99 = tpu.memref_squeeze %dma_wait3A_98 : memref<1x!tpu.dma_semaphore, #tpu.memory_space<semaphore_mem>> -> memref<!tpu.dma_semaphore, #tpu.memory_space<semaphore_mem>>
      %dma_wait3A_100 = arith.constant 0 : i32
      %dma_wait3A_101 = arith.constant 0 : i32
      %dma_wait3A_102 = tpu.memref_slice %arg7[%dma_wait3A_89, %dma_wait3A_100, %dma_wait3A_101] : memref<2x128x128xf32, #tpu.memory_space<vmem>> -> memref<1x128x128xf32, #tpu.memory_space<vmem>>
      %dma_wait3A_103 = tpu.memref_squeeze %dma_wait3A_102 : memref<1x128x128xf32, #tpu.memory_space<vmem>> -> memref<128x128xf32, #tpu.memory_space<vmem>>
      %dma_wait3A_104 = arith.constant 0 : i32
      %dma_wait3A_105 = arith.constant 0 : i32
      %dma_wait3A_106 = tpu.memref_slice %arg2[%dma_wait3A_104, %dma_wait3A_105] : memref<500000x128xf32, #tpu.memory_space<hbm>> -> memref<128x128xf32, #tpu.memory_space<hbm>>
      tpu.wait_dma2 semaphore(%dma_wait3A_99 : memref<!tpu.dma_semaphore, #tpu.memory_space<semaphore_mem>>) src(%dma_wait3A_106 : memref<128x128xf32, #tpu.memory_space<hbm>>) dst(%dma_wait3A_103 : memref<128x128xf32, #tpu.memory_space<vmem>>)
      %gt3A = arith.constant 0 : i32
      %gt3A_107 = arith.cmpi sgt, %scan3A_84, %gt3A : i32
      %convert_element_type3A = arith.extui %gt3A_107 : i1 to i32
      %cond3A = arith.constant 0 : i32
      %cond3A_108 = arith.cmpi ne, %convert_element_type3A, %cond3A : i32
      scf.if %cond3A_108 {
        %dma_wait3A_500 = arith.constant 0 : i32
        %dma_wait3A_501 = arith.constant 0 : i32
        %dma_wait3A_502 = arith.constant 0 : i32
        %dma_wait3A_503 = arith.constant 0 : i32
        %dma_wait3A_504 = arith.constant 0 : i32
        %dma_wait3A_505 = tpu.memref_slice %arg8[%dma_wait3A_500, %dma_wait3A_503, %dma_wait3A_504] : memref<2x64x128xf32, #tpu.memory_space<vmem>> -> memref<1x64x128xf32, #tpu.memory_space<vmem>>
        %dma_wait3A_506 = tpu.memref_squeeze %dma_wait3A_505 : memref<1x64x128xf32, #tpu.memory_space<vmem>> -> memref<64x128xf32, #tpu.memory_space<vmem>>
        %dma_wait3A_507 = arith.constant 0 : i32
        %dma_wait3A_508 = arith.constant 0 : i32
        %dma_wait3A_509 = tpu.memref_slice %arg4[%dma_wait3A_501, %dma_wait3A_507, %dma_wait3A_508] : memref<200x64x1024xf32, #tpu.memory_space<hbm>> -> memref<1x64x128xf32, #tpu.memory_space<hbm>>
        %dma_wait3A_510 = tpu.memref_squeeze %dma_wait3A_509 : memref<1x64x128xf32, #tpu.memory_space<hbm>> -> memref<64x128xf32, #tpu.memory_space<hbm>>
        %dma_wait3A_511 = tpu.memref_slice %arg10[%dma_wait3A_502] : memref<2x!tpu.dma_semaphore, #tpu.memory_space<semaphore_mem>> -> memref<1x!tpu.dma_semaphore, #tpu.memory_space<semaphore_mem>>
        %dma_wait3A_512 = tpu.memref_squeeze %dma_wait3A_511 : memref<1x!tpu.dma_semaphore, #tpu.memory_space<semaphore_mem>> -> memref<!tpu.dma_semaphore, #tpu.memory_space<semaphore_mem>>
        %dma_wait3A_513 = arith.constant 0 : i32
        %dma_wait3A_514 = arith.constant 0 : i32
        %dma_wait3A_515 = tpu.memref_slice %arg4[%dma_wait3A_501, %dma_wait3A_513, %dma_wait3A_514] : memref<200x64x1024xf32, #tpu.memory_space<hbm>> -> memref<1x64x128xf32, #tpu.memory_space<hbm>>
        %dma_wait3A_516 = tpu.memref_squeeze %dma_wait3A_515 : memref<1x64x128xf32, #tpu.memory_space<hbm>> -> memref<64x128xf32, #tpu.memory_space<hbm>>
        %dma_wait3A_517 = arith.constant 0 : i32
        %dma_wait3A_518 = arith.constant 0 : i32
        %dma_wait3A_519 = tpu.memref_slice %arg8[%dma_wait3A_500, %dma_wait3A_517, %dma_wait3A_518] : memref<2x64x128xf32, #tpu.memory_space<vmem>> -> memref<1x64x128xf32, #tpu.memory_space<vmem>>
        %dma_wait3A_520 = tpu.memref_squeeze %dma_wait3A_519 : memref<1x64x128xf32, #tpu.memory_space<vmem>> -> memref<64x128xf32, #tpu.memory_space<vmem>>
        tpu.wait_dma2 semaphore(%dma_wait3A_512 : memref<!tpu.dma_semaphore, #tpu.memory_space<semaphore_mem>>) src(%dma_wait3A_520 : memref<64x128xf32, #tpu.memory_space<vmem>>) dst(%dma_wait3A_516 : memref<64x128xf32, #tpu.memory_space<hbm>>)
      } else {
      }
      %add3A_109 = arith.constant 0 : i32
      %add3A_110 = vector.broadcast %add3A_109 : i32 to vector<16xi32>
      %add3A_111 = arith.addi %iota3A, %add3A_110 : vector<16xi32>
      %get3A = arith.index_cast %add3A_88 : i32 to index
      %get3A_112 = arith.constant 0 : index
      %get3A_113 = tpu.vector_load %arg5[%get3A, %get3A_112] {strides = array<i32>} : memref<50x128xi32, #tpu.memory_space<vmem>>, vector<16xi32>,
      %and3A = arith.constant 1 : i32
      %and3A_114 = vector.broadcast %and3A : i32 to vector<16xi32>
      %and3A_115 = arith.andi %get3A_113, %and3A_114 : vector<16xi32>
      %mul3A_116 = arith.constant 64 : i32
      %mul3A_117 = vector.broadcast %mul3A_116 : i32 to vector<16xi32>
      %mul3A_118 = arith.muli %and3A_115, %mul3A_117 : vector<16xi32>
      %parallel_loop3A = arith.constant 0 : i32
      %parallel_loop3A_119 = arith.constant 64 : i32
      %parallel_loop3A_120 = arith.constant 1 : i32
      scf.for %parallel_loop3A_500 = %parallel_loop3A to %parallel_loop3A_119 step %parallel_loop3A_120  : i32 {
        %parallel_loop3A_501 = vector.broadcast %parallel_loop3A_500 : i32 to vector<16xi32>
        %parallel_loop3A_502 = arith.addi %mul3A_118, %parallel_loop3A_501 : vector<16xi32>
        %parallel_loop3A_503 = arith.constant 0 : i32
        %parallel_loop3A_504 = arith.constant 0 : i32
        %parallel_loop3A_505 = arith.constant 0 : i32
        %parallel_loop3A_506 = tpu.memref_slice %arg7[%parallel_loop3A_503, %parallel_loop3A_504, %parallel_loop3A_505] : memref<2x128x128xf32, #tpu.memory_space<vmem>> -> memref<1x128x128xf32, #tpu.memory_space<vmem>>
        %parallel_loop3A_507 = tpu.memref_squeeze %parallel_loop3A_506 : memref<1x128x128xf32, #tpu.memory_space<vmem>> -> memref<128x128xf32, #tpu.memory_space<vmem>>
        %parallel_loop3A_508 = tpu.vector_load_idx %parallel_loop3A_507[%add3A_111, %parallel_loop3A_502] : memref<128x128xf32, #tpu.memory_space<vmem>>[vector<16xi32>, vector<16xi32>], vector<16xf32>,
        %parallel_loop3A_509 = arith.constant 0 : i32
        %parallel_loop3A_510 = arith.index_cast %parallel_loop3A_509 : i32 to index
        %parallel_loop3A_511 = arith.index_cast %parallel_loop3A_500 : i32 to index
        %parallel_loop3A_512 = arith.constant 0 : index
        %parallel_loop3A_513 = tpu.vector_load %arg8[%parallel_loop3A_510, %parallel_loop3A_511, %parallel_loop3A_512] {strides = array<i32>} : memref<2x64x128xf32, #tpu.memory_space<vmem>>, vector<16xf32>,
        tpu.vector_store %arg8[%parallel_loop3A_510, %parallel_loop3A_511, %parallel_loop3A_512], %parallel_loop3A_508 {strides = array<i32>} : memref<2x64x128xf32, #tpu.memory_space<vmem>>, vector<16xf32>,
      } {sc.loop_unroll_factor = 8 : i64, sc.parallel_access}
      %add3A_121 = arith.constant 16 : i32
      %add3A_122 = vector.broadcast %add3A_121 : i32 to vector<16xi32>
      %add3A_123 = arith.addi %iota3A, %add3A_122 : vector<16xi32>
      %get3A_124 = arith.index_cast %add3A_88 : i32 to index
      %get3A_125 = arith.constant 16 : index
      %get3A_126 = tpu.vector_load %arg5[%get3A_124, %get3A_125] {strides = array<i32>} : memref<50x128xi32, #tpu.memory_space<vmem>>, vector<16xi32>,
      %and3A_127 = arith.constant 1 : i32
      %and3A_128 = vector.broadcast %and3A_127 : i32 to vector<16xi32>
      %and3A_129 = arith.andi %get3A_126, %and3A_128 : vector<16xi32>
      %mul3A_130 = arith.constant 64 : i32
      %mul3A_131 = vector.broadcast %mul3A_130 : i32 to vector<16xi32>
      %mul3A_132 = arith.muli %and3A_129, %mul3A_131 : vector<16xi32>
      %parallel_loop3A_133 = arith.constant 0 : i32
      %parallel_loop3A_134 = arith.constant 64 : i32
      %parallel_loop3A_135 = arith.constant 1 : i32
      scf.for %parallel_loop3A_500 = %parallel_loop3A_133 to %parallel_loop3A_134 step %parallel_loop3A_135  : i32 {
        %parallel_loop3A_501 = vector.broadcast %parallel_loop3A_500 : i32 to vector<16xi32>
        %parallel_loop3A_502 = arith.addi %mul3A_132, %parallel_loop3A_501 : vector<16xi32>
        %parallel_loop3A_503 = arith.constant 0 : i32
        %parallel_loop3A_504 = arith.constant 0 : i32
        %parallel_loop3A_505 = arith.constant 0 : i32
        %parallel_loop3A_506 = tpu.memref_slice %arg7[%parallel_loop3A_503, %parallel_loop3A_504, %parallel_loop3A_505] : memref<2x128x128xf32, #tpu.memory_space<vmem>> -> memref<1x128x128xf32, #tpu.memory_space<vmem>>
        %parallel_loop3A_507 = tpu.memref_squeeze %parallel_loop3A_506 : memref<1x128x128xf32, #tpu.memory_space<vmem>> -> memref<128x128xf32, #tpu.memory_space<vmem>>
        %parallel_loop3A_508 = tpu.vector_load_idx %parallel_loop3A_507[%add3A_123, %parallel_loop3A_502] : memref<128x128xf32, #tpu.memory_space<vmem>>[vector<16xi32>, vector<16xi32>], vector<16xf32>,
        %parallel_loop3A_509 = arith.constant 0 : i32
        %parallel_loop3A_510 = arith.index_cast %parallel_loop3A_509 : i32 to index
        %parallel_loop3A_511 = arith.index_cast %parallel_loop3A_500 : i32 to index
        %parallel_loop3A_512 = arith.constant 16 : index
        %parallel_loop3A_513 = tpu.vector_load %arg8[%parallel_loop3A_510, %parallel_loop3A_511, %parallel_loop3A_512] {strides = array<i32>} : memref<2x64x128xf32, #tpu.memory_space<vmem>>, vector<16xf32>,
        tpu.vector_store %arg8[%parallel_loop3A_510, %parallel_loop3A_511, %parallel_loop3A_512], %parallel_loop3A_508 {strides = array<i32>} : memref<2x64x128xf32, #tpu.memory_space<vmem>>, vector<16xf32>,
      } {sc.loop_unroll_factor = 8 : i64, sc.parallel_access}
      %add3A_136 = arith.constant 32 : i32
      %add3A_137 = vector.broadcast %add3A_136 : i32 to vector<16xi32>
      %add3A_138 = arith.addi %iota3A, %add3A_137 : vector<16xi32>
      %get3A_139 = arith.index_cast %add3A_88 : i32 to index
      %get3A_140 = arith.constant 32 : index
      %get3A_141 = tpu.vector_load %arg5[%get3A_139, %get3A_140] {strides = array<i32>} : memref<50x128xi32, #tpu.memory_space<vmem>>, vector<16xi32>,
      %and3A_142 = arith.constant 1 : i32
      %and3A_143 = vector.broadcast %and3A_142 : i32 to vector<16xi32>
      %and3A_144 = arith.andi %get3A_141, %and3A_143 : vector<16xi32>
      %mul3A_145 = arith.constant 64 : i32
      %mul3A_146 = vector.broadcast %mul3A_145 : i32 to vector<16xi32>
      %mul3A_147 = arith.muli %and3A_144, %mul3A_146 : vector<16xi32>
      %parallel_loop3A_148 = arith.constant 0 : i32
      %parallel_loop3A_149 = arith.constant 64 : i32
      %parallel_loop3A_150 = arith.constant 1 : i32
      scf.for %parallel_loop3A_500 = %parallel_loop3A_148 to %parallel_loop3A_149 step %parallel_loop3A_150  : i32 {
        %parallel_loop3A_501 = vector.broadcast %parallel_loop3A_500 : i32 to vector<16xi32>
        %parallel_loop3A_502 = arith.addi %mul3A_147, %parallel_loop3A_501 : vector<16xi32>
        %parallel_loop3A_503 = arith.constant 0 : i32
        %parallel_loop3A_504 = arith.constant 0 : i32
        %parallel_loop3A_505 = arith.constant 0 : i32
        %parallel_loop3A_506 = tpu.memref_slice %arg7[%parallel_loop3A_503, %parallel_loop3A_504, %parallel_loop3A_505] : memref<2x128x128xf32, #tpu.memory_space<vmem>> -> memref<1x128x128xf32, #tpu.memory_space<vmem>>
        %parallel_loop3A_507 = tpu.memref_squeeze %parallel_loop3A_506 : memref<1x128x128xf32, #tpu.memory_space<vmem>> -> memref<128x128xf32, #tpu.memory_space<vmem>>
        %parallel_loop3A_508 = tpu.vector_load_idx %parallel_loop3A_507[%add3A_138, %parallel_loop3A_502] : memref<128x128xf32, #tpu.memory_space<vmem>>[vector<16xi32>, vector<16xi32>], vector<16xf32>,
        %parallel_loop3A_509 = arith.constant 0 : i32
        %parallel_loop3A_510 = arith.index_cast %parallel_loop3A_509 : i32 to index
        %parallel_loop3A_511 = arith.index_cast %parallel_loop3A_500 : i32 to index
        %parallel_loop3A_512 = arith.constant 32 : index
        %parallel_loop3A_513 = tpu.vector_load %arg8[%parallel_loop3A_510, %parallel_loop3A_511, %parallel_loop3A_512] {strides = array<i32>} : memref<2x64x128xf32, #tpu.memory_space<vmem>>, vector<16xf32>,
        tpu.vector_store %arg8[%parallel_loop3A_510, %parallel_loop3A_511, %parallel_loop3A_512], %parallel_loop3A_508 {strides = array<i32>} : memref<2x64x128xf32, #tpu.memory_space<vmem>>, vector<16xf32>,
      } {sc.loop_unroll_factor = 8 : i64, sc.parallel_access}
      %add3A_151 = arith.constant 48 : i32
      %add3A_152 = vector.broadcast %add3A_151 : i32 to vector<16xi32>
      %add3A_153 = arith.addi %iota3A, %add3A_152 : vector<16xi32>
      %get3A_154 = arith.index_cast %add3A_88 : i32 to index
      %get3A_155 = arith.constant 48 : index
      %get3A_156 = tpu.vector_load %arg5[%get3A_154, %get3A_155] {strides = array<i32>} : memref<50x128xi32, #tpu.memory_space<vmem>>, vector<16xi32>,
      %and3A_157 = arith.constant 1 : i32
      %and3A_158 = vector.broadcast %and3A_157 : i32 to vector<16xi32>
      %and3A_159 = arith.andi %get3A_156, %and3A_158 : vector<16xi32>
      %mul3A_160 = arith.constant 64 : i32
      %mul3A_161 = vector.broadcast %mul3A_160 : i32 to vector<16xi32>
      %mul3A_162 = arith.muli %and3A_159, %mul3A_161 : vector<16xi32>
      %parallel_loop3A_163 = arith.constant 0 : i32
      %parallel_loop3A_164 = arith.constant 64 : i32
      %parallel_loop3A_165 = arith.constant 1 : i32
      scf.for %parallel_loop3A_500 = %parallel_loop3A_163 to %parallel_loop3A_164 step %parallel_loop3A_165  : i32 {
        %parallel_loop3A_501 = vector.broadcast %parallel_loop3A_500 : i32 to vector<16xi32>
        %parallel_loop3A_502 = arith.addi %mul3A_162, %parallel_loop3A_501 : vector<16xi32>
        %parallel_loop3A_503 = arith.constant 0 : i32
        %parallel_loop3A_504 = arith.constant 0 : i32
        %parallel_loop3A_505 = arith.constant 0 : i32
        %parallel_loop3A_506 = tpu.memref_slice %arg7[%parallel_loop3A_503, %parallel_loop3A_504, %parallel_loop3A_505] : memref<2x128x128xf32, #tpu.memory_space<vmem>> -> memref<1x128x128xf32, #tpu.memory_space<vmem>>
        %parallel_loop3A_507 = tpu.memref_squeeze %parallel_loop3A_506 : memref<1x128x128xf32, #tpu.memory_space<vmem>> -> memref<128x128xf32, #tpu.memory_space<vmem>>
        %parallel_loop3A_508 = tpu.vector_load_idx %parallel_loop3A_507[%add3A_153, %parallel_loop3A_502] : memref<128x128xf32, #tpu.memory_space<vmem>>[vector<16xi32>, vector<16xi32>], vector<16xf32>,
        %parallel_loop3A_509 = arith.constant 0 : i32
        %parallel_loop3A_510 = arith.index_cast %parallel_loop3A_509 : i32 to index
        %parallel_loop3A_511 = arith.index_cast %parallel_loop3A_500 : i32 to index
        %parallel_loop3A_512 = arith.constant 48 : index
        %parallel_loop3A_513 = tpu.vector_load %arg8[%parallel_loop3A_510, %parallel_loop3A_511, %parallel_loop3A_512] {strides = array<i32>} : memref<2x64x128xf32, #tpu.memory_space<vmem>>, vector<16xf32>,
        tpu.vector_store %arg8[%parallel_loop3A_510, %parallel_loop3A_511, %parallel_loop3A_512], %parallel_loop3A_508 {strides = array<i32>} : memref<2x64x128xf32, #tpu.memory_space<vmem>>, vector<16xf32>,
      } {sc.loop_unroll_factor = 8 : i64, sc.parallel_access}
      %add3A_166 = arith.constant 64 : i32
      %add3A_167 = vector.broadcast %add3A_166 : i32 to vector<16xi32>
      %add3A_168 = arith.addi %iota3A, %add3A_167 : vector<16xi32>
      %get3A_169 = arith.index_cast %add3A_88 : i32 to index
      %get3A_170 = arith.constant 64 : index
      %get3A_171 = tpu.vector_load %arg5[%get3A_169, %get3A_170] {strides = array<i32>} : memref<50x128xi32, #tpu.memory_space<vmem>>, vector<16xi32>,
      %and3A_172 = arith.constant 1 : i32
      %and3A_173 = vector.broadcast %and3A_172 : i32 to vector<16xi32>
      %and3A_174 = arith.andi %get3A_171, %and3A_173 : vector<16xi32>
      %mul3A_175 = arith.constant 64 : i32
      %mul3A_176 = vector.broadcast %mul3A_175 : i32 to vector<16xi32>
      %mul3A_177 = arith.muli %and3A_174, %mul3A_176 : vector<16xi32>
      %parallel_loop3A_178 = arith.constant 0 : i32
      %parallel_loop3A_179 = arith.constant 64 : i32
      %parallel_loop3A_180 = arith.constant 1 : i32
      scf.for %parallel_loop3A_500 = %parallel_loop3A_178 to %parallel_loop3A_179 step %parallel_loop3A_180  : i32 {
        %parallel_loop3A_501 = vector.broadcast %parallel_loop3A_500 : i32 to vector<16xi32>
        %parallel_loop3A_502 = arith.addi %mul3A_177, %parallel_loop3A_501 : vector<16xi32>
        %parallel_loop3A_503 = arith.constant 0 : i32
        %parallel_loop3A_504 = arith.constant 0 : i32
        %parallel_loop3A_505 = arith.constant 0 : i32
        %parallel_loop3A_506 = tpu.memref_slice %arg7[%parallel_loop3A_503, %parallel_loop3A_504, %parallel_loop3A_505] : memref<2x128x128xf32, #tpu.memory_space<vmem>> -> memref<1x128x128xf32, #tpu.memory_space<vmem>>
        %parallel_loop3A_507 = tpu.memref_squeeze %parallel_loop3A_506 : memref<1x128x128xf32, #tpu.memory_space<vmem>> -> memref<128x128xf32, #tpu.memory_space<vmem>>
        %parallel_loop3A_508 = tpu.vector_load_idx %parallel_loop3A_507[%add3A_168, %parallel_loop3A_502] : memref<128x128xf32, #tpu.memory_space<vmem>>[vector<16xi32>, vector<16xi32>], vector<16xf32>,
        %parallel_loop3A_509 = arith.constant 0 : i32
        %parallel_loop3A_510 = arith.index_cast %parallel_loop3A_509 : i32 to index
        %parallel_loop3A_511 = arith.index_cast %parallel_loop3A_500 : i32 to index
        %parallel_loop3A_512 = arith.constant 64 : index
        %parallel_loop3A_513 = tpu.vector_load %arg8[%parallel_loop3A_510, %parallel_loop3A_511, %parallel_loop3A_512] {strides = array<i32>} : memref<2x64x128xf32, #tpu.memory_space<vmem>>, vector<16xf32>,
        tpu.vector_store %arg8[%parallel_loop3A_510, %parallel_loop3A_511, %parallel_loop3A_512], %parallel_loop3A_508 {strides = array<i32>} : memref<2x64x128xf32, #tpu.memory_space<vmem>>, vector<16xf32>,
      } {sc.loop_unroll_factor = 8 : i64, sc.parallel_access}
      %add3A_181 = arith.constant 80 : i32
      %add3A_182 = vector.broadcast %add3A_181 : i32 to vector<16xi32>
      %add3A_183 = arith.addi %iota3A, %add3A_182 : vector<16xi32>
      %get3A_184 = arith.index_cast %add3A_88 : i32 to index
      %get3A_185 = arith.constant 80 : index
      %get3A_186 = tpu.vector_load %arg5[%get3A_184, %get3A_185] {strides = array<i32>} : memref<50x128xi32, #tpu.memory_space<vmem>>, vector<16xi32>,
      %and3A_187 = arith.constant 1 : i32
      %and3A_188 = vector.broadcast %and3A_187 : i32 to vector<16xi32>
      %and3A_189 = arith.andi %get3A_186, %and3A_188 : vector<16xi32>
      %mul3A_190 = arith.constant 64 : i32
      %mul3A_191 = vector.broadcast %mul3A_190 : i32 to vector<16xi32>
      %mul3A_192 = arith.muli %and3A_189, %mul3A_191 : vector<16xi32>
      %parallel_loop3A_193 = arith.constant 0 : i32
      %parallel_loop3A_194 = arith.constant 64 : i32
      %parallel_loop3A_195 = arith.constant 1 : i32
      scf.for %parallel_loop3A_500 = %parallel_loop3A_193 to %parallel_loop3A_194 step %parallel_loop3A_195  : i32 {
        %parallel_loop3A_501 = vector.broadcast %parallel_loop3A_500 : i32 to vector<16xi32>
        %parallel_loop3A_502 = arith.addi %mul3A_192, %parallel_loop3A_501 : vector<16xi32>
        %parallel_loop3A_503 = arith.constant 0 : i32
        %parallel_loop3A_504 = arith.constant 0 : i32
        %parallel_loop3A_505 = arith.constant 0 : i32
        %parallel_loop3A_506 = tpu.memref_slice %arg7[%parallel_loop3A_503, %parallel_loop3A_504, %parallel_loop3A_505] : memref<2x128x128xf32, #tpu.memory_space<vmem>> -> memref<1x128x128xf32, #tpu.memory_space<vmem>>
        %parallel_loop3A_507 = tpu.memref_squeeze %parallel_loop3A_506 : memref<1x128x128xf32, #tpu.memory_space<vmem>> -> memref<128x128xf32, #tpu.memory_space<vmem>>
        %parallel_loop3A_508 = tpu.vector_load_idx %parallel_loop3A_507[%add3A_183, %parallel_loop3A_502] : memref<128x128xf32, #tpu.memory_space<vmem>>[vector<16xi32>, vector<16xi32>], vector<16xf32>,
        %parallel_loop3A_509 = arith.constant 0 : i32
        %parallel_loop3A_510 = arith.index_cast %parallel_loop3A_509 : i32 to index
        %parallel_loop3A_511 = arith.index_cast %parallel_loop3A_500 : i32 to index
        %parallel_loop3A_512 = arith.constant 80 : index
        %parallel_loop3A_513 = tpu.vector_load %arg8[%parallel_loop3A_510, %parallel_loop3A_511, %parallel_loop3A_512] {strides = array<i32>} : memref<2x64x128xf32, #tpu.memory_space<vmem>>, vector<16xf32>,
        tpu.vector_store %arg8[%parallel_loop3A_510, %parallel_loop3A_511, %parallel_loop3A_512], %parallel_loop3A_508 {strides = array<i32>} : memref<2x64x128xf32, #tpu.memory_space<vmem>>, vector<16xf32>,
      } {sc.loop_unroll_factor = 8 : i64, sc.parallel_access}
      %add3A_196 = arith.constant 96 : i32
      %add3A_197 = vector.broadcast %add3A_196 : i32 to vector<16xi32>
      %add3A_198 = arith.addi %iota3A, %add3A_197 : vector<16xi32>
      %get3A_199 = arith.index_cast %add3A_88 : i32 to index
      %get3A_200 = arith.constant 96 : index
      %get3A_201 = tpu.vector_load %arg5[%get3A_199, %get3A_200] {strides = array<i32>} : memref<50x128xi32, #tpu.memory_space<vmem>>, vector<16xi32>,
      %and3A_202 = arith.constant 1 : i32
      %and3A_203 = vector.broadcast %and3A_202 : i32 to vector<16xi32>
      %and3A_204 = arith.andi %get3A_201, %and3A_203 : vector<16xi32>
      %mul3A_205 = arith.constant 64 : i32
      %mul3A_206 = vector.broadcast %mul3A_205 : i32 to vector<16xi32>
      %mul3A_207 = arith.muli %and3A_204, %mul3A_206 : vector<16xi32>
      %parallel_loop3A_208 = arith.constant 0 : i32
      %parallel_loop3A_209 = arith.constant 64 : i32
      %parallel_loop3A_210 = arith.constant 1 : i32
      scf.for %parallel_loop3A_500 = %parallel_loop3A_208 to %parallel_loop3A_209 step %parallel_loop3A_210  : i32 {
        %parallel_loop3A_501 = vector.broadcast %parallel_loop3A_500 : i32 to vector<16xi32>
        %parallel_loop3A_502 = arith.addi %mul3A_207, %parallel_loop3A_501 : vector<16xi32>
        %parallel_loop3A_503 = arith.constant 0 : i32
        %parallel_loop3A_504 = arith.constant 0 : i32
        %parallel_loop3A_505 = arith.constant 0 : i32
        %parallel_loop3A_506 = tpu.memref_slice %arg7[%parallel_loop3A_503, %parallel_loop3A_504, %parallel_loop3A_505] : memref<2x128x128xf32, #tpu.memory_space<vmem>> -> memref<1x128x128xf32, #tpu.memory_space<vmem>>
        %parallel_loop3A_507 = tpu.memref_squeeze %parallel_loop3A_506 : memref<1x128x128xf32, #tpu.memory_space<vmem>> -> memref<128x128xf32, #tpu.memory_space<vmem>>
        %parallel_loop3A_508 = tpu.vector_load_idx %parallel_loop3A_507[%add3A_198, %parallel_loop3A_502] : memref<128x128xf32, #tpu.memory_space<vmem>>[vector<16xi32>, vector<16xi32>], vector<16xf32>,
        %parallel_loop3A_509 = arith.constant 0 : i32
        %parallel_loop3A_510 = arith.index_cast %parallel_loop3A_509 : i32 to index
        %parallel_loop3A_511 = arith.index_cast %parallel_loop3A_500 : i32 to index
        %parallel_loop3A_512 = arith.constant 96 : index
        %parallel_loop3A_513 = tpu.vector_load %arg8[%parallel_loop3A_510, %parallel_loop3A_511, %parallel_loop3A_512] {strides = array<i32>} : memref<2x64x128xf32, #tpu.memory_space<vmem>>, vector<16xf32>,
        tpu.vector_store %arg8[%parallel_loop3A_510, %parallel_loop3A_511, %parallel_loop3A_512], %parallel_loop3A_508 {strides = array<i32>} : memref<2x64x128xf32, #tpu.memory_space<vmem>>, vector<16xf32>,
      } {sc.loop_unroll_factor = 8 : i64, sc.parallel_access}
      %add3A_211 = arith.constant 112 : i32
      %add3A_212 = vector.broadcast %add3A_211 : i32 to vector<16xi32>
      %add3A_213 = arith.addi %iota3A, %add3A_212 : vector<16xi32>
      %get3A_214 = arith.index_cast %add3A_88 : i32 to index
      %get3A_215 = arith.constant 112 : index
      %get3A_216 = tpu.vector_load %arg5[%get3A_214, %get3A_215] {strides = array<i32>} : memref<50x128xi32, #tpu.memory_space<vmem>>, vector<16xi32>,
      %and3A_217 = arith.constant 1 : i32
      %and3A_218 = vector.broadcast %and3A_217 : i32 to vector<16xi32>
      %and3A_219 = arith.andi %get3A_216, %and3A_218 : vector<16xi32>
      %mul3A_220 = arith.constant 64 : i32
      %mul3A_221 = vector.broadcast %mul3A_220 : i32 to vector<16xi32>
      %mul3A_222 = arith.muli %and3A_219, %mul3A_221 : vector<16xi32>
      %parallel_loop3A_223 = arith.constant 0 : i32
      %parallel_loop3A_224 = arith.constant 64 : i32
      %parallel_loop3A_225 = arith.constant 1 : i32
      scf.for %parallel_loop3A_500 = %parallel_loop3A_223 to %parallel_loop3A_224 step %parallel_loop3A_225  : i32 {
        %parallel_loop3A_501 = vector.broadcast %parallel_loop3A_500 : i32 to vector<16xi32>
        %parallel_loop3A_502 = arith.addi %mul3A_222, %parallel_loop3A_501 : vector<16xi32>
        %parallel_loop3A_503 = arith.constant 0 : i32
        %parallel_loop3A_504 = arith.constant 0 : i32
        %parallel_loop3A_505 = arith.constant 0 : i32
        %parallel_loop3A_506 = tpu.memref_slice %arg7[%parallel_loop3A_503, %parallel_loop3A_504, %parallel_loop3A_505] : memref<2x128x128xf32, #tpu.memory_space<vmem>> -> memref<1x128x128xf32, #tpu.memory_space<vmem>>
        %parallel_loop3A_507 = tpu.memref_squeeze %parallel_loop3A_506 : memref<1x128x128xf32, #tpu.memory_space<vmem>> -> memref<128x128xf32, #tpu.memory_space<vmem>>
        %parallel_loop3A_508 = tpu.vector_load_idx %parallel_loop3A_507[%add3A_213, %parallel_loop3A_502] : memref<128x128xf32, #tpu.memory_space<vmem>>[vector<16xi32>, vector<16xi32>], vector<16xf32>,
        %parallel_loop3A_509 = arith.constant 0 : i32
        %parallel_loop3A_510 = arith.index_cast %parallel_loop3A_509 : i32 to index
        %parallel_loop3A_511 = arith.index_cast %parallel_loop3A_500 : i32 to index
        %parallel_loop3A_512 = arith.constant 112 : index
        %parallel_loop3A_513 = tpu.vector_load %arg8[%parallel_loop3A_510, %parallel_loop3A_511, %parallel_loop3A_512] {strides = array<i32>} : memref<2x64x128xf32, #tpu.memory_space<vmem>>, vector<16xf32>,
        tpu.vector_store %arg8[%parallel_loop3A_510, %parallel_loop3A_511, %parallel_loop3A_512], %parallel_loop3A_508 {strides = array<i32>} : memref<2x64x128xf32, #tpu.memory_space<vmem>>, vector<16xf32>,
      } {sc.loop_unroll_factor = 8 : i64, sc.parallel_access}
      %add3A_226 = arith.addi %mul3A_2, %add3A_88 : i32
      %jit3A = arith.constant 8 : i32
      %div3A = arith.divsi %add3A_226, %jit3A : i32
      %sign3A = arith.constant 0 : i32
      %sign3A_227 = arith.cmpi sgt, %add3A_226, %sign3A : i32
      %sign3A_228 = arith.extui %sign3A_227 : i1 to i32
      %sign3A_229 = arith.constant 0 : i32
      %sign3A_230 = arith.cmpi slt, %add3A_226, %sign3A_229 : i32
      %sign3A_231 = arith.extui %sign3A_230 : i1 to i32
      %sign3A_232 = arith.subi %sign3A_228, %sign3A_231 : i32
      %sign3A_233 = arith.constant 0 : i32
      %sign3A_234 = arith.cmpi sgt, %jit3A, %sign3A_233 : i32
      %sign3A_235 = arith.extui %sign3A_234 : i1 to i32
      %sign3A_236 = arith.constant 0 : i32
      %sign3A_237 = arith.cmpi slt, %jit3A, %sign3A_236 : i32
      %sign3A_238 = arith.extui %sign3A_237 : i1 to i32
      %sign3A_239 = arith.subi %sign3A_235, %sign3A_238 : i32
      %ne3A = arith.cmpi ne, %sign3A_232, %sign3A_239 : i32
      %rem3A = arith.remsi %add3A_226, %jit3A : i32
      %ne3A_240 = arith.constant 0 : i32
      %ne3A_241 = arith.cmpi ne, %rem3A, %ne3A_240 : i32
      %and3A_242 = arith.andi %ne3A, %ne3A_241 : i1
      %sub3A = arith.constant 1 : i32
      %sub3A_243 = arith.subi %div3A, %sub3A : i32
      %select_n3A = arith.select %and3A_242, %sub3A_243, %div3A : i32
      %jit3A_244 = arith.constant 8 : i32
      %eq3A = arith.constant 0 : i32
      %eq3A_245 = arith.cmpi eq, %jit3A_244, %eq3A : i32
      %jit3A_246 = arith.constant 1 : i32
      %select_n3A_247 = arith.select %eq3A_245, %jit3A_246, %jit3A_244 : i32
      %rem3A_248 = arith.remsi %add3A_226, %select_n3A_247 : i32
      %ne3A_249 = arith.constant 0 : i32
      %ne3A_250 = arith.cmpi ne, %rem3A_248, %ne3A_249 : i32
      %lt3A = arith.constant 0 : i32
      %lt3A_251 = arith.cmpi slt, %rem3A_248, %lt3A : i32
      %lt3A_252 = arith.constant 0 : i32
      %lt3A_253 = arith.cmpi slt, %select_n3A_247, %lt3A_252 : i32
      %ne3A_254 = arith.xori %lt3A_251, %lt3A_253 : i1
      %and3A_255 = arith.andi %ne3A_254, %ne3A_250 : i1
      %add3A_256 = arith.addi %rem3A_248, %select_n3A_247 : i32
      %select_n3A_257 = arith.select %and3A_255, %add3A_256, %rem3A_248 : i32
      %mul3A_258 = arith.constant 128 : i32
      %mul3A_259 = arith.muli %select_n3A_257, %mul3A_258 : i32
      %dma_start3A_260 = arith.constant 0 : i32
      %dma_start3A_261 = arith.constant 0 : i32
      %dma_start3A_262 = arith.constant 0 : i32
      %dma_start3A_263 = arith.constant 0 : i32
      %dma_start3A_264 = tpu.memref_slice %arg8[%dma_start3A_260, %dma_start3A_262, %dma_start3A_263] : memref<2x64x128xf32, #tpu.memory_space<vmem>> -> memref<1x64x128xf32, #tpu.memory_space<vmem>>
      %dma_start3A_265 = tpu.memref_squeeze %dma_start3A_264 : memref<1x64x128xf32, #tpu.memory_space<vmem>> -> memref<64x128xf32, #tpu.memory_space<vmem>>
      %dma_start3A_266 = arith.constant 0 : i32
      %dma_start3A_267 = tpu.memref_slice %arg4[%select_n3A, %dma_start3A_266, %mul3A_259] : memref<200x64x1024xf32, #tpu.memory_space<hbm>> -> memref<1x64x128xf32, #tpu.memory_space<hbm>>
      %dma_start3A_268 = tpu.memref_squeeze %dma_start3A_267 : memref<1x64x128xf32, #tpu.memory_space<hbm>> -> memref<64x128xf32, #tpu.memory_space<hbm>>
      %dma_start3A_269 = tpu.memref_slice %arg10[%dma_start3A_261] : memref<2x!tpu.dma_semaphore, #tpu.memory_space<semaphore_mem>> -> memref<1x!tpu.dma_semaphore, #tpu.memory_space<semaphore_mem>>
      %dma_start3A_270 = tpu.memref_squeeze %dma_start3A_269 : memref<1x!tpu.dma_semaphore, #tpu.memory_space<semaphore_mem>> -> memref<!tpu.dma_semaphore, #tpu.memory_space<semaphore_mem>>
      %dma_start3A_271 = arith.constant 0 : i32
      %dma_start3A_272 = tpu.memref_slice %arg4[%select_n3A, %dma_start3A_271, %mul3A_259] : memref<200x64x1024xf32, #tpu.memory_space<hbm>> -> memref<1x64x128xf32, #tpu.memory_space<hbm>>
      %dma_start3A_273 = tpu.memref_squeeze %dma_start3A_272 : memref<1x64x128xf32, #tpu.memory_space<hbm>> -> memref<64x128xf32, #tpu.memory_space<hbm>>
      %dma_start3A_274 = arith.constant 0 : i32
      %dma_start3A_275 = arith.constant 0 : i32
      %dma_start3A_276 = tpu.memref_slice %arg8[%dma_start3A_260, %dma_start3A_274, %dma_start3A_275] : memref<2x64x128xf32, #tpu.memory_space<vmem>> -> memref<1x64x128xf32, #tpu.memory_space<vmem>>
      %dma_start3A_277 = tpu.memref_squeeze %dma_start3A_276 : memref<1x64x128xf32, #tpu.memory_space<vmem>> -> memref<64x128xf32, #tpu.memory_space<vmem>>
      tpu.enqueue_dma source(%dma_start3A_277 : memref<64x128xf32, #tpu.memory_space<vmem>>) target(%dma_start3A_273 : memref<64x128xf32, #tpu.memory_space<hbm>>) target_semaphore(%dma_start3A_270 : memref<!tpu.dma_semaphore, #tpu.memory_space<semaphore_mem>>)
      %add3A_278 = arith.constant 1 : i32
      %add3A_279 = arith.addi %scan3A_84, %add3A_278 : i32
      %lt3A_280 = arith.constant 25 : i32
      %lt3A_281 = arith.cmpi slt, %add3A_279, %lt3A_280 : i32
      %convert_element_type3A_282 = arith.extui %lt3A_281 : i1 to i32
      %cond3A_283 = arith.constant 0 : i32
      %cond3A_284 = arith.cmpi ne, %convert_element_type3A_282, %cond3A_283 : i32
      scf.if %cond3A_284 {
        %add3A_500 = arith.constant 2 : i32
        %add3A_501 = arith.addi %add3A_88, %add3A_500 : i32
        %dma_start3A_502 = arith.constant 0 : i32
        %dma_start3A_503 = arith.constant 0 : i32
        %dma_start3A_504 = arith.constant 0 : i32
        %dma_start3A_505 = arith.constant 0 : i32
        %dma_start3A_506 = tpu.memref_slice %arg7[%dma_start3A_502, %dma_start3A_504, %dma_start3A_505] : memref<2x128x128xf32, #tpu.memory_space<vmem>> -> memref<1x128x128xf32, #tpu.memory_space<vmem>>
        %dma_start3A_507 = tpu.memref_squeeze %dma_start3A_506 : memref<1x128x128xf32, #tpu.memory_space<vmem>> -> memref<128x128xf32, #tpu.memory_space<vmem>>
        %dma_start3A_508 = arith.constant 0 : i32
        %dma_start3A_509 = tpu.memref_slice %arg6[%add3A_501, %dma_start3A_508] : memref<50x128xi32, #tpu.memory_space<vmem>> -> memref<1x128xi32, #tpu.memory_space<vmem>>
        %dma_start3A_510 = tpu.memref_squeeze %dma_start3A_509 : memref<1x128xi32, #tpu.memory_space<vmem>> -> memref<128xi32, #tpu.memory_space<vmem>>
        %dma_start3A_511 = arith.constant 0 : i32
        %dma_start3A_512 = arith.constant 0 : i32
        %dma_start3A_513 = tpu.memref_slice %arg2[%dma_start3A_511, %dma_start3A_512] : memref<500000x128xf32, #tpu.memory_space<hbm>> -> memref<500000x128xf32, #tpu.memory_space<hbm>>
        %dma_start3A_514 = tpu.memref_slice %arg9[%dma_start3A_503] : memref<2x!tpu.dma_semaphore, #tpu.memory_space<semaphore_mem>> -> memref<1x!tpu.dma_semaphore, #tpu.memory_space<semaphore_mem>>
        %dma_start3A_515 = tpu.memref_squeeze %dma_start3A_514 : memref<1x!tpu.dma_semaphore, #tpu.memory_space<semaphore_mem>> -> memref<!tpu.dma_semaphore, #tpu.memory_space<semaphore_mem>>
        tpu.enqueue_indirect_dma source(%dma_start3A_513 : memref<500000x128xf32, #tpu.memory_space<hbm>>) target(%dma_start3A_507 : memref<128x128xf32, #tpu.memory_space<vmem>>) offsets(%dma_start3A_510 : memref<128xi32, #tpu.memory_space<vmem>>) semaphore(%dma_start3A_515 : memref<!tpu.dma_semaphore, #tpu.memory_space<semaphore_mem>>)
      } else {
      }
      %mul3A_285 = arith.constant 2 : i32
      %mul3A_286 = arith.muli %scan3A_84, %mul3A_285 : i32
      %add3A_287 = arith.constant 1 : i32
      %add3A_288 = arith.addi %mul3A_286, %add3A_287 : i32
      %dma_wait3A_289 = arith.constant 1 : i32
      %dma_wait3A_290 = arith.constant 1 : i32
      %dma_wait3A_291 = arith.constant 0 : i32
      %dma_wait3A_292 = arith.constant 0 : i32
      %dma_wait3A_293 = tpu.memref_slice %arg7[%dma_wait3A_289, %dma_wait3A_291, %dma_wait3A_292] : memref<2x128x128xf32, #tpu.memory_space<vmem>> -> memref<1x128x128xf32, #tpu.memory_space<vmem>>
      %dma_wait3A_294 = tpu.memref_squeeze %dma_wait3A_293 : memref<1x128x128xf32, #tpu.memory_space<vmem>> -> memref<128x128xf32, #tpu.memory_space<vmem>>
      %dma_wait3A_295 = arith.constant 0 : i32
      %dma_wait3A_296 = arith.constant 0 : i32
      %dma_wait3A_297 = tpu.memref_slice %arg2[%dma_wait3A_295, %dma_wait3A_296] : memref<500000x128xf32, #tpu.memory_space<hbm>> -> memref<128x128xf32, #tpu.memory_space<hbm>>
      %dma_wait3A_298 = tpu.memref_slice %arg9[%dma_wait3A_290] : memref<2x!tpu.dma_semaphore, #tpu.memory_space<semaphore_mem>> -> memref<1x!tpu.dma_semaphore, #tpu.memory_space<semaphore_mem>>
      %dma_wait3A_299 = tpu.memref_squeeze %dma_wait3A_298 : memref<1x!tpu.dma_semaphore, #tpu.memory_space<semaphore_mem>> -> memref<!tpu.dma_semaphore, #tpu.memory_space<semaphore_mem>>
      %dma_wait3A_300 = arith.constant 0 : i32
      %dma_wait3A_301 = arith.constant 0 : i32
      %dma_wait3A_302 = tpu.memref_slice %arg7[%dma_wait3A_289, %dma_wait3A_300, %dma_wait3A_301] : memref<2x128x128xf32, #tpu.memory_space<vmem>> -> memref<1x128x128xf32, #tpu.memory_space<vmem>>
      %dma_wait3A_303 = tpu.memref_squeeze %dma_wait3A_302 : memref<1x128x128xf32, #tpu.memory_space<vmem>> -> memref<128x128xf32, #tpu.memory_space<vmem>>
      %dma_wait3A_304 = arith.constant 0 : i32
      %dma_wait3A_305 = arith.constant 0 : i32
      %dma_wait3A_306 = tpu.memref_slice %arg2[%dma_wait3A_304, %dma_wait3A_305] : memref<500000x128xf32, #tpu.memory_space<hbm>> -> memref<128x128xf32, #tpu.memory_space<hbm>>
      tpu.wait_dma2 semaphore(%dma_wait3A_299 : memref<!tpu.dma_semaphore, #tpu.memory_space<semaphore_mem>>) src(%dma_wait3A_306 : memref<128x128xf32, #tpu.memory_space<hbm>>) dst(%dma_wait3A_303 : memref<128x128xf32, #tpu.memory_space<vmem>>)
      %gt3A_307 = arith.constant 0 : i32
      %gt3A_308 = arith.cmpi sgt, %scan3A_84, %gt3A_307 : i32
      %convert_element_type3A_309 = arith.extui %gt3A_308 : i1 to i32
      %cond3A_310 = arith.constant 0 : i32
      %cond3A_311 = arith.cmpi ne, %convert_element_type3A_309, %cond3A_310 : i32
      scf.if %cond3A_311 {
        %dma_wait3A_500 = arith.constant 1 : i32
        %dma_wait3A_501 = arith.constant 0 : i32
        %dma_wait3A_502 = arith.constant 1 : i32
        %dma_wait3A_503 = arith.constant 0 : i32
        %dma_wait3A_504 = arith.constant 0 : i32
        %dma_wait3A_505 = tpu.memref_slice %arg8[%dma_wait3A_500, %dma_wait3A_503, %dma_wait3A_504] : memref<2x64x128xf32, #tpu.memory_space<vmem>> -> memref<1x64x128xf32, #tpu.memory_space<vmem>>
        %dma_wait3A_506 = tpu.memref_squeeze %dma_wait3A_505 : memref<1x64x128xf32, #tpu.memory_space<vmem>> -> memref<64x128xf32, #tpu.memory_space<vmem>>
        %dma_wait3A_507 = arith.constant 0 : i32
        %dma_wait3A_508 = arith.constant 0 : i32
        %dma_wait3A_509 = tpu.memref_slice %arg4[%dma_wait3A_501, %dma_wait3A_507, %dma_wait3A_508] : memref<200x64x1024xf32, #tpu.memory_space<hbm>> -> memref<1x64x128xf32, #tpu.memory_space<hbm>>
        %dma_wait3A_510 = tpu.memref_squeeze %dma_wait3A_509 : memref<1x64x128xf32, #tpu.memory_space<hbm>> -> memref<64x128xf32, #tpu.memory_space<hbm>>
        %dma_wait3A_511 = tpu.memref_slice %arg10[%dma_wait3A_502] : memref<2x!tpu.dma_semaphore, #tpu.memory_space<semaphore_mem>> -> memref<1x!tpu.dma_semaphore, #tpu.memory_space<semaphore_mem>>
        %dma_wait3A_512 = tpu.memref_squeeze %dma_wait3A_511 : memref<1x!tpu.dma_semaphore, #tpu.memory_space<semaphore_mem>> -> memref<!tpu.dma_semaphore, #tpu.memory_space<semaphore_mem>>
        %dma_wait3A_513 = arith.constant 0 : i32
        %dma_wait3A_514 = arith.constant 0 : i32
        %dma_wait3A_515 = tpu.memref_slice %arg4[%dma_wait3A_501, %dma_wait3A_513, %dma_wait3A_514] : memref<200x64x1024xf32, #tpu.memory_space<hbm>> -> memref<1x64x128xf32, #tpu.memory_space<hbm>>
        %dma_wait3A_516 = tpu.memref_squeeze %dma_wait3A_515 : memref<1x64x128xf32, #tpu.memory_space<hbm>> -> memref<64x128xf32, #tpu.memory_space<hbm>>
        %dma_wait3A_517 = arith.constant 0 : i32
        %dma_wait3A_518 = arith.constant 0 : i32
        %dma_wait3A_519 = tpu.memref_slice %arg8[%dma_wait3A_500, %dma_wait3A_517, %dma_wait3A_518] : memref<2x64x128xf32, #tpu.memory_space<vmem>> -> memref<1x64x128xf32, #tpu.memory_space<vmem>>
        %dma_wait3A_520 = tpu.memref_squeeze %dma_wait3A_519 : memref<1x64x128xf32, #tpu.memory_space<vmem>> -> memref<64x128xf32, #tpu.memory_space<vmem>>
        tpu.wait_dma2 semaphore(%dma_wait3A_512 : memref<!tpu.dma_semaphore, #tpu.memory_space<semaphore_mem>>) src(%dma_wait3A_520 : memref<64x128xf32, #tpu.memory_space<vmem>>) dst(%dma_wait3A_516 : memref<64x128xf32, #tpu.memory_space<hbm>>)
      } else {
      }
      %add3A_312 = arith.constant 0 : i32
      %add3A_313 = vector.broadcast %add3A_312 : i32 to vector<16xi32>
      %add3A_314 = arith.addi %iota3A, %add3A_313 : vector<16xi32>
      %get3A_315 = arith.index_cast %add3A_288 : i32 to index
      %get3A_316 = arith.constant 0 : index
      %get3A_317 = tpu.vector_load %arg5[%get3A_315, %get3A_316] {strides = array<i32>} : memref<50x128xi32, #tpu.memory_space<vmem>>, vector<16xi32>,
      %and3A_318 = arith.constant 1 : i32
      %and3A_319 = vector.broadcast %and3A_318 : i32 to vector<16xi32>
      %and3A_320 = arith.andi %get3A_317, %and3A_319 : vector<16xi32>
      %mul3A_321 = arith.constant 64 : i32
      %mul3A_322 = vector.broadcast %mul3A_321 : i32 to vector<16xi32>
      %mul3A_323 = arith.muli %and3A_320, %mul3A_322 : vector<16xi32>
      %parallel_loop3A_324 = arith.constant 0 : i32
      %parallel_loop3A_325 = arith.constant 64 : i32
      %parallel_loop3A_326 = arith.constant 1 : i32
      scf.for %parallel_loop3A_500 = %parallel_loop3A_324 to %parallel_loop3A_325 step %parallel_loop3A_326  : i32 {
        %parallel_loop3A_501 = vector.broadcast %parallel_loop3A_500 : i32 to vector<16xi32>
        %parallel_loop3A_502 = arith.addi %mul3A_323, %parallel_loop3A_501 : vector<16xi32>
        %parallel_loop3A_503 = arith.constant 1 : i32
        %parallel_loop3A_504 = arith.constant 0 : i32
        %parallel_loop3A_505 = arith.constant 0 : i32
        %parallel_loop3A_506 = tpu.memref_slice %arg7[%parallel_loop3A_503, %parallel_loop3A_504, %parallel_loop3A_505] : memref<2x128x128xf32, #tpu.memory_space<vmem>> -> memref<1x128x128xf32, #tpu.memory_space<vmem>>
        %parallel_loop3A_507 = tpu.memref_squeeze %parallel_loop3A_506 : memref<1x128x128xf32, #tpu.memory_space<vmem>> -> memref<128x128xf32, #tpu.memory_space<vmem>>
        %parallel_loop3A_508 = tpu.vector_load_idx %parallel_loop3A_507[%add3A_314, %parallel_loop3A_502] : memref<128x128xf32, #tpu.memory_space<vmem>>[vector<16xi32>, vector<16xi32>], vector<16xf32>,
        %parallel_loop3A_509 = arith.constant 1 : i32
        %parallel_loop3A_510 = arith.index_cast %parallel_loop3A_509 : i32 to index
        %parallel_loop3A_511 = arith.index_cast %parallel_loop3A_500 : i32 to index
        %parallel_loop3A_512 = arith.constant 0 : index
        %parallel_loop3A_513 = tpu.vector_load %arg8[%parallel_loop3A_510, %parallel_loop3A_511, %parallel_loop3A_512] {strides = array<i32>} : memref<2x64x128xf32, #tpu.memory_space<vmem>>, vector<16xf32>,
        tpu.vector_store %arg8[%parallel_loop3A_510, %parallel_loop3A_511, %parallel_loop3A_512], %parallel_loop3A_508 {strides = array<i32>} : memref<2x64x128xf32, #tpu.memory_space<vmem>>, vector<16xf32>,
      } {sc.loop_unroll_factor = 8 : i64, sc.parallel_access}
      %add3A_327 = arith.constant 16 : i32
      %add3A_328 = vector.broadcast %add3A_327 : i32 to vector<16xi32>
      %add3A_329 = arith.addi %iota3A, %add3A_328 : vector<16xi32>
      %get3A_330 = arith.index_cast %add3A_288 : i32 to index
      %get3A_331 = arith.constant 16 : index
      %get3A_332 = tpu.vector_load %arg5[%get3A_330, %get3A_331] {strides = array<i32>} : memref<50x128xi32, #tpu.memory_space<vmem>>, vector<16xi32>,
      %and3A_333 = arith.constant 1 : i32
      %and3A_334 = vector.broadcast %and3A_333 : i32 to vector<16xi32>
      %and3A_335 = arith.andi %get3A_332, %and3A_334 : vector<16xi32>
      %mul3A_336 = arith.constant 64 : i32
      %mul3A_337 = vector.broadcast %mul3A_336 : i32 to vector<16xi32>
      %mul3A_338 = arith.muli %and3A_335, %mul3A_337 : vector<16xi32>
      %parallel_loop3A_339 = arith.constant 0 : i32
      %parallel_loop3A_340 = arith.constant 64 : i32
      %parallel_loop3A_341 = arith.constant 1 : i32
      scf.for %parallel_loop3A_500 = %parallel_loop3A_339 to %parallel_loop3A_340 step %parallel_loop3A_341  : i32 {
        %parallel_loop3A_501 = vector.broadcast %parallel_loop3A_500 : i32 to vector<16xi32>
        %parallel_loop3A_502 = arith.addi %mul3A_338, %parallel_loop3A_501 : vector<16xi32>
        %parallel_loop3A_503 = arith.constant 1 : i32
        %parallel_loop3A_504 = arith.constant 0 : i32
        %parallel_loop3A_505 = arith.constant 0 : i32
        %parallel_loop3A_506 = tpu.memref_slice %arg7[%parallel_loop3A_503, %parallel_loop3A_504, %parallel_loop3A_505] : memref<2x128x128xf32, #tpu.memory_space<vmem>> -> memref<1x128x128xf32, #tpu.memory_space<vmem>>
        %parallel_loop3A_507 = tpu.memref_squeeze %parallel_loop3A_506 : memref<1x128x128xf32, #tpu.memory_space<vmem>> -> memref<128x128xf32, #tpu.memory_space<vmem>>
        %parallel_loop3A_508 = tpu.vector_load_idx %parallel_loop3A_507[%add3A_329, %parallel_loop3A_502] : memref<128x128xf32, #tpu.memory_space<vmem>>[vector<16xi32>, vector<16xi32>], vector<16xf32>,
        %parallel_loop3A_509 = arith.constant 1 : i32
        %parallel_loop3A_510 = arith.index_cast %parallel_loop3A_509 : i32 to index
        %parallel_loop3A_511 = arith.index_cast %parallel_loop3A_500 : i32 to index
        %parallel_loop3A_512 = arith.constant 16 : index
        %parallel_loop3A_513 = tpu.vector_load %arg8[%parallel_loop3A_510, %parallel_loop3A_511, %parallel_loop3A_512] {strides = array<i32>} : memref<2x64x128xf32, #tpu.memory_space<vmem>>, vector<16xf32>,
        tpu.vector_store %arg8[%parallel_loop3A_510, %parallel_loop3A_511, %parallel_loop3A_512], %parallel_loop3A_508 {strides = array<i32>} : memref<2x64x128xf32, #tpu.memory_space<vmem>>, vector<16xf32>,
      } {sc.loop_unroll_factor = 8 : i64, sc.parallel_access}
      %add3A_342 = arith.constant 32 : i32
      %add3A_343 = vector.broadcast %add3A_342 : i32 to vector<16xi32>
      %add3A_344 = arith.addi %iota3A, %add3A_343 : vector<16xi32>
      %get3A_345 = arith.index_cast %add3A_288 : i32 to index
      %get3A_346 = arith.constant 32 : index
      %get3A_347 = tpu.vector_load %arg5[%get3A_345, %get3A_346] {strides = array<i32>} : memref<50x128xi32, #tpu.memory_space<vmem>>, vector<16xi32>,
      %and3A_348 = arith.constant 1 : i32
      %and3A_349 = vector.broadcast %and3A_348 : i32 to vector<16xi32>
      %and3A_350 = arith.andi %get3A_347, %and3A_349 : vector<16xi32>
      %mul3A_351 = arith.constant 64 : i32
      %mul3A_352 = vector.broadcast %mul3A_351 : i32 to vector<16xi32>
      %mul3A_353 = arith.muli %and3A_350, %mul3A_352 : vector<16xi32>
      %parallel_loop3A_354 = arith.constant 0 : i32
      %parallel_loop3A_355 = arith.constant 64 : i32
      %parallel_loop3A_356 = arith.constant 1 : i32
      scf.for %parallel_loop3A_500 = %parallel_loop3A_354 to %parallel_loop3A_355 step %parallel_loop3A_356  : i32 {
        %parallel_loop3A_501 = vector.broadcast %parallel_loop3A_500 : i32 to vector<16xi32>
        %parallel_loop3A_502 = arith.addi %mul3A_353, %parallel_loop3A_501 : vector<16xi32>
        %parallel_loop3A_503 = arith.constant 1 : i32
        %parallel_loop3A_504 = arith.constant 0 : i32
        %parallel_loop3A_505 = arith.constant 0 : i32
        %parallel_loop3A_506 = tpu.memref_slice %arg7[%parallel_loop3A_503, %parallel_loop3A_504, %parallel_loop3A_505] : memref<2x128x128xf32, #tpu.memory_space<vmem>> -> memref<1x128x128xf32, #tpu.memory_space<vmem>>
        %parallel_loop3A_507 = tpu.memref_squeeze %parallel_loop3A_506 : memref<1x128x128xf32, #tpu.memory_space<vmem>> -> memref<128x128xf32, #tpu.memory_space<vmem>>
        %parallel_loop3A_508 = tpu.vector_load_idx %parallel_loop3A_507[%add3A_344, %parallel_loop3A_502] : memref<128x128xf32, #tpu.memory_space<vmem>>[vector<16xi32>, vector<16xi32>], vector<16xf32>,
        %parallel_loop3A_509 = arith.constant 1 : i32
        %parallel_loop3A_510 = arith.index_cast %parallel_loop3A_509 : i32 to index
        %parallel_loop3A_511 = arith.index_cast %parallel_loop3A_500 : i32 to index
        %parallel_loop3A_512 = arith.constant 32 : index
        %parallel_loop3A_513 = tpu.vector_load %arg8[%parallel_loop3A_510, %parallel_loop3A_511, %parallel_loop3A_512] {strides = array<i32>} : memref<2x64x128xf32, #tpu.memory_space<vmem>>, vector<16xf32>,
        tpu.vector_store %arg8[%parallel_loop3A_510, %parallel_loop3A_511, %parallel_loop3A_512], %parallel_loop3A_508 {strides = array<i32>} : memref<2x64x128xf32, #tpu.memory_space<vmem>>, vector<16xf32>,
      } {sc.loop_unroll_factor = 8 : i64, sc.parallel_access}
      %add3A_357 = arith.constant 48 : i32
      %add3A_358 = vector.broadcast %add3A_357 : i32 to vector<16xi32>
      %add3A_359 = arith.addi %iota3A, %add3A_358 : vector<16xi32>
      %get3A_360 = arith.index_cast %add3A_288 : i32 to index
      %get3A_361 = arith.constant 48 : index
      %get3A_362 = tpu.vector_load %arg5[%get3A_360, %get3A_361] {strides = array<i32>} : memref<50x128xi32, #tpu.memory_space<vmem>>, vector<16xi32>,
      %and3A_363 = arith.constant 1 : i32
      %and3A_364 = vector.broadcast %and3A_363 : i32 to vector<16xi32>
      %and3A_365 = arith.andi %get3A_362, %and3A_364 : vector<16xi32>
      %mul3A_366 = arith.constant 64 : i32
      %mul3A_367 = vector.broadcast %mul3A_366 : i32 to vector<16xi32>
      %mul3A_368 = arith.muli %and3A_365, %mul3A_367 : vector<16xi32>
      %parallel_loop3A_369 = arith.constant 0 : i32
      %parallel_loop3A_370 = arith.constant 64 : i32
      %parallel_loop3A_371 = arith.constant 1 : i32
      scf.for %parallel_loop3A_500 = %parallel_loop3A_369 to %parallel_loop3A_370 step %parallel_loop3A_371  : i32 {
        %parallel_loop3A_501 = vector.broadcast %parallel_loop3A_500 : i32 to vector<16xi32>
        %parallel_loop3A_502 = arith.addi %mul3A_368, %parallel_loop3A_501 : vector<16xi32>
        %parallel_loop3A_503 = arith.constant 1 : i32
        %parallel_loop3A_504 = arith.constant 0 : i32
        %parallel_loop3A_505 = arith.constant 0 : i32
        %parallel_loop3A_506 = tpu.memref_slice %arg7[%parallel_loop3A_503, %parallel_loop3A_504, %parallel_loop3A_505] : memref<2x128x128xf32, #tpu.memory_space<vmem>> -> memref<1x128x128xf32, #tpu.memory_space<vmem>>
        %parallel_loop3A_507 = tpu.memref_squeeze %parallel_loop3A_506 : memref<1x128x128xf32, #tpu.memory_space<vmem>> -> memref<128x128xf32, #tpu.memory_space<vmem>>
        %parallel_loop3A_508 = tpu.vector_load_idx %parallel_loop3A_507[%add3A_359, %parallel_loop3A_502] : memref<128x128xf32, #tpu.memory_space<vmem>>[vector<16xi32>, vector<16xi32>], vector<16xf32>,
        %parallel_loop3A_509 = arith.constant 1 : i32
        %parallel_loop3A_510 = arith.index_cast %parallel_loop3A_509 : i32 to index
        %parallel_loop3A_511 = arith.index_cast %parallel_loop3A_500 : i32 to index
        %parallel_loop3A_512 = arith.constant 48 : index
        %parallel_loop3A_513 = tpu.vector_load %arg8[%parallel_loop3A_510, %parallel_loop3A_511, %parallel_loop3A_512] {strides = array<i32>} : memref<2x64x128xf32, #tpu.memory_space<vmem>>, vector<16xf32>,
        tpu.vector_store %arg8[%parallel_loop3A_510, %parallel_loop3A_511, %parallel_loop3A_512], %parallel_loop3A_508 {strides = array<i32>} : memref<2x64x128xf32, #tpu.memory_space<vmem>>, vector<16xf32>,
      } {sc.loop_unroll_factor = 8 : i64, sc.parallel_access}
      %add3A_372 = arith.constant 64 : i32
      %add3A_373 = vector.broadcast %add3A_372 : i32 to vector<16xi32>
      %add3A_374 = arith.addi %iota3A, %add3A_373 : vector<16xi32>
      %get3A_375 = arith.index_cast %add3A_288 : i32 to index
      %get3A_376 = arith.constant 64 : index
      %get3A_377 = tpu.vector_load %arg5[%get3A_375, %get3A_376] {strides = array<i32>} : memref<50x128xi32, #tpu.memory_space<vmem>>, vector<16xi32>,
      %and3A_378 = arith.constant 1 : i32
      %and3A_379 = vector.broadcast %and3A_378 : i32 to vector<16xi32>
      %and3A_380 = arith.andi %get3A_377, %and3A_379 : vector<16xi32>
      %mul3A_381 = arith.constant 64 : i32
      %mul3A_382 = vector.broadcast %mul3A_381 : i32 to vector<16xi32>
      %mul3A_383 = arith.muli %and3A_380, %mul3A_382 : vector<16xi32>
      %parallel_loop3A_384 = arith.constant 0 : i32
      %parallel_loop3A_385 = arith.constant 64 : i32
      %parallel_loop3A_386 = arith.constant 1 : i32
      scf.for %parallel_loop3A_500 = %parallel_loop3A_384 to %parallel_loop3A_385 step %parallel_loop3A_386  : i32 {
        %parallel_loop3A_501 = vector.broadcast %parallel_loop3A_500 : i32 to vector<16xi32>
        %parallel_loop3A_502 = arith.addi %mul3A_383, %parallel_loop3A_501 : vector<16xi32>
        %parallel_loop3A_503 = arith.constant 1 : i32
        %parallel_loop3A_504 = arith.constant 0 : i32
        %parallel_loop3A_505 = arith.constant 0 : i32
        %parallel_loop3A_506 = tpu.memref_slice %arg7[%parallel_loop3A_503, %parallel_loop3A_504, %parallel_loop3A_505] : memref<2x128x128xf32, #tpu.memory_space<vmem>> -> memref<1x128x128xf32, #tpu.memory_space<vmem>>
        %parallel_loop3A_507 = tpu.memref_squeeze %parallel_loop3A_506 : memref<1x128x128xf32, #tpu.memory_space<vmem>> -> memref<128x128xf32, #tpu.memory_space<vmem>>
        %parallel_loop3A_508 = tpu.vector_load_idx %parallel_loop3A_507[%add3A_374, %parallel_loop3A_502] : memref<128x128xf32, #tpu.memory_space<vmem>>[vector<16xi32>, vector<16xi32>], vector<16xf32>,
        %parallel_loop3A_509 = arith.constant 1 : i32
        %parallel_loop3A_510 = arith.index_cast %parallel_loop3A_509 : i32 to index
        %parallel_loop3A_511 = arith.index_cast %parallel_loop3A_500 : i32 to index
        %parallel_loop3A_512 = arith.constant 64 : index
        %parallel_loop3A_513 = tpu.vector_load %arg8[%parallel_loop3A_510, %parallel_loop3A_511, %parallel_loop3A_512] {strides = array<i32>} : memref<2x64x128xf32, #tpu.memory_space<vmem>>, vector<16xf32>,
        tpu.vector_store %arg8[%parallel_loop3A_510, %parallel_loop3A_511, %parallel_loop3A_512], %parallel_loop3A_508 {strides = array<i32>} : memref<2x64x128xf32, #tpu.memory_space<vmem>>, vector<16xf32>,
      } {sc.loop_unroll_factor = 8 : i64, sc.parallel_access}
      %add3A_387 = arith.constant 80 : i32
      %add3A_388 = vector.broadcast %add3A_387 : i32 to vector<16xi32>
      %add3A_389 = arith.addi %iota3A, %add3A_388 : vector<16xi32>
      %get3A_390 = arith.index_cast %add3A_288 : i32 to index
      %get3A_391 = arith.constant 80 : index
      %get3A_392 = tpu.vector_load %arg5[%get3A_390, %get3A_391] {strides = array<i32>} : memref<50x128xi32, #tpu.memory_space<vmem>>, vector<16xi32>,
      %and3A_393 = arith.constant 1 : i32
      %and3A_394 = vector.broadcast %and3A_393 : i32 to vector<16xi32>
      %and3A_395 = arith.andi %get3A_392, %and3A_394 : vector<16xi32>
      %mul3A_396 = arith.constant 64 : i32
      %mul3A_397 = vector.broadcast %mul3A_396 : i32 to vector<16xi32>
      %mul3A_398 = arith.muli %and3A_395, %mul3A_397 : vector<16xi32>
      %parallel_loop3A_399 = arith.constant 0 : i32
      %parallel_loop3A_400 = arith.constant 64 : i32
      %parallel_loop3A_401 = arith.constant 1 : i32
      scf.for %parallel_loop3A_500 = %parallel_loop3A_399 to %parallel_loop3A_400 step %parallel_loop3A_401  : i32 {
        %parallel_loop3A_501 = vector.broadcast %parallel_loop3A_500 : i32 to vector<16xi32>
        %parallel_loop3A_502 = arith.addi %mul3A_398, %parallel_loop3A_501 : vector<16xi32>
        %parallel_loop3A_503 = arith.constant 1 : i32
        %parallel_loop3A_504 = arith.constant 0 : i32
        %parallel_loop3A_505 = arith.constant 0 : i32
        %parallel_loop3A_506 = tpu.memref_slice %arg7[%parallel_loop3A_503, %parallel_loop3A_504, %parallel_loop3A_505] : memref<2x128x128xf32, #tpu.memory_space<vmem>> -> memref<1x128x128xf32, #tpu.memory_space<vmem>>
        %parallel_loop3A_507 = tpu.memref_squeeze %parallel_loop3A_506 : memref<1x128x128xf32, #tpu.memory_space<vmem>> -> memref<128x128xf32, #tpu.memory_space<vmem>>
        %parallel_loop3A_508 = tpu.vector_load_idx %parallel_loop3A_507[%add3A_389, %parallel_loop3A_502] : memref<128x128xf32, #tpu.memory_space<vmem>>[vector<16xi32>, vector<16xi32>], vector<16xf32>,
        %parallel_loop3A_509 = arith.constant 1 : i32
        %parallel_loop3A_510 = arith.index_cast %parallel_loop3A_509 : i32 to index
        %parallel_loop3A_511 = arith.index_cast %parallel_loop3A_500 : i32 to index
        %parallel_loop3A_512 = arith.constant 80 : index
        %parallel_loop3A_513 = tpu.vector_load %arg8[%parallel_loop3A_510, %parallel_loop3A_511, %parallel_loop3A_512] {strides = array<i32>} : memref<2x64x128xf32, #tpu.memory_space<vmem>>, vector<16xf32>,
        tpu.vector_store %arg8[%parallel_loop3A_510, %parallel_loop3A_511, %parallel_loop3A_512], %parallel_loop3A_508 {strides = array<i32>} : memref<2x64x128xf32, #tpu.memory_space<vmem>>, vector<16xf32>,
      } {sc.loop_unroll_factor = 8 : i64, sc.parallel_access}
      %add3A_402 = arith.constant 96 : i32
      %add3A_403 = vector.broadcast %add3A_402 : i32 to vector<16xi32>
      %add3A_404 = arith.addi %iota3A, %add3A_403 : vector<16xi32>
      %get3A_405 = arith.index_cast %add3A_288 : i32 to index
      %get3A_406 = arith.constant 96 : index
      %get3A_407 = tpu.vector_load %arg5[%get3A_405, %get3A_406] {strides = array<i32>} : memref<50x128xi32, #tpu.memory_space<vmem>>, vector<16xi32>,
      %and3A_408 = arith.constant 1 : i32
      %and3A_409 = vector.broadcast %and3A_408 : i32 to vector<16xi32>
      %and3A_410 = arith.andi %get3A_407, %and3A_409 : vector<16xi32>
      %mul3A_411 = arith.constant 64 : i32
      %mul3A_412 = vector.broadcast %mul3A_411 : i32 to vector<16xi32>
      %mul3A_413 = arith.muli %and3A_410, %mul3A_412 : vector<16xi32>
      %parallel_loop3A_414 = arith.constant 0 : i32
      %parallel_loop3A_415 = arith.constant 64 : i32
      %parallel_loop3A_416 = arith.constant 1 : i32
      scf.for %parallel_loop3A_500 = %parallel_loop3A_414 to %parallel_loop3A_415 step %parallel_loop3A_416  : i32 {
        %parallel_loop3A_501 = vector.broadcast %parallel_loop3A_500 : i32 to vector<16xi32>
        %parallel_loop3A_502 = arith.addi %mul3A_413, %parallel_loop3A_501 : vector<16xi32>
        %parallel_loop3A_503 = arith.constant 1 : i32
        %parallel_loop3A_504 = arith.constant 0 : i32
        %parallel_loop3A_505 = arith.constant 0 : i32
        %parallel_loop3A_506 = tpu.memref_slice %arg7[%parallel_loop3A_503, %parallel_loop3A_504, %parallel_loop3A_505] : memref<2x128x128xf32, #tpu.memory_space<vmem>> -> memref<1x128x128xf32, #tpu.memory_space<vmem>>
        %parallel_loop3A_507 = tpu.memref_squeeze %parallel_loop3A_506 : memref<1x128x128xf32, #tpu.memory_space<vmem>> -> memref<128x128xf32, #tpu.memory_space<vmem>>
        %parallel_loop3A_508 = tpu.vector_load_idx %parallel_loop3A_507[%add3A_404, %parallel_loop3A_502] : memref<128x128xf32, #tpu.memory_space<vmem>>[vector<16xi32>, vector<16xi32>], vector<16xf32>,
        %parallel_loop3A_509 = arith.constant 1 : i32
        %parallel_loop3A_510 = arith.index_cast %parallel_loop3A_509 : i32 to index
        %parallel_loop3A_511 = arith.index_cast %parallel_loop3A_500 : i32 to index
        %parallel_loop3A_512 = arith.constant 96 : index
        %parallel_loop3A_513 = tpu.vector_load %arg8[%parallel_loop3A_510, %parallel_loop3A_511, %parallel_loop3A_512] {strides = array<i32>} : memref<2x64x128xf32, #tpu.memory_space<vmem>>, vector<16xf32>,
        tpu.vector_store %arg8[%parallel_loop3A_510, %parallel_loop3A_511, %parallel_loop3A_512], %parallel_loop3A_508 {strides = array<i32>} : memref<2x64x128xf32, #tpu.memory_space<vmem>>, vector<16xf32>,
      } {sc.loop_unroll_factor = 8 : i64, sc.parallel_access}
      %add3A_417 = arith.constant 112 : i32
      %add3A_418 = vector.broadcast %add3A_417 : i32 to vector<16xi32>
      %add3A_419 = arith.addi %iota3A, %add3A_418 : vector<16xi32>
      %get3A_420 = arith.index_cast %add3A_288 : i32 to index
      %get3A_421 = arith.constant 112 : index
      %get3A_422 = tpu.vector_load %arg5[%get3A_420, %get3A_421] {strides = array<i32>} : memref<50x128xi32, #tpu.memory_space<vmem>>, vector<16xi32>,
      %and3A_423 = arith.constant 1 : i32
      %and3A_424 = vector.broadcast %and3A_423 : i32 to vector<16xi32>
      %and3A_425 = arith.andi %get3A_422, %and3A_424 : vector<16xi32>
      %mul3A_426 = arith.constant 64 : i32
      %mul3A_427 = vector.broadcast %mul3A_426 : i32 to vector<16xi32>
      %mul3A_428 = arith.muli %and3A_425, %mul3A_427 : vector<16xi32>
      %parallel_loop3A_429 = arith.constant 0 : i32
      %parallel_loop3A_430 = arith.constant 64 : i32
      %parallel_loop3A_431 = arith.constant 1 : i32
      scf.for %parallel_loop3A_500 = %parallel_loop3A_429 to %parallel_loop3A_430 step %parallel_loop3A_431  : i32 {
        %parallel_loop3A_501 = vector.broadcast %parallel_loop3A_500 : i32 to vector<16xi32>
        %parallel_loop3A_502 = arith.addi %mul3A_428, %parallel_loop3A_501 : vector<16xi32>
        %parallel_loop3A_503 = arith.constant 1 : i32
        %parallel_loop3A_504 = arith.constant 0 : i32
        %parallel_loop3A_505 = arith.constant 0 : i32
        %parallel_loop3A_506 = tpu.memref_slice %arg7[%parallel_loop3A_503, %parallel_loop3A_504, %parallel_loop3A_505] : memref<2x128x128xf32, #tpu.memory_space<vmem>> -> memref<1x128x128xf32, #tpu.memory_space<vmem>>
        %parallel_loop3A_507 = tpu.memref_squeeze %parallel_loop3A_506 : memref<1x128x128xf32, #tpu.memory_space<vmem>> -> memref<128x128xf32, #tpu.memory_space<vmem>>
        %parallel_loop3A_508 = tpu.vector_load_idx %parallel_loop3A_507[%add3A_419, %parallel_loop3A_502] : memref<128x128xf32, #tpu.memory_space<vmem>>[vector<16xi32>, vector<16xi32>], vector<16xf32>,
        %parallel_loop3A_509 = arith.constant 1 : i32
        %parallel_loop3A_510 = arith.index_cast %parallel_loop3A_509 : i32 to index
        %parallel_loop3A_511 = arith.index_cast %parallel_loop3A_500 : i32 to index
        %parallel_loop3A_512 = arith.constant 112 : index
        %parallel_loop3A_513 = tpu.vector_load %arg8[%parallel_loop3A_510, %parallel_loop3A_511, %parallel_loop3A_512] {strides = array<i32>} : memref<2x64x128xf32, #tpu.memory_space<vmem>>, vector<16xf32>,
        tpu.vector_store %arg8[%parallel_loop3A_510, %parallel_loop3A_511, %parallel_loop3A_512], %parallel_loop3A_508 {strides = array<i32>} : memref<2x64x128xf32, #tpu.memory_space<vmem>>, vector<16xf32>,
      } {sc.loop_unroll_factor = 8 : i64, sc.parallel_access}
      %add3A_432 = arith.addi %mul3A_2, %add3A_288 : i32
      %jit3A_433 = arith.constant 8 : i32
      %div3A_434 = arith.divsi %add3A_432, %jit3A_433 : i32
      %sign3A_435 = arith.constant 0 : i32
      %sign3A_436 = arith.cmpi sgt, %add3A_432, %sign3A_435 : i32
      %sign3A_437 = arith.extui %sign3A_436 : i1 to i32
      %sign3A_438 = arith.constant 0 : i32
      %sign3A_439 = arith.cmpi slt, %add3A_432, %sign3A_438 : i32
      %sign3A_440 = arith.extui %sign3A_439 : i1 to i32
      %sign3A_441 = arith.subi %sign3A_437, %sign3A_440 : i32
      %sign3A_442 = arith.constant 0 : i32
      %sign3A_443 = arith.cmpi sgt, %jit3A_433, %sign3A_442 : i32
      %sign3A_444 = arith.extui %sign3A_443 : i1 to i32
      %sign3A_445 = arith.constant 0 : i32
      %sign3A_446 = arith.cmpi slt, %jit3A_433, %sign3A_445 : i32
      %sign3A_447 = arith.extui %sign3A_446 : i1 to i32
      %sign3A_448 = arith.subi %sign3A_444, %sign3A_447 : i32
      %ne3A_449 = arith.cmpi ne, %sign3A_441, %sign3A_448 : i32
      %rem3A_450 = arith.remsi %add3A_432, %jit3A_433 : i32
      %ne3A_451 = arith.constant 0 : i32
      %ne3A_452 = arith.cmpi ne, %rem3A_450, %ne3A_451 : i32
      %and3A_453 = arith.andi %ne3A_449, %ne3A_452 : i1
      %sub3A_454 = arith.constant 1 : i32
      %sub3A_455 = arith.subi %div3A_434, %sub3A_454 : i32
      %select_n3A_456 = arith.select %and3A_453, %sub3A_455, %div3A_434 : i32
      %jit3A_457 = arith.constant 8 : i32
      %eq3A_458 = arith.constant 0 : i32
      %eq3A_459 = arith.cmpi eq, %jit3A_457, %eq3A_458 : i32
      %jit3A_460 = arith.constant 1 : i32
      %select_n3A_461 = arith.select %eq3A_459, %jit3A_460, %jit3A_457 : i32
      %rem3A_462 = arith.remsi %add3A_432, %select_n3A_461 : i32
      %ne3A_463 = arith.constant 0 : i32
      %ne3A_464 = arith.cmpi ne, %rem3A_462, %ne3A_463 : i32
      %lt3A_465 = arith.constant 0 : i32
      %lt3A_466 = arith.cmpi slt, %rem3A_462, %lt3A_465 : i32
      %lt3A_467 = arith.constant 0 : i32
      %lt3A_468 = arith.cmpi slt, %select_n3A_461, %lt3A_467 : i32
      %ne3A_469 = arith.xori %lt3A_466, %lt3A_468 : i1
      %and3A_470 = arith.andi %ne3A_469, %ne3A_464 : i1
      %add3A_471 = arith.addi %rem3A_462, %select_n3A_461 : i32
      %select_n3A_472 = arith.select %and3A_470, %add3A_471, %rem3A_462 : i32
      %mul3A_473 = arith.constant 128 : i32
      %mul3A_474 = arith.muli %select_n3A_472, %mul3A_473 : i32
      %dma_start3A_475 = arith.constant 1 : i32
      %dma_start3A_476 = arith.constant 1 : i32
      %dma_start3A_477 = arith.constant 0 : i32
      %dma_start3A_478 = arith.constant 0 : i32
      %dma_start3A_479 = tpu.memref_slice %arg8[%dma_start3A_475, %dma_start3A_477, %dma_start3A_478] : memref<2x64x128xf32, #tpu.memory_space<vmem>> -> memref<1x64x128xf32, #tpu.memory_space<vmem>>
      %dma_start3A_480 = tpu.memref_squeeze %dma_start3A_479 : memref<1x64x128xf32, #tpu.memory_space<vmem>> -> memref<64x128xf32, #tpu.memory_space<vmem>>
      %dma_start3A_481 = arith.constant 0 : i32
      %dma_start3A_482 = tpu.memref_slice %arg4[%select_n3A_456, %dma_start3A_481, %mul3A_474] : memref<200x64x1024xf32, #tpu.memory_space<hbm>> -> memref<1x64x128xf32, #tpu.memory_space<hbm>>
      %dma_start3A_483 = tpu.memref_squeeze %dma_start3A_482 : memref<1x64x128xf32, #tpu.memory_space<hbm>> -> memref<64x128xf32, #tpu.memory_space<hbm>>
      %dma_start3A_484 = tpu.memref_slice %arg10[%dma_start3A_476] : memref<2x!tpu.dma_semaphore, #tpu.memory_space<semaphore_mem>> -> memref<1x!tpu.dma_semaphore, #tpu.memory_space<semaphore_mem>>
      %dma_start3A_485 = tpu.memref_squeeze %dma_start3A_484 : memref<1x!tpu.dma_semaphore, #tpu.memory_space<semaphore_mem>> -> memref<!tpu.dma_semaphore, #tpu.memory_space<semaphore_mem>>
      %dma_start3A_486 = arith.constant 0 : i32
      %dma_start3A_487 = tpu.memref_slice %arg4[%select_n3A_456, %dma_start3A_486, %mul3A_474] : memref<200x64x1024xf32, #tpu.memory_space<hbm>> -> memref<1x64x128xf32, #tpu.memory_space<hbm>>
      %dma_start3A_488 = tpu.memref_squeeze %dma_start3A_487 : memref<1x64x128xf32, #tpu.memory_space<hbm>> -> memref<64x128xf32, #tpu.memory_space<hbm>>
      %dma_start3A_489 = arith.constant 0 : i32
      %dma_start3A_490 = arith.constant 0 : i32
      %dma_start3A_491 = tpu.memref_slice %arg8[%dma_start3A_475, %dma_start3A_489, %dma_start3A_490] : memref<2x64x128xf32, #tpu.memory_space<vmem>> -> memref<1x64x128xf32, #tpu.memory_space<vmem>>
      %dma_start3A_492 = tpu.memref_squeeze %dma_start3A_491 : memref<1x64x128xf32, #tpu.memory_space<vmem>> -> memref<64x128xf32, #tpu.memory_space<vmem>>
      tpu.enqueue_dma source(%dma_start3A_492 : memref<64x128xf32, #tpu.memory_space<vmem>>) target(%dma_start3A_488 : memref<64x128xf32, #tpu.memory_space<hbm>>) target_semaphore(%dma_start3A_485 : memref<!tpu.dma_semaphore, #tpu.memory_space<semaphore_mem>>)
      %add3A_493 = arith.constant 1 : i32
      %add3A_494 = arith.addi %scan3A_84, %add3A_493 : i32
      %lt3A_495 = arith.constant 25 : i32
      %lt3A_496 = arith.cmpi slt, %add3A_494, %lt3A_495 : i32
      %convert_element_type3A_497 = arith.extui %lt3A_496 : i1 to i32
      %cond3A_498 = arith.constant 0 : i32
      %cond3A_499 = arith.cmpi ne, %convert_element_type3A_497, %cond3A_498 : i32
      scf.if %cond3A_499 {
        %add3A_500 = arith.constant 2 : i32
        %add3A_501 = arith.addi %add3A_288, %add3A_500 : i32
        %dma_start3A_502 = arith.constant 1 : i32
        %dma_start3A_503 = arith.constant 1 : i32
        %dma_start3A_504 = arith.constant 0 : i32
        %dma_start3A_505 = arith.constant 0 : i32
        %dma_start3A_506 = tpu.memref_slice %arg7[%dma_start3A_502, %dma_start3A_504, %dma_start3A_505] : memref<2x128x128xf32, #tpu.memory_space<vmem>> -> memref<1x128x128xf32, #tpu.memory_space<vmem>>
        %dma_start3A_507 = tpu.memref_squeeze %dma_start3A_506 : memref<1x128x128xf32, #tpu.memory_space<vmem>> -> memref<128x128xf32, #tpu.memory_space<vmem>>
        %dma_start3A_508 = arith.constant 0 : i32
        %dma_start3A_509 = tpu.memref_slice %arg6[%add3A_501, %dma_start3A_508] : memref<50x128xi32, #tpu.memory_space<vmem>> -> memref<1x128xi32, #tpu.memory_space<vmem>>
        %dma_start3A_510 = tpu.memref_squeeze %dma_start3A_509 : memref<1x128xi32, #tpu.memory_space<vmem>> -> memref<128xi32, #tpu.memory_space<vmem>>
        %dma_start3A_511 = arith.constant 0 : i32
        %dma_start3A_512 = arith.constant 0 : i32
        %dma_start3A_513 = tpu.memref_slice %arg2[%dma_start3A_511, %dma_start3A_512] : memref<500000x128xf32, #tpu.memory_space<hbm>> -> memref<500000x128xf32, #tpu.memory_space<hbm>>
        %dma_start3A_514 = tpu.memref_slice %arg9[%dma_start3A_503] : memref<2x!tpu.dma_semaphore, #tpu.memory_space<semaphore_mem>> -> memref<1x!tpu.dma_semaphore, #tpu.memory_space<semaphore_mem>>
        %dma_start3A_515 = tpu.memref_squeeze %dma_start3A_514 : memref<1x!tpu.dma_semaphore, #tpu.memory_space<semaphore_mem>> -> memref<!tpu.dma_semaphore, #tpu.memory_space<semaphore_mem>>
        tpu.enqueue_indirect_dma source(%dma_start3A_513 : memref<500000x128xf32, #tpu.memory_space<hbm>>) target(%dma_start3A_507 : memref<128x128xf32, #tpu.memory_space<vmem>>) offsets(%dma_start3A_510 : memref<128xi32, #tpu.memory_space<vmem>>) semaphore(%dma_start3A_515 : memref<!tpu.dma_semaphore, #tpu.memory_space<semaphore_mem>>)
      } else {
      }
    }
    %scan3A_42 = arith.constant 25 : i32
    %dma_wait3A = arith.constant 0 : i32
    %dma_wait3A_43 = arith.constant 0 : i32
    %dma_wait3A_44 = arith.constant 0 : i32
    %dma_wait3A_45 = arith.constant 0 : i32
    %dma_wait3A_46 = arith.constant 0 : i32
    %dma_wait3A_47 = tpu.memref_slice %arg8[%dma_wait3A, %dma_wait3A_45, %dma_wait3A_46] : memref<2x64x128xf32, #tpu.memory_space<vmem>> -> memref<1x64x128xf32, #tpu.memory_space<vmem>>
    %dma_wait3A_48 = tpu.memref_squeeze %dma_wait3A_47 : memref<1x64x128xf32, #tpu.memory_space<vmem>> -> memref<64x128xf32, #tpu.memory_space<vmem>>
    %dma_wait3A_49 = arith.constant 0 : i32
    %dma_wait3A_50 = arith.constant 0 : i32
    %dma_wait3A_51 = tpu.memref_slice %arg4[%dma_wait3A_43, %dma_wait3A_49, %dma_wait3A_50] : memref<200x64x1024xf32, #tpu.memory_space<hbm>> -> memref<1x64x128xf32, #tpu.memory_space<hbm>>
    %dma_wait3A_52 = tpu.memref_squeeze %dma_wait3A_51 : memref<1x64x128xf32, #tpu.memory_space<hbm>> -> memref<64x128xf32, #tpu.memory_space<hbm>>
    %dma_wait3A_53 = tpu.memref_slice %arg10[%dma_wait3A_44] : memref<2x!tpu.dma_semaphore, #tpu.memory_space<semaphore_mem>> -> memref<1x!tpu.dma_semaphore, #tpu.memory_space<semaphore_mem>>
    %dma_wait3A_54 = tpu.memref_squeeze %dma_wait3A_53 : memref<1x!tpu.dma_semaphore, #tpu.memory_space<semaphore_mem>> -> memref<!tpu.dma_semaphore, #tpu.memory_space<semaphore_mem>>
    %dma_wait3A_55 = arith.constant 0 : i32
    %dma_wait3A_56 = arith.constant 0 : i32
    %dma_wait3A_57 = tpu.memref_slice %arg4[%dma_wait3A_43, %dma_wait3A_55, %dma_wait3A_56] : memref<200x64x1024xf32, #tpu.memory_space<hbm>> -> memref<1x64x128xf32, #tpu.memory_space<hbm>>
    %dma_wait3A_58 = tpu.memref_squeeze %dma_wait3A_57 : memref<1x64x128xf32, #tpu.memory_space<hbm>> -> memref<64x128xf32, #tpu.memory_space<hbm>>
    %dma_wait3A_59 = arith.constant 0 : i32
    %dma_wait3A_60 = arith.constant 0 : i32
    %dma_wait3A_61 = tpu.memref_slice %arg8[%dma_wait3A, %dma_wait3A_59, %dma_wait3A_60] : memref<2x64x128xf32, #tpu.memory_space<vmem>> -> memref<1x64x128xf32, #tpu.memory_space<vmem>>
    %dma_wait3A_62 = tpu.memref_squeeze %dma_wait3A_61 : memref<1x64x128xf32, #tpu.memory_space<vmem>> -> memref<64x128xf32, #tpu.memory_space<vmem>>
    tpu.wait_dma2 semaphore(%dma_wait3A_54 : memref<!tpu.dma_semaphore, #tpu.memory_space<semaphore_mem>>) src(%dma_wait3A_62 : memref<64x128xf32, #tpu.memory_space<vmem>>) dst(%dma_wait3A_58 : memref<64x128xf32, #tpu.memory_space<hbm>>)
    %dma_wait3A_63 = arith.constant 1 : i32
    %dma_wait3A_64 = arith.constant 0 : i32
    %dma_wait3A_65 = arith.constant 1 : i32
    %dma_wait3A_66 = arith.constant 0 : i32
    %dma_wait3A_67 = arith.constant 0 : i32
    %dma_wait3A_68 = tpu.memref_slice %arg8[%dma_wait3A_63, %dma_wait3A_66, %dma_wait3A_67] : memref<2x64x128xf32, #tpu.memory_space<vmem>> -> memref<1x64x128xf32, #tpu.memory_space<vmem>>
    %dma_wait3A_69 = tpu.memref_squeeze %dma_wait3A_68 : memref<1x64x128xf32, #tpu.memory_space<vmem>> -> memref<64x128xf32, #tpu.memory_space<vmem>>
    %dma_wait3A_70 = arith.constant 0 : i32
    %dma_wait3A_71 = arith.constant 0 : i32
    %dma_wait3A_72 = tpu.memref_slice %arg4[%dma_wait3A_64, %dma_wait3A_70, %dma_wait3A_71] : memref<200x64x1024xf32, #tpu.memory_space<hbm>> -> memref<1x64x128xf32, #tpu.memory_space<hbm>>
    %dma_wait3A_73 = tpu.memref_squeeze %dma_wait3A_72 : memref<1x64x128xf32, #tpu.memory_space<hbm>> -> memref<64x128xf32, #tpu.memory_space<hbm>>
    %dma_wait3A_74 = tpu.memref_slice %arg10[%dma_wait3A_65] : memref<2x!tpu.dma_semaphore, #tpu.memory_space<semaphore_mem>> -> memref<1x!tpu.dma_semaphore, #tpu.memory_space<semaphore_mem>>
    %dma_wait3A_75 = tpu.memref_squeeze %dma_wait3A_74 : memref<1x!tpu.dma_semaphore, #tpu.memory_space<semaphore_mem>> -> memref<!tpu.dma_semaphore, #tpu.memory_space<semaphore_mem>>
    %dma_wait3A_76 = arith.constant 0 : i32
    %dma_wait3A_77 = arith.constant 0 : i32
    %dma_wait3A_78 = tpu.memref_slice %arg4[%dma_wait3A_64, %dma_wait3A_76, %dma_wait3A_77] : memref<200x64x1024xf32, #tpu.memory_space<hbm>> -> memref<1x64x128xf32, #tpu.memory_space<hbm>>
    %dma_wait3A_79 = tpu.memref_squeeze %dma_wait3A_78 : memref<1x64x128xf32, #tpu.memory_space<hbm>> -> memref<64x128xf32, #tpu.memory_space<hbm>>
    %dma_wait3A_80 = arith.constant 0 : i32
    %dma_wait3A_81 = arith.constant 0 : i32
    %dma_wait3A_82 = tpu.memref_slice %arg8[%dma_wait3A_63, %dma_wait3A_80, %dma_wait3A_81] : memref<2x64x128xf32, #tpu.memory_space<vmem>> -> memref<1x64x128xf32, #tpu.memory_space<vmem>>
    %dma_wait3A_83 = tpu.memref_squeeze %dma_wait3A_82 : memref<1x64x128xf32, #tpu.memory_space<vmem>> -> memref<64x128xf32, #tpu.memory_space<vmem>>
    tpu.wait_dma2 semaphore(%dma_wait3A_75 : memref<!tpu.dma_semaphore, #tpu.memory_space<semaphore_mem>>) src(%dma_wait3A_83 : memref<64x128xf32, #tpu.memory_space<vmem>>) dst(%dma_wait3A_79 : memref<64x128xf32, #tpu.memory_space<hbm>>)
    return
  }
}

</mosaic_0001>

<sc_bundles>
// kernel: kernel.3.cloned.1.call-start
scs
__scs_entry_jumppad:
0x0: {  	(pc) =	sbr.rel $0x88, $3  }
0x1: {  	(tag) =	ssettag $0x0;
	lr =	simm.s32 $0x1  }
0x2: {  	[smem:$0x3F9F] =	sst lr;
	_ =	strace $0xD0000000  }
0x3: {  	_ = 	snop  }
0x4: {  	_ = 	snop  }
0x5: {  	_ = 	snop  }
0x6: {  	_ = 	snop  }
0x7: {  	_ = 	snop  }
__scs_overlays_trampoline_lowered:
0x8: {  	[smem:$0x3FAE] =	sst s0  }
0x9: {  	[smem:$0x3FAF] =	sst s1  }
0xa: {  	[smem:$0x3FB0] =	sst s2  }
0xb: {  	[smem:$0x3FB1] =	sst s3  }
0xc: {  	[smem:$0x3FB2] =	sst s4  }
0xd: {  	[smem:$0x3FB3] =	sst s5  }
0xe: {  	[smem:$0x3FB4] =	sst s6  }
0xf: {  	[smem:$0x3FB5] =	sst s7  }
0x10: {  	[smem:$0x3FB6] =	sst s8  }
0x11: {  	[smem:$0x3FB7] =	sst s9;
	s0 =	simm.s32 @!p0 $0x0  }
0x12: {  	s1 =	sld [smem:$0x3F9D];
	s0 =	simm.s32 @p0 $0x1  }
0x13: {  	[smem:$0x3FB8] =	sst s0;
	s0 =	simm.s32 @!p1 $0x0  }
0x14: {  	s2 =	sld [smem:$0x3F9C];
	s0 =	simm.s32 @p1 $0x1  }
0x15: {  	[smem:$0x3FB9] =	sst s0;
	s0 =	simm.s32 @!p2 $0x0  }
0x16: {  	s3 =	sld [smem:$0x3FDB];
	s0 =	simm.s32 @p2 $0x1  }
0x17: {  	s4 =	simm.s32 $0x1BF5;
	[smem:$0x3FBB] =	sst s0  }
0x18: {  	s0 =	sld [smem:$0x3F9E];
	_ =	swait.ge [sflag:s4], $0x0  }
0x19: {  	s7 =	sld [smem:$0x3F9F]  }
0x1a: {  	s8 =	sadd.s32 $0xFFFFE003, lr  }
0x1b: {  	s9 =	sadd.s32 $0xFFFFFEF7, lr;
	s5 =	simm.s32 $0xFFFFFFFF;
	p2 =	slt.u32 s8, $0xFFFFF086  }
0x1c: {  	p1 =	slt.u32 s9, $0xF7A;
	s5 =	simm.s32 @!p2 $0x0  }
0x1d: {  	s5 =	simm.s32 @p1 $0x1;
	p0 =	seq.s32 s7, s2  }
0x1e: {  	s7 =	smul.u32 @!p0 $0xF7A, s2;
	p2 =	seq.s32 @!p0 s5, $0x0  }
0x1f: {  	s9 =	smul.u32 $0xF7A, s1;
	s8 =	simm.s32 @!p0 $0x1BF5;
	p2 =	por !p2, p0  }
0x20: {  	[sflag:s8] =	ssyncset.s32 @!p0 $0xFFFFF086;
	s6 =	sadd.s32 @!p0 s3, s7;
	s7 =	simm.s32 @!p0 $0x108  }
0x21: {  	s3 =	sadd.s32 s3, s9;
	s6 =	sadd.s32 @!p0 $0x88, s6;
	s7 =	simm.s32 @p2 $0x1082  }
0x22: {  	[simem:s7], [sflag:s8] =	dma.local @!p0 [hbm:s6], $0xF7A  }
0x23: {  	s9 =	sor.u32 $0xD0000000, s2;
	s6 =	simm.s32 $0x108;
	_ =	swait.ge @!p0 [sflag:s8], $0x0  }
0x24: {  	s3 =	sadd.s32 $0x88, s3;
	s6 =	simm.s32 @!p1 $0x1082;
	[sflag:s4] =	ssyncset.s32 $0xFFFFF086  }
0x25: {  	[simem:s6], [sflag:s4] =	dma.local [hbm:s3], $0xF7A  }
0x26: {  	[smem:$0x3F9F] =	sst s1;
	(tag) =	ssettag s2;
	_ =	strace s9  }
0x27: {  	s1 =	sld [smem:$0x3FAF]  }
0x28: {  	s2 =	sld [smem:$0x3FB0]  }
0x29: {  	s4 =	sld [smem:$0x3FB2]  }
0x2a: {  	p0 =	seq.s32 s5, $0x0;
	s5 =	sld [smem:$0x3FB3]  }
0x2b: {  	s6 =	sld [smem:$0x3FB4]  }
0x2c: {  	s7 =	sld [smem:$0x3FB5]  }
0x2d: {  	s3 =	simm.s32 $0x108;
	s8 =	sld [smem:$0x3FB6]  }
0x2e: {  	s3 =	simm.s32 @!p0 $0x1082;
	s9 =	sld [smem:$0x3FB7]  }
0x2f: {  	lr =	sadd.s32 s0, s3;
	s0 =	sld [smem:$0x3FAE]  }
0x30: {  	s3 =	sld [smem:$0x3FB1]  }
0x31: {  	[smem:$0x3FBA] =	sst s10  }
0x32: {  	s10 =	sld [smem:$0x3FB8];
	_ =	sdelay $0x3  }
0x33: {  	p0 =	seq.s32 s10, $0x1;
	s10 =	sld [smem:$0x3FBA];
	_ =	sdelay $0x3  }
0x34: {  	[smem:$0x3FBA] =	sst s10  }
0x35: {  	s10 =	sld [smem:$0x3FB9];
	_ =	sdelay $0x3  }
0x36: {  	p1 =	seq.s32 s10, $0x1;
	s10 =	sld [smem:$0x3FBA];
	_ =	sdelay $0x3  }
0x37: {  	[smem:$0x3FBA] =	sst s10  }
0x38: {  	s10 =	sld [smem:$0x3FBB]  }
0x39: {  	_ = 	snop;
	(pc) =	sbr.ind lr, $3  }
0x3a: {  	_ = 	snop  }
0x3b: {  	_ = 	snop  }
0x3c: {  	p2 =	seq.s32 s10, $0x1;
	s10 =	sld [smem:$0x3FBA]  }
0x3d: {  	_ =	shalt  }
0x3e: {  	_ =	shalt  }
0x3f: {  	_ =	shalt  }
0x40: {  	_ =	shalt  }
0x41: {  	_ =	shalt  }
0x42: {  	_ =	shalt  }
0x43: {  	_ =	shalt  }
0x44: {  	_ =	shalt  }
0x45: {  	_ =	shalt  }
0x46: {  	_ =	shalt  }
0x47: {  	_ =	shalt  }
0x48: {  	_ =	shalt  }
0x49: {  	_ =	shalt  }
0x4a: {  	_ =	shalt  }
0x4b: {  	_ =	shalt  }
0x4c: {  	_ =	shalt  }
0x4d: {  	_ =	shalt  }
0x4e: {  	_ =	shalt  }
0x4f: {  	_ =	shalt  }
0x50: {  	_ =	shalt  }
0x51: {  	_ =	shalt  }
0x52: {  	_ =	shalt  }
0x53: {  	_ =	shalt  }
0x54: {  	_ =	shalt  }
0x55: {  	_ =	shalt  }
0x56: {  	_ =	shalt  }
0x57: {  	_ =	shalt  }
0x58: {  	_ =	shalt  }
0x59: {  	_ =	shalt  }
0x5a: {  	_ =	shalt  }
0x5b: {  	_ =	shalt  }
0x5c: {  	_ =	shalt  }
0x5d: {  	_ =	shalt  }
0x5e: {  	_ =	shalt  }
0x5f: {  	_ =	shalt  }
0x60: {  	_ =	shalt  }
0x61: {  	_ =	shalt  }
0x62: {  	_ =	shalt  }
0x63: {  	_ =	shalt  }
0x64: {  	_ =	shalt  }
0x65: {  	_ =	shalt  }
0x66: {  	_ =	shalt  }
0x67: {  	_ =	shalt  }
0x68: {  	_ =	shalt  }
0x69: {  	_ =	shalt  }
0x6a: {  	_ =	shalt  }
0x6b: {  	_ =	shalt  }
0x6c: {  	_ =	shalt  }
0x6d: {  	_ =	shalt  }
0x6e: {  	_ =	shalt  }
0x6f: {  	_ =	shalt  }
0x70: {  	_ =	shalt  }
0x71: {  	_ =	shalt  }
0x72: {  	_ =	shalt  }
0x73: {  	_ =	shalt  }
0x74: {  	_ =	shalt  }
0x75: {  	_ =	shalt  }
0x76: {  	_ =	shalt  }
0x77: {  	_ =	shalt  }
0x78: {  	_ =	shalt  }
0x79: {  	_ =	shalt  }
0x7a: {  	_ =	shalt  }
0x7b: {  	_ =	shalt  }
0x7c: {  	_ =	shalt  }
0x7d: {  	_ =	shalt  }
0x7e: {  	_ =	shalt  }
0x7f: {  	_ =	shalt  }
0x80: {  	_ =	shalt  }
0x81: {  	_ =	shalt  }
0x82: {  	_ =	shalt  }
0x83: {  	_ =	shalt  }
0x84: {  	_ =	shalt  }
0x85: {  	_ =	shalt  }
0x86: {  	_ =	shalt  }
0x87: {  	_ =	shalt  }
.Lfunc_end0:
.L_simem_size_0:
called_computation_lowered:
.L_overlay_start_0:
0x88: {  	s2 =	sld [smem:$0x3FD9]  }
0x89: {  	s3 =	sld [smem:$0x3FFE];
	_ =	sdelay $0x1  }
0x8a: {  	s1 =	srdreg.scid  }
0x8b: {  	s0 =	sand.u32 $0x1, s1  }
0x8c: {  	s17 =	sshll.u32 s0, $0xA;
	s2 =	sadd.s32 s3, s2  }
0x8d: {  	s2 =	sadd.s32 s2, s17  }
0x8e: {  	[smem:$0x3FC6] =	sst s2  }
0x8f: {  	_ = 	snop  }
0x90: {  	s2 =	sld [smem:$0x3FD0];
	(tm) =	ssettm $0x1  }
0x91: {  	s18 =	sld [smem:$0x3FFB];
	_ =	sdelay $0x3  }
0x92: {  	_ =	strace s18  }
0x93: {  	s3 =	sld [smem:$0x3FFC];
	_ =	sdelay $0x3  }
0x94: {  	_ =	strace s3  }
0x95: {  	s3 =	sld [smem:$0x3FFD];
	_ =	sdelay $0x3  }
0x96: {  	_ =	strace s3  }
0x97: {  	_ =	strace $0x8FFFFFFF  }
0x98: {  	s19 =	sld [smem:$0x3FDB];
	_ =	sdelay $0x1  }
0x99: {  	s4 =	simm.s32 $_scs_section_size  }
0x9a: {  	s5 =	simm.s32 $_size__tile_overlayer_lowered;
	s6 =	simm.s32 $_tile_overlayer_lowered  }
0x9b: {  	s22 =	simm.s32 $0x1BFF;
	s21 =	sshll.u32 s6, $0x1;
	s3 =	sadd.s32 s4, s19  }
0x9c: {  	s7 =	simm.s32 $0x0;
	s20 =	sshll.u32 s5, $0x1;
	s5 =	sadd.s32 s21, s3  }
0x9d: {  	[timem:s7], [sflag:s22] =	dma.local [hbm:s5], s20  }
0x9e: {  	_ =	swait.ge [sflag:s22], s20  }
0x9f: {  	s4 =	ssub.s32 $0x0, s20;
	[sflag:s22] =	ssyncset.done $0x0  }
0xa0: {  	[sflag:s22] =	ssyncadd.s32 s4;
	_ =	sdelay $0x1  }
0xa1: {  	s23 =	simm.s32 $0x1B8B  }
0xa2: {  	_ =	swait.ge [sflag:s23], $0x1  }
0xa3: {  	[sflag:s23] =	ssyncset.done $0x0  }
0xa4: {  	s25 =	simm.s32 $0x1B8E;
	s24 =	sld [smem:$0x3FFE];
	[sflag:s23] =	ssyncadd.s32 $0xFFFFFFFF  }
0xa5: {  	s26 =	simm.s32 $execute0_lowered;
	[smem:$0x3FD2] =	sst s25  }
0xa6: {  	s5 =	sshll.u32 s26, $0x1;
	_ =	strace $0x80000046;
	[dreg:$0x1] =	wrdreg $0xFFFFFFFF  }
0xa7: {  	s28 =	simm.s32 $_size_execute0_lowered;
	s3 =	sadd.s32 s3, s5;
	[dreg:$0x0] =	wrdreg $0x0  }
0xa8: {  	s5 =	sshll.u32 s28, $0x1;
	[dreg:$0x2] =	wrdreg s3  }
0xa9: {  	[dreg:$0x3] =	wrdreg s5  }
0xaa: {  	[dreg:$0x4] =	wrdreg $0xC0  }
0xab: {  	_ =	task [dreg:s7], $0x5FFFF  }
0xac: {  	[dreg:$0x1] =	wrdreg $0xFFFFFFFF  }
0xad: {  	[dreg:$0x0] =	wrdreg $0x60  }
0xae: {  	[dreg:$0x2] =	wrdreg s24  }
0xaf: {  	[dreg:$0x3] =	wrdreg s2  }
0xb0: {  	[dreg:$0x4] =	wrdreg $0x9  }
0xb1: {  	_ =	task.clear_ibuf [dreg:s7], $0x5FFFF;
	_ =	strace $0x90000046  }
0xb2: {  	s29 =	simm.s32 $0x9;
	_ =	strace $0x80000048  }
0xb3: {  	_ =	swait.ge [sflag:s29], $0x1  }
0xb4: {  	[sflag:s29] =	ssyncadd.s32 $0xFFFFFFFF  }
0xb5: {  	_ =	strace $0x90000048  }
0xb6: {  	_ =	sfence  }
0xb7: {  	s30 =	sld [smem:$0x0];
	_ =	sdelay $0x2  }
0xb8: {  	s31 =	sshll.u32 s1, $0xD;
	s1 =	sshrl.u32 s1, $0x2  }
0xb9: {  	s3 =	sand.u32 $0x4000, s31;
	s1 =	sadd.s32 s1, s30  }
0xba: {  	s0 =	sor.u32 s3, s0;
	s1 =	sshll.u32 s1, $0x11  }
0xbb: {  	s0 =	sor.u32 s1, s0  }
0xbc: {  	s0 =	sadd.s32 $0x8F2B, s0  }
0xbd: {  	[sflag:s0] =	ssyncadd.remote.s32 $0x1  }
0xbe: {  	_ =	sfence.sel $0xFFFF  }
0xbf: {  	[dreg:$0x0] =	wrdreg $0xFFFFFFFF;
	(pc) =	sbr.abs _section_cstart, $3  }
0xc0: {  	[dreg:$0x1] =	wrdreg $0xFFFFFFFF  }
0xc1: {  	_ =	task.clear_ibuf [dreg:s7], $0x2FFFF;
	_ =	strace $0x9FFFFFFF  }
0xc2: {  	(tm) =	ssettm $0x7FFFFFFF  }
0xc3: {  	_ =	shalt  }
tec
execute0_lowered:
.L_overlay_start_1:
0x0: {  	(tag) =	ssettag $0x1  }
0x1: {  	s1 =	rddreg [dreg:$0x0]  }
0x2: {  	s3 =	srdreg.scid;
	s0 =	stileid.u32  }
0x3: {  	s2 =	rddreg [dreg:$0x1];
	s9 =	simm.s32 $0x80;
	s11 =	simm.s32 $0x3800  }
0x4: {  	s12 =	simm.s32 $0x1C80;
	s13 =	simm.s32 $0x7800;
	s14 =	simm.s32 $0x1  }
0x5: {  	s15 =	simm.s32 $0x400;
	s16 =	simm.s32 $0x2000;
	s17 =	simm.s32 $0xB800  }
0x6: {  	s18 =	simm.s32 $0x2;
	s19 =	simm.s32 $0xD800;
	s20 =	simm.s32 $0x3  }
0x7: {  	v0 =	vlaneseq.u32;
	s21 =	simm.s32 $0x4;
	s4 =	sand.u32 $0x1, s3;
	s5 =	sshll.u32 s0, $0x1  }
0x8: {  	s22 =	simm.s32 $0x0;
	s3 =	simm.s32 $0x0;
	v0 =	vmul.u32 $0x80, v0;
	s5 =	sor.u32 s4, s5  }
0x9: {  	[smem:$0x7FF] =	sst s3;
	s7 =	ssub.s32 $0x2, s4;
	s6 =	smul.u32 $0x380, s5  }
0xa: {  	s4 =	sadd.s32 $0xF42A00, s1;
	_ =	strace $0x80000047;
	s8 =	sshrl.u32 s7, $0x1;
	v1 =	vor.u32 $0x800, v0  }
0xb: {  	s5 =	smul.u32 $0x32, s5;
	v2 =	vor.u32 $0x1000, v0;
	v3 =	vor.u32 $0x1800, v0;
	v4 =	vor.u32 $0x2000, v0;
	s7 =	ssub.s32 s7, s8;
	s1 =	sadd.s32 s6, s1  }
0xc: {  	v5 =	vor.u32 $0x2800, v0;
	v6 =	vor.u32 $0x3000, v0;
	v7 =	vor.u32 $0x3800, v0;
	s8 =	simm.s32 $0x5;
	s7 =	smax.u32 s7, $0x1;
	s6 =	sadd.s32 $0x600, s1  }
.LBB2_1:
0xd: {  	[tilespmem:s3], [sflag:$0x5] =	stream.linear.gather [hbm4b:s6+s3], $0x1900, $0x38;
	[tilespmem:$0xF800] =	vst v63  }
0xe: {  	_ =	swait.ge [sflag:s8], $0x1900  }
0xf: {  	[sflag:s8] =	ssyncset.done $0x0  }
0x10: {  	s24 =	simm.s32 $0x0;
	[sflag:s8] =	ssyncadd.s32 $0xFFFFE700  }
0x11: {  	v9 =	vld [tilespmem:s24+$0x70]  }
0x12: {  	v12 =	vld [tilespmem:s24+$0x0]  }
0x13: {  	v13 =	vld [tilespmem:s24+$0x10]  }
0x14: {  	v11 =	vld [tilespmem:s24+$0x20]  }
0x15: {  	v10 =	vld [tilespmem:s24+$0x30]  }
0x16: {  	v8 =	vld [tilespmem:s24+$0x40];
	v14 =	vshra.s32 v9, $0x1  }
0x17: {  	v9 =	vld [tilespmem:s24+$0x50];
	v12 =	vshra.s32 v12, $0x1;
	[tilespmem:s24+$0x1C70] =	vst v14  }
0x18: {  	s23 =	simm.s32 $0x80;
	s25 =	simm.s32 $0x400;
	v13 =	vshra.s32 v13, $0x1;
	[tilespmem:s24+$0x1C00] =	vst v12;
	v12 =	vld [tilespmem:s24+$0x60]  }
.LBB2_2:
0x19: {  	p0 =	sne.s32 s25, $0x6200;
	v14 =	vld [tilespmem:s23+$0x70];
	[tilespmem:s24+$0x1C10] =	vst v13;
	v11 =	vshra.s32 v11, $0x1  }
0x1a: {  	v13 =	vld [tilespmem:s23+$0x0];
	[tilespmem:s24+$0x1C20] =	vst v11;
	v10 =	vshra.s32 v10, $0x1  }
0x1b: {  	v15 =	vld [tilespmem:s23+$0x10];
	[tilespmem:s24+$0x1C30] =	vst v10;
	v8 =	vshra.s32 v8, $0x1  }
.Ltmp0:
0x1c: {  	v11 =	vld [tilespmem:s23+$0x20];
	[tilespmem:s24+$0x1C40] =	vst v8;
	v8 =	vshra.s32 v9, $0x1;
	(pc) =	sbr.rel @p0 .LBB2_2-.Ltmp0, $4  }
0x1d: {  	v10 =	vld [tilespmem:s23+$0x30];
	[tilespmem:s24+$0x1C50] =	vst v8;
	v9 =	vshra.s32 v12, $0x1  }
0x1e: {  	v8 =	vld [tilespmem:s23+$0x40];
	v12 =	vshra.s32 v14, $0x1;
	[tilespmem:s24+$0x1C60] =	vst v9;
	s24 =	smov.u32 s23  }
0x1f: {  	v13 =	vshra.s32 v13, $0x1;
	v9 =	vld [tilespmem:s24+$0x50];
	[tilespmem:s24+$0x1C70] =	vst v12  }
0x20: {  	s23 =	sshra.s32 s25, $0x2;
	s25 =	sadd.s32 $0x200, s25;
	[tilespmem:s24+$0x1C00] =	vst v13;
	v13 =	vshra.s32 v15, $0x1;
	v12 =	vld [tilespmem:s24+$0x60]  }
0x21: {  	v14 =	vld [tilespmem:s23+$0x70];
	[tilespmem:s24+$0x1C10] =	vst v13;
	v11 =	vshra.s32 v11, $0x1  }
0x22: {  	v13 =	vld [tilespmem:s23+$0x0];
	[tilespmem:s24+$0x1C20] =	vst v11;
	v10 =	vshra.s32 v10, $0x1  }
0x23: {  	v11 =	vld [tilespmem:s23+$0x10];
	[tilespmem:s24+$0x1C30] =	vst v10;
	v8 =	vshra.s32 v8, $0x1  }
0x24: {  	v10 =	vld [tilespmem:s23+$0x20];
	[tilespmem:s24+$0x1C40] =	vst v8;
	v8 =	vshra.s32 v9, $0x1  }
0x25: {  	v60 =	vld [tilespmem:s23+$0x30];
	[tilespmem:s24+$0x1C50] =	vst v8;
	v8 =	vshra.s32 v12, $0x1  }
0x26: {  	v61 =	vld [tilespmem:s23+$0x40];
	[tilespmem:s24+$0x1C60] =	vst v8;
	v8 =	vshra.s32 v14, $0x1  }
0x27: {  	v62 =	vld [tilespmem:s23+$0x50];
	v13 =	vshra.s32 v13, $0x1;
	[tilespmem:s23+$0x1C70] =	vst v8  }
0x28: {  	v63 =	vld [tilespmem:s23+$0x60];
	[tilespmem:s23+$0x1C00] =	vst v13;
	v8 =	vshra.s32 v11, $0x1  }
0x29: {  	[tilespmem:s23+$0x1C10] =	vst v8;
	v8 =	vshra.s32 v10, $0x1  }
0x2a: {  	[tilespmem:s23+$0x1C20] =	vst v8;
	v8 =	vshra.s32 v60, $0x1  }
0x2b: {  	[tilespmem:s23+$0x1C30] =	vst v8;
	v8 =	vshra.s32 v61, $0x1  }
0x2c: {  	[tilespmem:s23+$0x1C40] =	vst v8;
	v8 =	vshra.s32 v62, $0x1  }
0x2d: {  	[tilespmem:s23+$0x1C50] =	vst v8;
	v8 =	vshra.s32 v63, $0x1  }
0x2e: {  	s0 =	simm.s32 $0x1C00;
	[tilespmem:s23+$0x1C60] =	vst v8  }
0x2f: {  	[tilespmem:s11], [sflag:$0x1] =	stream.indirect.gather [hbm4b:s4+s9], $0x80, s0, s9, $0xb8;
	[tilespmem:$0xF800] =	vst v63  }
0x30: {  	s24 =	simm.s32 $0x0;
	s23 =	simm.s32 $0x0  }
0x31: {  	[tilespmem:s13], [sflag:$0x2] =	stream.indirect.gather [hbm4b:s4+s9], $0x80, s12, s9, $0xb8;
	[tilespmem:$0xF800] =	vst v63  }
.LBB2_4:
0x32: {  	_ =	swait.ge [sflag:s14], $0x4000  }
0x33: {  	p0 =	seq.s32 s24, $0x0;
	[sflag:s14] =	ssyncset.done $0x0  }
0x34: {  	s1 =	simm.s32 @!p0 $0x3;
	[sflag:s14] =	ssyncadd.s32 $0xFFFFC000  }
0x35: {  	_ =	swait.ge @!p0 [sflag:s1], $0x2000  }
0x36: {  	s25 =	sshll.u32 s24, $0xA;
	[sflag:s1] =	ssyncset.done @!p0 $0x0  }
0x37: {  	s28 =	sshrl.u32 s25, $0x2;
	[sflag:s1] =	ssyncadd.s32 @!p0 $0xFFFFE000  }
0x38: {  	v8 =	vld [tilespmem:s28+$0x0];
	_ =	sdelay $0x4  }
0x39: {  	v8 =	vshll.u32 v8, $0x6  }
0x3a: {  	v8 =	vand.u32 $0x40, v8  }
0x3b: {  	s0 =	simm.s32 $0x7;
	v8 =	vor.u32 v0, v8  }
0x3c: {  	s26 =	simm.s32 $0x1;
	v9 =	vor.u32 s0, v8  }
0x3d: {  	s10 =	simm.s32 $0x2;
	v10 =	vor.u32 s26, v8  }
0x3e: {  	v11 =	vor.u32 s10, v8;
	s26 =	simm.s32 $0x3  }
0x3f: {  	s0 =	simm.s32 $0x4;
	v12 =	vor.u32 s26, v8  }
0x40: {  	s10 =	simm.s32 $0x5;
	v13 =	vor.u32 s0, v8  }
0x41: {  	v14 =	vor.u32 s10, v8;
	s26 =	simm.s32 $0x6;
	v9 =	vld.idx.msk [tilespmem:v9+s11+$0x0], $0xffff  }
0x42: {  	v15 =	vld.idx.msk [tilespmem:v10+s11+$0x0], $0xffff;
	v10 =	vor.u32 s26, v8  }
0x43: {  	v16 =	vor.u32 s23, v8;
	s0 =	simm.s32 $0xF;
	v11 =	vld.idx.msk [tilespmem:v11+s11+$0x0], $0xffff  }
0x44: {  	s10 =	simm.s32 $0x9;
	v18 =	vor.u32 s0, v8;
	v20 =	vld.idx.msk [tilespmem:v12+s11+$0x0], $0xffff  }
0x45: {  	v21 =	vor.u32 s10, v8;
	s26 =	simm.s32 $0xA;
	v22 =	vld.idx.msk [tilespmem:v13+s11+$0x0], $0xffff  }
0x46: {  	s29 =	simm.s32 $0xBA00;
	s0 =	simm.s32 $0xB;
	v23 =	vor.u32 s26, v8;
	v13 =	vld.idx.msk [tilespmem:v14+s11+$0x0], $0xffff  }
0x47: {  	s10 =	simm.s32 $0xC;
	v17 =	vor.u32 s0, v8;
	v12 =	vld.idx.msk [tilespmem:v10+s11+$0x0], $0xffff;
	[tilespmem:s29+$0x180] =	vst v9  }
0x48: {  	s30 =	simm.s32 $0xD;
	v19 =	vor.u32 s10, v8;
	v10 =	vld.idx.msk [tilespmem:v16+s11+$0x0], $0xffff;
	[tilespmem:s29+$0xFFFFFE80] =	vst v15  }
0x49: {  	s10 =	simm.s32 $0xE;
	v9 =	vld.idx.msk [tilespmem:v18+s11+$0x0], $0xffff;
	[tilespmem:s29+$0xFFFFFF00] =	vst v11;
	v16 =	vor.u32 s30, v8  }
0x4a: {  	s31 =	simm.s32 $0x18;
	s0 =	simm.s32 $0x8;
	v11 =	vld.idx.msk [tilespmem:v21+s11+$0x0], $0xffff;
	v18 =	vor.u32 s10, v8;
	[tilespmem:s29+$0xFFFFFF80] =	vst v20  }
0x4b: {  	s1 =	simm.s32 $0x17;
	s26 =	sshll.u32 s24, $0x1;
	s30 =	simm.s32 $0x10;
	v15 =	vor.u32 s0, v8;
	v14 =	vld.idx.msk [tilespmem:v23+s11+$0x0], $0xffff;
	[tilespmem:s29+$0x0] =	vst v22  }
.LBB2_5:
0x4c: {  	p1 =	slt.u32 s31, $0x38;
	s0 =	sadd.s32 $0x1, s30;
	v20 =	vor.u32 s1, v8;
	v21 =	vld.idx.msk [tilespmem:v17+s11+$0x0], $0xffff;
	[tilespmem:s29+$0x80] =	vst v13  }
0x4d: {  	v22 =	vor.u32 s0, v8;
	s0 =	sadd.s32 $0x2, s30;
	v23 =	vld.idx.msk [tilespmem:v19+s11+$0x0], $0xffff;
	[tilespmem:s29+$0x100] =	vst v12  }
0x4e: {  	v24 =	vor.u32 s0, v8;
	s0 =	sadd.s32 $0x3, s30;
	v13 =	vld.idx.msk [tilespmem:v16+s11+$0x0], $0xffff;
	[tilespmem:s29+$0xFFFFFE00] =	vst v10;
	s29 =	sadd.s32 $0x400, s29  }
.Ltmp1:
0x4f: {  	v17 =	vor.u32 s0, v8;
	s0 =	sadd.s32 $0x4, s30;
	v12 =	vld.idx.msk [tilespmem:v18+s11+$0x0], $0xffff;
	[tilespmem:s29+$0x180] =	vst v9;
	(pc) =	sbr.rel @p1 .LBB2_5-.Ltmp1, $4  }
0x50: {  	v19 =	vor.u32 s0, v8;
	s0 =	sadd.s32 $0x5, s30;
	v10 =	vld.idx.msk [tilespmem:v15+s11+$0x0], $0xffff;
	[tilespmem:s29+$0xFFFFFE80] =	vst v11  }
0x51: {  	v16 =	vor.u32 s0, v8;
	s0 =	sadd.s32 $0x6, s30;
	v9 =	vld.idx.msk [tilespmem:v20+s11+$0x0], $0xffff;
	[tilespmem:s29+$0xFFFFFF00] =	vst v14  }
0x52: {  	v11 =	vld.idx.msk [tilespmem:v22+s11+$0x0], $0xffff;
	v18 =	vor.u32 s0, v8;
	[tilespmem:s29+$0xFFFFFF80] =	vst v21  }
0x53: {  	s1 =	sadd.s32 $0x7, s31;
	v15 =	vor.u32 s30, v8;
	s30 =	smov.u32 s31;
	s31 =	sadd.s32 $0x8, s31;
	v14 =	vld.idx.msk [tilespmem:v24+s11+$0x0], $0xffff;
	[tilespmem:s29+$0x0] =	vst v23  }
0x54: {  	_ =	sdelay $0x2  }
0x55: {  	[tilespmem:s29+$0x80] =	vst v13  }
0x56: {  	s0 =	sadd.s32 $0x1, s30;
	v13 =	vor.u32 s1, v8;
	v17 =	vld.idx.msk [tilespmem:v17+s11+$0x0], $0xffff;
	[tilespmem:s29+$0x100] =	vst v12  }
0x57: {  	s10 =	sadd.s32 $0x2, s30;
	v19 =	vld.idx.msk [tilespmem:v19+s11+$0x0], $0xffff;
	s1 =	sadd.s32 $0x400, s29;
	v12 =	vor.u32 s0, v8;
	[tilespmem:s29+$0xFFFFFE00] =	vst v10  }
0x58: {  	v16 =	vld.idx.msk [tilespmem:v16+s11+$0x0], $0xffff;
	v10 =	vor.u32 s10, v8;
	s10 =	sadd.s32 $0x3, s30;
	[tilespmem:s1+$0x180] =	vst v9  }
0x59: {  	v18 =	vld.idx.msk [tilespmem:v18+s11+$0x0], $0xffff;
	v9 =	vor.u32 s10, v8;
	s10 =	sadd.s32 $0x4, s30;
	[tilespmem:s1+$0xFFFFFE80] =	vst v11  }
0x5a: {  	v15 =	vld.idx.msk [tilespmem:v15+s11+$0x0], $0xffff;
	v11 =	vor.u32 s10, v8;
	s10 =	sadd.s32 $0x5, s30;
	[tilespmem:s1+$0xFFFFFF00] =	vst v14  }
0x5b: {  	v14 =	vor.u32 s10, v8;
	s10 =	sadd.s32 $0x6, s30;
	v13 =	vld.idx.msk [tilespmem:v13+s11+$0x0], $0xffff;
	[tilespmem:s1+$0xFFFFFF80] =	vst v17  }
0x5c: {  	v17 =	vor.u32 s10, v8;
	[tilespmem:s1+$0x0] =	vst v19;
	v12 =	vld.idx.msk [tilespmem:v12+s11+$0x0], $0xffff  }
0x5d: {  	v8 =	vor.u32 s30, v8;
	[tilespmem:s1+$0x80] =	vst v16;
	v10 =	vld.idx.msk [tilespmem:v10+s11+$0x0], $0xffff  }
0x5e: {  	[tilespmem:s1+$0x100] =	vst v18;
	v9 =	vld.idx.msk [tilespmem:v9+s11+$0x0], $0xffff  }
0x5f: {  	[tilespmem:s1+$0xFFFFFE00] =	vst v15;
	s10 =	sadd.s32 $0x400, s1;
	v11 =	vld.idx.msk [tilespmem:v11+s11+$0x0], $0xffff  }
0x60: {  	v14 =	vld.idx.msk [tilespmem:v14+s11+$0x0], $0xffff;
	[tilespmem:s10+$0x180] =	vst v13  }
0x61: {  	v13 =	vld.idx.msk [tilespmem:v17+s11+$0x0], $0xffff;
	[tilespmem:s10+$0xFFFFFE80] =	vst v12  }
0x62: {  	v8 =	vld.idx.msk [tilespmem:v8+s11+$0x0], $0xffff;
	[tilespmem:s10+$0xFFFFFF00] =	vst v10  }
0x63: {  	[tilespmem:s10+$0xFFFFFF80] =	vst v9  }
0x64: {  	[tilespmem:s10+$0x0] =	vst v11  }
0x65: {  	[tilespmem:s10+$0x80] =	vst v14  }
0x66: {  	[tilespmem:s10+$0x100] =	vst v13  }
0x67: {  	[tilespmem:s10+$0xFFFFFE00] =	vst v8  }
0x68: {  	v8 =	vld [tilespmem:s28+$0x10];
	_ =	sdelay $0x4  }
0x69: {  	v8 =	vshll.u32 v8, $0x6  }
0x6a: {  	v8 =	vand.u32 $0x40, v8  }
0x6b: {  	s1 =	simm.s32 $0x7;
	v8 =	vor.u32 v1, v8  }
0x6c: {  	s10 =	simm.s32 $0x1;
	v9 =	vor.u32 s1, v8  }
0x6d: {  	v10 =	vor.u32 s10, v8;
	s1 =	simm.s32 $0x2  }
0x6e: {  	s10 =	simm.s32 $0x3;
	v11 =	vor.u32 s1, v8  }
0x6f: {  	v12 =	vor.u32 s10, v8;
	s1 =	simm.s32 $0x4  }
0x70: {  	s10 =	simm.s32 $0x5;
	v13 =	vor.u32 s1, v8  }
0x71: {  	v14 =	vor.u32 s10, v8;
	s1 =	simm.s32 $0x6;
	v9 =	vld.idx.msk [tilespmem:v9+s11+$0x0], $0xffff  }
0x72: {  	s0 =	simm.s32 $0xF;
	v15 =	vor.u32 s1, v8;
	v10 =	vld.idx.msk [tilespmem:v10+s11+$0x0], $0xffff  }
0x73: {  	v19 =	vor.u32 s0, v8;
	s10 =	simm.s32 $0x0;
	v17 =	vld.idx.msk [tilespmem:v11+s11+$0x0], $0xffff  }
0x74: {  	v16 =	vor.u32 s10, v8;
	s1 =	simm.s32 $0xA;
	v20 =	vld.idx.msk [tilespmem:v12+s11+$0x0], $0xffff  }
0x75: {  	s10 =	simm.s32 $0x9;
	v23 =	vor.u32 s1, v8;
	v22 =	vld.idx.msk [tilespmem:v13+s11+$0x0], $0xffff  }
0x76: {  	s29 =	simm.s32 $0xBA10;
	v21 =	vor.u32 s10, v8;
	s10 =	simm.s32 $0xB;
	v13 =	vld.idx.msk [tilespmem:v14+s11+$0x0], $0xffff  }
0x77: {  	s0 =	simm.s32 $0xC;
	v18 =	vor.u32 s10, v8;
	v12 =	vld.idx.msk [tilespmem:v15+s11+$0x0], $0xffff;
	[tilespmem:s29+$0x180] =	vst v9  }
0x78: {  	s1 =	simm.s32 $0xD;
	[tilespmem:s29+$0xFFFFFE80] =	vst v10;
	v9 =	vld.idx.msk [tilespmem:v19+s11+$0x0], $0xffff;
	v19 =	vor.u32 s0, v8  }
0x79: {  	v11 =	vld.idx.msk [tilespmem:v16+s11+$0x0], $0xffff;
	v16 =	vor.u32 s1, v8;
	s1 =	simm.s32 $0xE;
	[tilespmem:s29+$0xFFFFFF00] =	vst v17  }
0x7a: {  	s10 =	simm.s32 $0x8;
	v14 =	vld.idx.msk [tilespmem:v23+s11+$0x0], $0xffff;
	[tilespmem:s29+$0xFFFFFF80] =	vst v20;
	v17 =	vor.u32 s1, v8  }
0x7b: {  	s31 =	simm.s32 $0x18;
	s30 =	simm.s32 $0x10;
	v15 =	vor.u32 s10, v8;
	v10 =	vld.idx.msk [tilespmem:v21+s11+$0x0], $0xffff;
	s1 =	simm.s32 $0x17;
	[tilespmem:s29+$0x0] =	vst v22  }
.LBB2_7:
0x7c: {  	p1 =	slt.u32 s31, $0x38;
	s0 =	sadd.s32 $0x1, s30;
	v20 =	vor.u32 s1, v8;
	v21 =	vld.idx.msk [tilespmem:v18+s11+$0x0], $0xffff;
	[tilespmem:s29+$0x80] =	vst v13  }
0x7d: {  	v22 =	vor.u32 s0, v8;
	s0 =	sadd.s32 $0x2, s30;
	v23 =	vld.idx.msk [tilespmem:v19+s11+$0x0], $0xffff;
	[tilespmem:s29+$0x100] =	vst v12  }
0x7e: {  	v24 =	vor.u32 s0, v8;
	s0 =	sadd.s32 $0x3, s30;
	v13 =	vld.idx.msk [tilespmem:v16+s11+$0x0], $0xffff;
	[tilespmem:s29+$0xFFFFFE00] =	vst v11;
	s29 =	sadd.s32 $0x400, s29  }
.Ltmp2:
0x7f: {  	v18 =	vor.u32 s0, v8;
	s0 =	sadd.s32 $0x4, s30;
	v12 =	vld.idx.msk [tilespmem:v17+s11+$0x0], $0xffff;
	[tilespmem:s29+$0x180] =	vst v9;
	(pc) =	sbr.rel @p1 .LBB2_7-.Ltmp2, $4  }
0x80: {  	v19 =	vor.u32 s0, v8;
	s0 =	sadd.s32 $0x5, s30;
	v11 =	vld.idx.msk [tilespmem:v15+s11+$0x0], $0xffff;
	[tilespmem:s29+$0xFFFFFE80] =	vst v10  }
0x81: {  	v16 =	vor.u32 s0, v8;
	s0 =	sadd.s32 $0x6, s30;
	v9 =	vld.idx.msk [tilespmem:v20+s11+$0x0], $0xffff;
	[tilespmem:s29+$0xFFFFFF00] =	vst v14  }
0x82: {  	v10 =	vld.idx.msk [tilespmem:v22+s11+$0x0], $0xffff;
	v17 =	vor.u32 s0, v8;
	[tilespmem:s29+$0xFFFFFF80] =	vst v21  }
0x83: {  	s1 =	sadd.s32 $0x7, s31;
	v15 =	vor.u32 s30, v8;
	s30 =	smov.u32 s31;
	s31 =	sadd.s32 $0x8, s31;
	v14 =	vld.idx.msk [tilespmem:v24+s11+$0x0], $0xffff;
	[tilespmem:s29+$0x0] =	vst v23  }
0x84: {  	_ =	sdelay $0x2  }
0x85: {  	[tilespmem:s29+$0x80] =	vst v13  }
0x86: {  	s0 =	sadd.s32 $0x1, s30;
	v13 =	vor.u32 s1, v8;
	v18 =	vld.idx.msk [tilespmem:v18+s11+$0x0], $0xffff;
	[tilespmem:s29+$0x100] =	vst v12  }
0x87: {  	s10 =	sadd.s32 $0x2, s30;
	v19 =	vld.idx.msk [tilespmem:v19+s11+$0x0], $0xffff;
	s1 =	sadd.s32 $0x400, s29;
	v12 =	vor.u32 s0, v8;
	[tilespmem:s29+$0xFFFFFE00] =	vst v11  }
0x88: {  	v16 =	vld.idx.msk [tilespmem:v16+s11+$0x0], $0xffff;
	v11 =	vor.u32 s10, v8;
	s10 =	sadd.s32 $0x3, s30;
	[tilespmem:s1+$0x180] =	vst v9  }
0x89: {  	v17 =	vld.idx.msk [tilespmem:v17+s11+$0x0], $0xffff;
	v9 =	vor.u32 s10, v8;
	s10 =	sadd.s32 $0x4, s30;
	[tilespmem:s1+$0xFFFFFE80] =	vst v10  }
0x8a: {  	v15 =	vld.idx.msk [tilespmem:v15+s11+$0x0], $0xffff;
	v10 =	vor.u32 s10, v8;
	s10 =	sadd.s32 $0x5, s30;
	[tilespmem:s1+$0xFFFFFF00] =	vst v14  }
0x8b: {  	v14 =	vor.u32 s10, v8;
	s10 =	sadd.s32 $0x6, s30;
	v13 =	vld.idx.msk [tilespmem:v13+s11+$0x0], $0xffff;
	[tilespmem:s1+$0xFFFFFF80] =	vst v18  }
0x8c: {  	v18 =	vor.u32 s10, v8;
	[tilespmem:s1+$0x0] =	vst v19;
	v12 =	vld.idx.msk [tilespmem:v12+s11+$0x0], $0xffff  }
0x8d: {  	v8 =	vor.u32 s30, v8;
	[tilespmem:s1+$0x80] =	vst v16;
	v11 =	vld.idx.msk [tilespmem:v11+s11+$0x0], $0xffff  }
0x8e: {  	[tilespmem:s1+$0x100] =	vst v17;
	v9 =	vld.idx.msk [tilespmem:v9+s11+$0x0], $0xffff  }
0x8f: {  	[tilespmem:s1+$0xFFFFFE00] =	vst v15;
	s10 =	sadd.s32 $0x400, s1;
	v10 =	vld.idx.msk [tilespmem:v10+s11+$0x0], $0xffff  }
0x90: {  	v14 =	vld.idx.msk [tilespmem:v14+s11+$0x0], $0xffff;
	[tilespmem:s10+$0x180] =	vst v13  }
0x91: {  	v13 =	vld.idx.msk [tilespmem:v18+s11+$0x0], $0xffff;
	[tilespmem:s10+$0xFFFFFE80] =	vst v12  }
0x92: {  	v8 =	vld.idx.msk [tilespmem:v8+s11+$0x0], $0xffff;
	[tilespmem:s10+$0xFFFFFF00] =	vst v11  }
0x93: {  	[tilespmem:s10+$0xFFFFFF80] =	vst v9  }
0x94: {  	[tilespmem:s10+$0x0] =	vst v10  }
0x95: {  	[tilespmem:s10+$0x80] =	vst v14  }
0x96: {  	[tilespmem:s10+$0x100] =	vst v13  }
0x97: {  	[tilespmem:s10+$0xFFFFFE00] =	vst v8  }
0x98: {  	v8 =	vld [tilespmem:s28+$0x20];
	_ =	sdelay $0x4  }
0x99: {  	v8 =	vshll.u32 v8, $0x6  }
0x9a: {  	v8 =	vand.u32 $0x40, v8  }
0x9b: {  	s1 =	simm.s32 $0x7;
	v8 =	vor.u32 v2, v8  }
0x9c: {  	s10 =	simm.s32 $0x1;
	v9 =	vor.u32 s1, v8  }
0x9d: {  	v10 =	vor.u32 s10, v8;
	s1 =	simm.s32 $0x2  }
0x9e: {  	s10 =	simm.s32 $0x3;
	v11 =	vor.u32 s1, v8  }
0x9f: {  	v12 =	vor.u32 s10, v8;
	s1 =	simm.s32 $0x4  }
0xa0: {  	s10 =	simm.s32 $0x5;
	v13 =	vor.u32 s1, v8  }
0xa1: {  	v14 =	vor.u32 s10, v8;
	s1 =	simm.s32 $0x6;
	v9 =	vld.idx.msk [tilespmem:v9+s11+$0x0], $0xffff  }
0xa2: {  	s0 =	simm.s32 $0xF;
	v15 =	vor.u32 s1, v8;
	v10 =	vld.idx.msk [tilespmem:v10+s11+$0x0], $0xffff  }
0xa3: {  	v19 =	vor.u32 s0, v8;
	s10 =	simm.s32 $0x0;
	v17 =	vld.idx.msk [tilespmem:v11+s11+$0x0], $0xffff  }
0xa4: {  	v16 =	vor.u32 s10, v8;
	s1 =	simm.s32 $0xA;
	v20 =	vld.idx.msk [tilespmem:v12+s11+$0x0], $0xffff  }
0xa5: {  	s10 =	simm.s32 $0x9;
	v23 =	vor.u32 s1, v8;
	v22 =	vld.idx.msk [tilespmem:v13+s11+$0x0], $0xffff  }
0xa6: {  	s29 =	simm.s32 $0xBA20;
	v21 =	vor.u32 s10, v8;
	s10 =	simm.s32 $0xB;
	v13 =	vld.idx.msk [tilespmem:v14+s11+$0x0], $0xffff  }
0xa7: {  	s0 =	simm.s32 $0xC;
	v18 =	vor.u32 s10, v8;
	v12 =	vld.idx.msk [tilespmem:v15+s11+$0x0], $0xffff;
	[tilespmem:s29+$0x180] =	vst v9  }
0xa8: {  	s1 =	simm.s32 $0xD;
	[tilespmem:s29+$0xFFFFFE80] =	vst v10;
	v9 =	vld.idx.msk [tilespmem:v19+s11+$0x0], $0xffff;
	v19 =	vor.u32 s0, v8  }
0xa9: {  	v11 =	vld.idx.msk [tilespmem:v16+s11+$0x0], $0xffff;
	v16 =	vor.u32 s1, v8;
	s1 =	simm.s32 $0xE;
	[tilespmem:s29+$0xFFFFFF00] =	vst v17  }
0xaa: {  	s10 =	simm.s32 $0x8;
	v14 =	vld.idx.msk [tilespmem:v23+s11+$0x0], $0xffff;
	[tilespmem:s29+$0xFFFFFF80] =	vst v20;
	v17 =	vor.u32 s1, v8  }
0xab: {  	s31 =	simm.s32 $0x18;
	s30 =	simm.s32 $0x10;
	v15 =	vor.u32 s10, v8;
	v10 =	vld.idx.msk [tilespmem:v21+s11+$0x0], $0xffff;
	s1 =	simm.s32 $0x17;
	[tilespmem:s29+$0x0] =	vst v22  }
.LBB2_9:
0xac: {  	p1 =	slt.u32 s31, $0x38;
	s0 =	sadd.s32 $0x1, s30;
	v20 =	vor.u32 s1, v8;
	v21 =	vld.idx.msk [tilespmem:v18+s11+$0x0], $0xffff;
	[tilespmem:s29+$0x80] =	vst v13  }
0xad: {  	v22 =	vor.u32 s0, v8;
	s0 =	sadd.s32 $0x2, s30;
	v23 =	vld.idx.msk [tilespmem:v19+s11+$0x0], $0xffff;
	[tilespmem:s29+$0x100] =	vst v12  }
0xae: {  	v24 =	vor.u32 s0, v8;
	s0 =	sadd.s32 $0x3, s30;
	v13 =	vld.idx.msk [tilespmem:v16+s11+$0x0], $0xffff;
	[tilespmem:s29+$0xFFFFFE00] =	vst v11;
	s29 =	sadd.s32 $0x400, s29  }
.Ltmp3:
0xaf: {  	v18 =	vor.u32 s0, v8;
	s0 =	sadd.s32 $0x4, s30;
	v12 =	vld.idx.msk [tilespmem:v17+s11+$0x0], $0xffff;
	[tilespmem:s29+$0x180] =	vst v9;
	(pc) =	sbr.rel @p1 .LBB2_9-.Ltmp3, $4  }
0xb0: {  	v19 =	vor.u32 s0, v8;
	s0 =	sadd.s32 $0x5, s30;
	v11 =	vld.idx.msk [tilespmem:v15+s11+$0x0], $0xffff;
	[tilespmem:s29+$0xFFFFFE80] =	vst v10  }
0xb1: {  	v16 =	vor.u32 s0, v8;
	s0 =	sadd.s32 $0x6, s30;
	v9 =	vld.idx.msk [tilespmem:v20+s11+$0x0], $0xffff;
	[tilespmem:s29+$0xFFFFFF00] =	vst v14  }
0xb2: {  	v10 =	vld.idx.msk [tilespmem:v22+s11+$0x0], $0xffff;
	v17 =	vor.u32 s0, v8;
	[tilespmem:s29+$0xFFFFFF80] =	vst v21  }
0xb3: {  	s1 =	sadd.s32 $0x7, s31;
	v15 =	vor.u32 s30, v8;
	s30 =	smov.u32 s31;
	s31 =	sadd.s32 $0x8, s31;
	v14 =	vld.idx.msk [tilespmem:v24+s11+$0x0], $0xffff;
	[tilespmem:s29+$0x0] =	vst v23  }
0xb4: {  	_ =	sdelay $0x2  }
0xb5: {  	[tilespmem:s29+$0x80] =	vst v13  }
0xb6: {  	s0 =	sadd.s32 $0x1, s30;
	v13 =	vor.u32 s1, v8;
	v18 =	vld.idx.msk [tilespmem:v18+s11+$0x0], $0xffff;
	[tilespmem:s29+$0x100] =	vst v12  }
0xb7: {  	s10 =	sadd.s32 $0x2, s30;
	v19 =	vld.idx.msk [tilespmem:v19+s11+$0x0], $0xffff;
	s1 =	sadd.s32 $0x400, s29;
	v12 =	vor.u32 s0, v8;
	[tilespmem:s29+$0xFFFFFE00] =	vst v11  }
0xb8: {  	v16 =	vld.idx.msk [tilespmem:v16+s11+$0x0], $0xffff;
	v11 =	vor.u32 s10, v8;
	s10 =	sadd.s32 $0x3, s30;
	[tilespmem:s1+$0x180] =	vst v9  }
0xb9: {  	v17 =	vld.idx.msk [tilespmem:v17+s11+$0x0], $0xffff;
	v9 =	vor.u32 s10, v8;
	s10 =	sadd.s32 $0x4, s30;
	[tilespmem:s1+$0xFFFFFE80] =	vst v10  }
0xba: {  	v15 =	vld.idx.msk [tilespmem:v15+s11+$0x0], $0xffff;
	v10 =	vor.u32 s10, v8;
	s10 =	sadd.s32 $0x5, s30;
	[tilespmem:s1+$0xFFFFFF00] =	vst v14  }
0xbb: {  	v14 =	vor.u32 s10, v8;
	s10 =	sadd.s32 $0x6, s30;
	v13 =	vld.idx.msk [tilespmem:v13+s11+$0x0], $0xffff;
	[tilespmem:s1+$0xFFFFFF80] =	vst v18  }
0xbc: {  	v18 =	vor.u32 s10, v8;
	[tilespmem:s1+$0x0] =	vst v19;
	v12 =	vld.idx.msk [tilespmem:v12+s11+$0x0], $0xffff  }
0xbd: {  	v8 =	vor.u32 s30, v8;
	[tilespmem:s1+$0x80] =	vst v16;
	v11 =	vld.idx.msk [tilespmem:v11+s11+$0x0], $0xffff  }
0xbe: {  	[tilespmem:s1+$0x100] =	vst v17;
	v9 =	vld.idx.msk [tilespmem:v9+s11+$0x0], $0xffff  }
0xbf: {  	[tilespmem:s1+$0xFFFFFE00] =	vst v15;
	s10 =	sadd.s32 $0x400, s1;
	v10 =	vld.idx.msk [tilespmem:v10+s11+$0x0], $0xffff  }
0xc0: {  	v14 =	vld.idx.msk [tilespmem:v14+s11+$0x0], $0xffff;
	[tilespmem:s10+$0x180] =	vst v13  }
0xc1: {  	v13 =	vld.idx.msk [tilespmem:v18+s11+$0x0], $0xffff;
	[tilespmem:s10+$0xFFFFFE80] =	vst v12  }
0xc2: {  	v8 =	vld.idx.msk [tilespmem:v8+s11+$0x0], $0xffff;
	[tilespmem:s10+$0xFFFFFF00] =	vst v11  }
0xc3: {  	[tilespmem:s10+$0xFFFFFF80] =	vst v9  }
0xc4: {  	[tilespmem:s10+$0x0] =	vst v10  }
0xc5: {  	[tilespmem:s10+$0x80] =	vst v14  }
0xc6: {  	[tilespmem:s10+$0x100] =	vst v13  }
0xc7: {  	[tilespmem:s10+$0xFFFFFE00] =	vst v8  }
0xc8: {  	v8 =	vld [tilespmem:s28+$0x30];
	_ =	sdelay $0x4  }
0xc9: {  	v8 =	vshll.u32 v8, $0x6  }
0xca: {  	v8 =	vand.u32 $0x40, v8  }
0xcb: {  	s1 =	simm.s32 $0x7;
	v8 =	vor.u32 v3, v8  }
0xcc: {  	s10 =	simm.s32 $0x1;
	v9 =	vor.u32 s1, v8  }
0xcd: {  	v10 =	vor.u32 s10, v8;
	s1 =	simm.s32 $0x2  }
0xce: {  	s10 =	simm.s32 $0x3;
	v11 =	vor.u32 s1, v8  }
0xcf: {  	v12 =	vor.u32 s10, v8;
	s1 =	simm.s32 $0x4  }
0xd0: {  	s10 =	simm.s32 $0x5;
	v13 =	vor.u32 s1, v8  }
0xd1: {  	v14 =	vor.u32 s10, v8;
	s1 =	simm.s32 $0x6;
	v9 =	vld.idx.msk [tilespmem:v9+s11+$0x0], $0xffff  }
0xd2: {  	s0 =	simm.s32 $0xF;
	v15 =	vor.u32 s1, v8;
	v10 =	vld.idx.msk [tilespmem:v10+s11+$0x0], $0xffff  }
0xd3: {  	v19 =	vor.u32 s0, v8;
	s10 =	simm.s32 $0x0;
	v17 =	vld.idx.msk [tilespmem:v11+s11+$0x0], $0xffff  }
0xd4: {  	v16 =	vor.u32 s10, v8;
	s1 =	simm.s32 $0xA;
	v20 =	vld.idx.msk [tilespmem:v12+s11+$0x0], $0xffff  }
0xd5: {  	s10 =	simm.s32 $0x9;
	v23 =	vor.u32 s1, v8;
	v22 =	vld.idx.msk [tilespmem:v13+s11+$0x0], $0xffff  }
0xd6: {  	s29 =	simm.s32 $0xBA30;
	v21 =	vor.u32 s10, v8;
	s10 =	simm.s32 $0xB;
	v13 =	vld.idx.msk [tilespmem:v14+s11+$0x0], $0xffff  }
0xd7: {  	s0 =	simm.s32 $0xC;
	v18 =	vor.u32 s10, v8;
	v12 =	vld.idx.msk [tilespmem:v15+s11+$0x0], $0xffff;
	[tilespmem:s29+$0x180] =	vst v9  }
0xd8: {  	s1 =	simm.s32 $0xD;
	[tilespmem:s29+$0xFFFFFE80] =	vst v10;
	v9 =	vld.idx.msk [tilespmem:v19+s11+$0x0], $0xffff;
	v19 =	vor.u32 s0, v8  }
0xd9: {  	v11 =	vld.idx.msk [tilespmem:v16+s11+$0x0], $0xffff;
	v16 =	vor.u32 s1, v8;
	s1 =	simm.s32 $0xE;
	[tilespmem:s29+$0xFFFFFF00] =	vst v17  }
0xda: {  	s10 =	simm.s32 $0x8;
	v14 =	vld.idx.msk [tilespmem:v23+s11+$0x0], $0xffff;
	[tilespmem:s29+$0xFFFFFF80] =	vst v20;
	v17 =	vor.u32 s1, v8  }
0xdb: {  	s31 =	simm.s32 $0x18;
	s30 =	simm.s32 $0x10;
	v15 =	vor.u32 s10, v8;
	v10 =	vld.idx.msk [tilespmem:v21+s11+$0x0], $0xffff;
	s1 =	simm.s32 $0x17;
	[tilespmem:s29+$0x0] =	vst v22  }
.LBB2_11:
0xdc: {  	p1 =	slt.u32 s31, $0x38;
	s0 =	sadd.s32 $0x1, s30;
	v20 =	vor.u32 s1, v8;
	v21 =	vld.idx.msk [tilespmem:v18+s11+$0x0], $0xffff;
	[tilespmem:s29+$0x80] =	vst v13  }
0xdd: {  	v22 =	vor.u32 s0, v8;
	s0 =	sadd.s32 $0x2, s30;
	v23 =	vld.idx.msk [tilespmem:v19+s11+$0x0], $0xffff;
	[tilespmem:s29+$0x100] =	vst v12  }
0xde: {  	v24 =	vor.u32 s0, v8;
	s0 =	sadd.s32 $0x3, s30;
	v13 =	vld.idx.msk [tilespmem:v16+s11+$0x0], $0xffff;
	[tilespmem:s29+$0xFFFFFE00] =	vst v11;
	s29 =	sadd.s32 $0x400, s29  }
.Ltmp4:
0xdf: {  	v18 =	vor.u32 s0, v8;
	s0 =	sadd.s32 $0x4, s30;
	v12 =	vld.idx.msk [tilespmem:v17+s11+$0x0], $0xffff;
	[tilespmem:s29+$0x180] =	vst v9;
	(pc) =	sbr.rel @p1 .LBB2_11-.Ltmp4, $4  }
0xe0: {  	v19 =	vor.u32 s0, v8;
	s0 =	sadd.s32 $0x5, s30;
	v11 =	vld.idx.msk [tilespmem:v15+s11+$0x0], $0xffff;
	[tilespmem:s29+$0xFFFFFE80] =	vst v10  }
0xe1: {  	v16 =	vor.u32 s0, v8;
	s0 =	sadd.s32 $0x6, s30;
	v9 =	vld.idx.msk [tilespmem:v20+s11+$0x0], $0xffff;
	[tilespmem:s29+$0xFFFFFF00] =	vst v14  }
0xe2: {  	v10 =	vld.idx.msk [tilespmem:v22+s11+$0x0], $0xffff;
	v17 =	vor.u32 s0, v8;
	[tilespmem:s29+$0xFFFFFF80] =	vst v21  }
0xe3: {  	s1 =	sadd.s32 $0x7, s31;
	v15 =	vor.u32 s30, v8;
	s30 =	smov.u32 s31;
	s31 =	sadd.s32 $0x8, s31;
	v14 =	vld.idx.msk [tilespmem:v24+s11+$0x0], $0xffff;
	[tilespmem:s29+$0x0] =	vst v23  }
0xe4: {  	_ =	sdelay $0x2  }
0xe5: {  	[tilespmem:s29+$0x80] =	vst v13  }
0xe6: {  	s0 =	sadd.s32 $0x1, s30;
	v13 =	vor.u32 s1, v8;
	v18 =	vld.idx.msk [tilespmem:v18+s11+$0x0], $0xffff;
	[tilespmem:s29+$0x100] =	vst v12  }
0xe7: {  	s10 =	sadd.s32 $0x2, s30;
	v19 =	vld.idx.msk [tilespmem:v19+s11+$0x0], $0xffff;
	s1 =	sadd.s32 $0x400, s29;
	v12 =	vor.u32 s0, v8;
	[tilespmem:s29+$0xFFFFFE00] =	vst v11  }
0xe8: {  	v16 =	vld.idx.msk [tilespmem:v16+s11+$0x0], $0xffff;
	v11 =	vor.u32 s10, v8;
	s10 =	sadd.s32 $0x3, s30;
	[tilespmem:s1+$0x180] =	vst v9  }
0xe9: {  	v17 =	vld.idx.msk [tilespmem:v17+s11+$0x0], $0xffff;
	v9 =	vor.u32 s10, v8;
	s10 =	sadd.s32 $0x4, s30;
	[tilespmem:s1+$0xFFFFFE80] =	vst v10  }
0xea: {  	v15 =	vld.idx.msk [tilespmem:v15+s11+$0x0], $0xffff;
	v10 =	vor.u32 s10, v8;
	s10 =	sadd.s32 $0x5, s30;
	[tilespmem:s1+$0xFFFFFF00] =	vst v14  }
0xeb: {  	v14 =	vor.u32 s10, v8;
	s10 =	sadd.s32 $0x6, s30;
	v13 =	vld.idx.msk [tilespmem:v13+s11+$0x0], $0xffff;
	[tilespmem:s1+$0xFFFFFF80] =	vst v18  }
0xec: {  	v18 =	vor.u32 s10, v8;
	[tilespmem:s1+$0x0] =	vst v19;
	v12 =	vld.idx.msk [tilespmem:v12+s11+$0x0], $0xffff  }
0xed: {  	v8 =	vor.u32 s30, v8;
	[tilespmem:s1+$0x80] =	vst v16;
	v11 =	vld.idx.msk [tilespmem:v11+s11+$0x0], $0xffff  }
0xee: {  	[tilespmem:s1+$0x100] =	vst v17;
	v9 =	vld.idx.msk [tilespmem:v9+s11+$0x0], $0xffff  }
0xef: {  	[tilespmem:s1+$0xFFFFFE00] =	vst v15;
	s10 =	sadd.s32 $0x400, s1;
	v10 =	vld.idx.msk [tilespmem:v10+s11+$0x0], $0xffff  }
0xf0: {  	v14 =	vld.idx.msk [tilespmem:v14+s11+$0x0], $0xffff;
	[tilespmem:s10+$0x180] =	vst v13  }
0xf1: {  	v13 =	vld.idx.msk [tilespmem:v18+s11+$0x0], $0xffff;
	[tilespmem:s10+$0xFFFFFE80] =	vst v12  }
0xf2: {  	v8 =	vld.idx.msk [tilespmem:v8+s11+$0x0], $0xffff;
	[tilespmem:s10+$0xFFFFFF00] =	vst v11  }
0xf3: {  	[tilespmem:s10+$0xFFFFFF80] =	vst v9  }
0xf4: {  	[tilespmem:s10+$0x0] =	vst v10  }
0xf5: {  	[tilespmem:s10+$0x80] =	vst v14  }
0xf6: {  	[tilespmem:s10+$0x100] =	vst v13  }
0xf7: {  	[tilespmem:s10+$0xFFFFFE00] =	vst v8  }
0xf8: {  	v8 =	vld [tilespmem:s28+$0x40];
	_ =	sdelay $0x4  }
0xf9: {  	v8 =	vshll.u32 v8, $0x6  }
0xfa: {  	v8 =	vand.u32 $0x40, v8  }
0xfb: {  	s1 =	simm.s32 $0x7;
	v8 =	vor.u32 v4, v8  }
0xfc: {  	s10 =	simm.s32 $0x1;
	v9 =	vor.u32 s1, v8  }
0xfd: {  	v10 =	vor.u32 s10, v8;
	s1 =	simm.s32 $0x2  }
0xfe: {  	s10 =	simm.s32 $0x3;
	v11 =	vor.u32 s1, v8  }
0xff: {  	v12 =	vor.u32 s10, v8;
	s1 =	simm.s32 $0x4  }
0x100: {  	s10 =	simm.s32 $0x5;
	v13 =	vor.u32 s1, v8  }
0x101: {  	v14 =	vor.u32 s10, v8;
	s1 =	simm.s32 $0x6;
	v9 =	vld.idx.msk [tilespmem:v9+s11+$0x0], $0xffff  }
0x102: {  	s0 =	simm.s32 $0xF;
	v15 =	vor.u32 s1, v8;
	v10 =	vld.idx.msk [tilespmem:v10+s11+$0x0], $0xffff  }
0x103: {  	v19 =	vor.u32 s0, v8;
	s10 =	simm.s32 $0x0;
	v17 =	vld.idx.msk [tilespmem:v11+s11+$0x0], $0xffff  }
0x104: {  	v16 =	vor.u32 s10, v8;
	s1 =	simm.s32 $0xA;
	v20 =	vld.idx.msk [tilespmem:v12+s11+$0x0], $0xffff  }
0x105: {  	s10 =	simm.s32 $0x9;
	v23 =	vor.u32 s1, v8;
	v22 =	vld.idx.msk [tilespmem:v13+s11+$0x0], $0xffff  }
0x106: {  	s29 =	simm.s32 $0xBA40;
	v21 =	vor.u32 s10, v8;
	s10 =	simm.s32 $0xB;
	v13 =	vld.idx.msk [tilespmem:v14+s11+$0x0], $0xffff  }
0x107: {  	s0 =	simm.s32 $0xC;
	v18 =	vor.u32 s10, v8;
	v12 =	vld.idx.msk [tilespmem:v15+s11+$0x0], $0xffff;
	[tilespmem:s29+$0x180] =	vst v9  }
0x108: {  	s1 =	simm.s32 $0xD;
	[tilespmem:s29+$0xFFFFFE80] =	vst v10;
	v9 =	vld.idx.msk [tilespmem:v19+s11+$0x0], $0xffff;
	v19 =	vor.u32 s0, v8  }
0x109: {  	v11 =	vld.idx.msk [tilespmem:v16+s11+$0x0], $0xffff;
	v16 =	vor.u32 s1, v8;
	s1 =	simm.s32 $0xE;
	[tilespmem:s29+$0xFFFFFF00] =	vst v17  }
0x10a: {  	s10 =	simm.s32 $0x8;
	v14 =	vld.idx.msk [tilespmem:v23+s11+$0x0], $0xffff;
	[tilespmem:s29+$0xFFFFFF80] =	vst v20;
	v17 =	vor.u32 s1, v8  }
0x10b: {  	s31 =	simm.s32 $0x18;
	s30 =	simm.s32 $0x10;
	v15 =	vor.u32 s10, v8;
	v10 =	vld.idx.msk [tilespmem:v21+s11+$0x0], $0xffff;
	s1 =	simm.s32 $0x17;
	[tilespmem:s29+$0x0] =	vst v22  }
.LBB2_13:
0x10c: {  	p1 =	slt.u32 s31, $0x38;
	s0 =	sadd.s32 $0x1, s30;
	v20 =	vor.u32 s1, v8;
	v21 =	vld.idx.msk [tilespmem:v18+s11+$0x0], $0xffff;
	[tilespmem:s29+$0x80] =	vst v13  }
0x10d: {  	v22 =	vor.u32 s0, v8;
	s0 =	sadd.s32 $0x2, s30;
	v23 =	vld.idx.msk [tilespmem:v19+s11+$0x0], $0xffff;
	[tilespmem:s29+$0x100] =	vst v12  }
0x10e: {  	v24 =	vor.u32 s0, v8;
	s0 =	sadd.s32 $0x3, s30;
	v13 =	vld.idx.msk [tilespmem:v16+s11+$0x0], $0xffff;
	[tilespmem:s29+$0xFFFFFE00] =	vst v11;
	s29 =	sadd.s32 $0x400, s29  }
.Ltmp5:
0x10f: {  	v18 =	vor.u32 s0, v8;
	s0 =	sadd.s32 $0x4, s30;
	v12 =	vld.idx.msk [tilespmem:v17+s11+$0x0], $0xffff;
	[tilespmem:s29+$0x180] =	vst v9;
	(pc) =	sbr.rel @p1 .LBB2_13-.Ltmp5, $4  }
0x110: {  	v19 =	vor.u32 s0, v8;
	s0 =	sadd.s32 $0x5, s30;
	v11 =	vld.idx.msk [tilespmem:v15+s11+$0x0], $0xffff;
	[tilespmem:s29+$0xFFFFFE80] =	vst v10  }
0x111: {  	v16 =	vor.u32 s0, v8;
	s0 =	sadd.s32 $0x6, s30;
	v9 =	vld.idx.msk [tilespmem:v20+s11+$0x0], $0xffff;
	[tilespmem:s29+$0xFFFFFF00] =	vst v14  }
0x112: {  	v10 =	vld.idx.msk [tilespmem:v22+s11+$0x0], $0xffff;
	v17 =	vor.u32 s0, v8;
	[tilespmem:s29+$0xFFFFFF80] =	vst v21  }
0x113: {  	s1 =	sadd.s32 $0x7, s31;
	v15 =	vor.u32 s30, v8;
	s30 =	smov.u32 s31;
	s31 =	sadd.s32 $0x8, s31;
	v14 =	vld.idx.msk [tilespmem:v24+s11+$0x0], $0xffff;
	[tilespmem:s29+$0x0] =	vst v23  }
0x114: {  	_ =	sdelay $0x2  }
0x115: {  	[tilespmem:s29+$0x80] =	vst v13  }
0x116: {  	s0 =	sadd.s32 $0x1, s30;
	v13 =	vor.u32 s1, v8;
	v18 =	vld.idx.msk [tilespmem:v18+s11+$0x0], $0xffff;
	[tilespmem:s29+$0x100] =	vst v12  }
0x117: {  	s10 =	sadd.s32 $0x2, s30;
	v19 =	vld.idx.msk [tilespmem:v19+s11+$0x0], $0xffff;
	s1 =	sadd.s32 $0x400, s29;
	v12 =	vor.u32 s0, v8;
	[tilespmem:s29+$0xFFFFFE00] =	vst v11  }
0x118: {  	v16 =	vld.idx.msk [tilespmem:v16+s11+$0x0], $0xffff;
	v11 =	vor.u32 s10, v8;
	s10 =	sadd.s32 $0x3, s30;
	[tilespmem:s1+$0x180] =	vst v9  }
0x119: {  	v17 =	vld.idx.msk [tilespmem:v17+s11+$0x0], $0xffff;
	v9 =	vor.u32 s10, v8;
	s10 =	sadd.s32 $0x4, s30;
	[tilespmem:s1+$0xFFFFFE80] =	vst v10  }
0x11a: {  	v15 =	vld.idx.msk [tilespmem:v15+s11+$0x0], $0xffff;
	v10 =	vor.u32 s10, v8;
	s10 =	sadd.s32 $0x5, s30;
	[tilespmem:s1+$0xFFFFFF00] =	vst v14  }
0x11b: {  	v14 =	vor.u32 s10, v8;
	s10 =	sadd.s32 $0x6, s30;
	v13 =	vld.idx.msk [tilespmem:v13+s11+$0x0], $0xffff;
	[tilespmem:s1+$0xFFFFFF80] =	vst v18  }
0x11c: {  	v18 =	vor.u32 s10, v8;
	[tilespmem:s1+$0x0] =	vst v19;
	v12 =	vld.idx.msk [tilespmem:v12+s11+$0x0], $0xffff  }
0x11d: {  	v8 =	vor.u32 s30, v8;
	[tilespmem:s1+$0x80] =	vst v16;
	v11 =	vld.idx.msk [tilespmem:v11+s11+$0x0], $0xffff  }
0x11e: {  	[tilespmem:s1+$0x100] =	vst v17;
	v9 =	vld.idx.msk [tilespmem:v9+s11+$0x0], $0xffff  }
0x11f: {  	[tilespmem:s1+$0xFFFFFE00] =	vst v15;
	s10 =	sadd.s32 $0x400, s1;
	v10 =	vld.idx.msk [tilespmem:v10+s11+$0x0], $0xffff  }
0x120: {  	v14 =	vld.idx.msk [tilespmem:v14+s11+$0x0], $0xffff;
	[tilespmem:s10+$0x180] =	vst v13  }
0x121: {  	v13 =	vld.idx.msk [tilespmem:v18+s11+$0x0], $0xffff;
	[tilespmem:s10+$0xFFFFFE80] =	vst v12  }
0x122: {  	v8 =	vld.idx.msk [tilespmem:v8+s11+$0x0], $0xffff;
	[tilespmem:s10+$0xFFFFFF00] =	vst v11  }
0x123: {  	[tilespmem:s10+$0xFFFFFF80] =	vst v9  }
0x124: {  	[tilespmem:s10+$0x0] =	vst v10  }
0x125: {  	[tilespmem:s10+$0x80] =	vst v14  }
0x126: {  	[tilespmem:s10+$0x100] =	vst v13  }
0x127: {  	[tilespmem:s10+$0xFFFFFE00] =	vst v8  }
0x128: {  	v8 =	vld [tilespmem:s28+$0x50];
	_ =	sdelay $0x4  }
0x129: {  	v8 =	vshll.u32 v8, $0x6  }
0x12a: {  	v8 =	vand.u32 $0x40, v8  }
0x12b: {  	s1 =	simm.s32 $0x7;
	v8 =	vor.u32 v5, v8  }
0x12c: {  	s10 =	simm.s32 $0x1;
	v9 =	vor.u32 s1, v8  }
0x12d: {  	v10 =	vor.u32 s10, v8;
	s1 =	simm.s32 $0x2  }
0x12e: {  	s10 =	simm.s32 $0x3;
	v11 =	vor.u32 s1, v8  }
0x12f: {  	v12 =	vor.u32 s10, v8;
	s1 =	simm.s32 $0x4  }
0x130: {  	s10 =	simm.s32 $0x5;
	v13 =	vor.u32 s1, v8  }
0x131: {  	v14 =	vor.u32 s10, v8;
	s1 =	simm.s32 $0x6;
	v9 =	vld.idx.msk [tilespmem:v9+s11+$0x0], $0xffff  }
0x132: {  	s0 =	simm.s32 $0xF;
	v15 =	vor.u32 s1, v8;
	v10 =	vld.idx.msk [tilespmem:v10+s11+$0x0], $0xffff  }
0x133: {  	v19 =	vor.u32 s0, v8;
	s10 =	simm.s32 $0x0;
	v17 =	vld.idx.msk [tilespmem:v11+s11+$0x0], $0xffff  }
0x134: {  	v16 =	vor.u32 s10, v8;
	s1 =	simm.s32 $0xA;
	v20 =	vld.idx.msk [tilespmem:v12+s11+$0x0], $0xffff  }
0x135: {  	s10 =	simm.s32 $0x9;
	v23 =	vor.u32 s1, v8;
	v22 =	vld.idx.msk [tilespmem:v13+s11+$0x0], $0xffff  }
0x136: {  	s29 =	simm.s32 $0xBA50;
	v21 =	vor.u32 s10, v8;
	s10 =	simm.s32 $0xB;
	v13 =	vld.idx.msk [tilespmem:v14+s11+$0x0], $0xffff  }
0x137: {  	s0 =	simm.s32 $0xC;
	v18 =	vor.u32 s10, v8;
	v12 =	vld.idx.msk [tilespmem:v15+s11+$0x0], $0xffff;
	[tilespmem:s29+$0x180] =	vst v9  }
0x138: {  	s1 =	simm.s32 $0xD;
	[tilespmem:s29+$0xFFFFFE80] =	vst v10;
	v9 =	vld.idx.msk [tilespmem:v19+s11+$0x0], $0xffff;
	v19 =	vor.u32 s0, v8  }
0x139: {  	v11 =	vld.idx.msk [tilespmem:v16+s11+$0x0], $0xffff;
	v16 =	vor.u32 s1, v8;
	s1 =	simm.s32 $0xE;
	[tilespmem:s29+$0xFFFFFF00] =	vst v17  }
0x13a: {  	s10 =	simm.s32 $0x8;
	v14 =	vld.idx.msk [tilespmem:v23+s11+$0x0], $0xffff;
	[tilespmem:s29+$0xFFFFFF80] =	vst v20;
	v17 =	vor.u32 s1, v8  }
0x13b: {  	s31 =	simm.s32 $0x18;
	s30 =	simm.s32 $0x10;
	v15 =	vor.u32 s10, v8;
	v10 =	vld.idx.msk [tilespmem:v21+s11+$0x0], $0xffff;
	s1 =	simm.s32 $0x17;
	[tilespmem:s29+$0x0] =	vst v22  }
.LBB2_15:
0x13c: {  	p1 =	slt.u32 s31, $0x38;
	s0 =	sadd.s32 $0x1, s30;
	v20 =	vor.u32 s1, v8;
	v21 =	vld.idx.msk [tilespmem:v18+s11+$0x0], $0xffff;
	[tilespmem:s29+$0x80] =	vst v13  }
0x13d: {  	v22 =	vor.u32 s0, v8;
	s0 =	sadd.s32 $0x2, s30;
	v23 =	vld.idx.msk [tilespmem:v19+s11+$0x0], $0xffff;
	[tilespmem:s29+$0x100] =	vst v12  }
0x13e: {  	v24 =	vor.u32 s0, v8;
	s0 =	sadd.s32 $0x3, s30;
	v13 =	vld.idx.msk [tilespmem:v16+s11+$0x0], $0xffff;
	[tilespmem:s29+$0xFFFFFE00] =	vst v11;
	s29 =	sadd.s32 $0x400, s29  }
.Ltmp6:
0x13f: {  	v18 =	vor.u32 s0, v8;
	s0 =	sadd.s32 $0x4, s30;
	v12 =	vld.idx.msk [tilespmem:v17+s11+$0x0], $0xffff;
	[tilespmem:s29+$0x180] =	vst v9;
	(pc) =	sbr.rel @p1 .LBB2_15-.Ltmp6, $4  }
0x140: {  	v19 =	vor.u32 s0, v8;
	s0 =	sadd.s32 $0x5, s30;
	v11 =	vld.idx.msk [tilespmem:v15+s11+$0x0], $0xffff;
	[tilespmem:s29+$0xFFFFFE80] =	vst v10  }
0x141: {  	v16 =	vor.u32 s0, v8;
	s0 =	sadd.s32 $0x6, s30;
	v9 =	vld.idx.msk [tilespmem:v20+s11+$0x0], $0xffff;
	[tilespmem:s29+$0xFFFFFF00] =	vst v14  }
0x142: {  	v10 =	vld.idx.msk [tilespmem:v22+s11+$0x0], $0xffff;
	v17 =	vor.u32 s0, v8;
	[tilespmem:s29+$0xFFFFFF80] =	vst v21  }
0x143: {  	s1 =	sadd.s32 $0x7, s31;
	v15 =	vor.u32 s30, v8;
	s30 =	smov.u32 s31;
	s31 =	sadd.s32 $0x8, s31;
	v14 =	vld.idx.msk [tilespmem:v24+s11+$0x0], $0xffff;
	[tilespmem:s29+$0x0] =	vst v23  }
0x144: {  	_ =	sdelay $0x2  }
0x145: {  	[tilespmem:s29+$0x80] =	vst v13  }
0x146: {  	s0 =	sadd.s32 $0x1, s30;
	v13 =	vor.u32 s1, v8;
	v18 =	vld.idx.msk [tilespmem:v18+s11+$0x0], $0xffff;
	[tilespmem:s29+$0x100] =	vst v12  }
0x147: {  	s10 =	sadd.s32 $0x2, s30;
	v19 =	vld.idx.msk [tilespmem:v19+s11+$0x0], $0xffff;
	s1 =	sadd.s32 $0x400, s29;
	v12 =	vor.u32 s0, v8;
	[tilespmem:s29+$0xFFFFFE00] =	vst v11  }
0x148: {  	v16 =	vld.idx.msk [tilespmem:v16+s11+$0x0], $0xffff;
	v11 =	vor.u32 s10, v8;
	s10 =	sadd.s32 $0x3, s30;
	[tilespmem:s1+$0x180] =	vst v9  }
0x149: {  	v17 =	vld.idx.msk [tilespmem:v17+s11+$0x0], $0xffff;
	v9 =	vor.u32 s10, v8;
	s10 =	sadd.s32 $0x4, s30;
	[tilespmem:s1+$0xFFFFFE80] =	vst v10  }
0x14a: {  	v15 =	vld.idx.msk [tilespmem:v15+s11+$0x0], $0xffff;
	v10 =	vor.u32 s10, v8;
	s10 =	sadd.s32 $0x5, s30;
	[tilespmem:s1+$0xFFFFFF00] =	vst v14  }
0x14b: {  	v14 =	vor.u32 s10, v8;
	s10 =	sadd.s32 $0x6, s30;
	v13 =	vld.idx.msk [tilespmem:v13+s11+$0x0], $0xffff;
	[tilespmem:s1+$0xFFFFFF80] =	vst v18  }
0x14c: {  	v18 =	vor.u32 s10, v8;
	[tilespmem:s1+$0x0] =	vst v19;
	v12 =	vld.idx.msk [tilespmem:v12+s11+$0x0], $0xffff  }
0x14d: {  	v8 =	vor.u32 s30, v8;
	[tilespmem:s1+$0x80] =	vst v16;
	v11 =	vld.idx.msk [tilespmem:v11+s11+$0x0], $0xffff  }
0x14e: {  	[tilespmem:s1+$0x100] =	vst v17;
	v9 =	vld.idx.msk [tilespmem:v9+s11+$0x0], $0xffff  }
0x14f: {  	[tilespmem:s1+$0xFFFFFE00] =	vst v15;
	s10 =	sadd.s32 $0x400, s1;
	v10 =	vld.idx.msk [tilespmem:v10+s11+$0x0], $0xffff  }
0x150: {  	v14 =	vld.idx.msk [tilespmem:v14+s11+$0x0], $0xffff;
	[tilespmem:s10+$0x180] =	vst v13  }
0x151: {  	v13 =	vld.idx.msk [tilespmem:v18+s11+$0x0], $0xffff;
	[tilespmem:s10+$0xFFFFFE80] =	vst v12  }
0x152: {  	v8 =	vld.idx.msk [tilespmem:v8+s11+$0x0], $0xffff;
	[tilespmem:s10+$0xFFFFFF00] =	vst v11  }
0x153: {  	[tilespmem:s10+$0xFFFFFF80] =	vst v9  }
0x154: {  	[tilespmem:s10+$0x0] =	vst v10  }
0x155: {  	[tilespmem:s10+$0x80] =	vst v14  }
0x156: {  	[tilespmem:s10+$0x100] =	vst v13  }
0x157: {  	[tilespmem:s10+$0xFFFFFE00] =	vst v8  }
0x158: {  	v8 =	vld [tilespmem:s28+$0x60];
	_ =	sdelay $0x4  }
0x159: {  	v8 =	vshll.u32 v8, $0x6  }
0x15a: {  	v8 =	vand.u32 $0x40, v8  }
0x15b: {  	s1 =	simm.s32 $0x7;
	v8 =	vor.u32 v6, v8  }
0x15c: {  	s10 =	simm.s32 $0x1;
	v9 =	vor.u32 s1, v8  }
0x15d: {  	v10 =	vor.u32 s10, v8;
	s1 =	simm.s32 $0x2  }
0x15e: {  	s10 =	simm.s32 $0x3;
	v11 =	vor.u32 s1, v8  }
0x15f: {  	v12 =	vor.u32 s10, v8;
	s1 =	simm.s32 $0x4  }
0x160: {  	s10 =	simm.s32 $0x5;
	v13 =	vor.u32 s1, v8  }
0x161: {  	v14 =	vor.u32 s10, v8;
	s1 =	simm.s32 $0x6;
	v9 =	vld.idx.msk [tilespmem:v9+s11+$0x0], $0xffff  }
0x162: {  	s0 =	simm.s32 $0xF;
	v15 =	vor.u32 s1, v8;
	v10 =	vld.idx.msk [tilespmem:v10+s11+$0x0], $0xffff  }
0x163: {  	v19 =	vor.u32 s0, v8;
	s10 =	simm.s32 $0x0;
	v17 =	vld.idx.msk [tilespmem:v11+s11+$0x0], $0xffff  }
0x164: {  	v16 =	vor.u32 s10, v8;
	s1 =	simm.s32 $0xA;
	v20 =	vld.idx.msk [tilespmem:v12+s11+$0x0], $0xffff  }
0x165: {  	s10 =	simm.s32 $0x9;
	v23 =	vor.u32 s1, v8;
	v22 =	vld.idx.msk [tilespmem:v13+s11+$0x0], $0xffff  }
0x166: {  	s29 =	simm.s32 $0xBA60;
	v21 =	vor.u32 s10, v8;
	s10 =	simm.s32 $0xB;
	v13 =	vld.idx.msk [tilespmem:v14+s11+$0x0], $0xffff  }
0x167: {  	s0 =	simm.s32 $0xC;
	v18 =	vor.u32 s10, v8;
	v12 =	vld.idx.msk [tilespmem:v15+s11+$0x0], $0xffff;
	[tilespmem:s29+$0x180] =	vst v9  }
0x168: {  	s1 =	simm.s32 $0xD;
	[tilespmem:s29+$0xFFFFFE80] =	vst v10;
	v9 =	vld.idx.msk [tilespmem:v19+s11+$0x0], $0xffff;
	v19 =	vor.u32 s0, v8  }
0x169: {  	v11 =	vld.idx.msk [tilespmem:v16+s11+$0x0], $0xffff;
	v16 =	vor.u32 s1, v8;
	s1 =	simm.s32 $0xE;
	[tilespmem:s29+$0xFFFFFF00] =	vst v17  }
0x16a: {  	s10 =	simm.s32 $0x8;
	v14 =	vld.idx.msk [tilespmem:v23+s11+$0x0], $0xffff;
	[tilespmem:s29+$0xFFFFFF80] =	vst v20;
	v17 =	vor.u32 s1, v8  }
0x16b: {  	s31 =	simm.s32 $0x18;
	s30 =	simm.s32 $0x10;
	v15 =	vor.u32 s10, v8;
	v10 =	vld.idx.msk [tilespmem:v21+s11+$0x0], $0xffff;
	s1 =	simm.s32 $0x17;
	[tilespmem:s29+$0x0] =	vst v22  }
.LBB2_17:
0x16c: {  	p1 =	slt.u32 s31, $0x38;
	s0 =	sadd.s32 $0x1, s30;
	v20 =	vor.u32 s1, v8;
	v21 =	vld.idx.msk [tilespmem:v18+s11+$0x0], $0xffff;
	[tilespmem:s29+$0x80] =	vst v13  }
0x16d: {  	v22 =	vor.u32 s0, v8;
	s0 =	sadd.s32 $0x2, s30;
	v23 =	vld.idx.msk [tilespmem:v19+s11+$0x0], $0xffff;
	[tilespmem:s29+$0x100] =	vst v12  }
0x16e: {  	v24 =	vor.u32 s0, v8;
	s0 =	sadd.s32 $0x3, s30;
	v13 =	vld.idx.msk [tilespmem:v16+s11+$0x0], $0xffff;
	[tilespmem:s29+$0xFFFFFE00] =	vst v11;
	s29 =	sadd.s32 $0x400, s29  }
.Ltmp7:
0x16f: {  	v18 =	vor.u32 s0, v8;
	s0 =	sadd.s32 $0x4, s30;
	v12 =	vld.idx.msk [tilespmem:v17+s11+$0x0], $0xffff;
	[tilespmem:s29+$0x180] =	vst v9;
	(pc) =	sbr.rel @p1 .LBB2_17-.Ltmp7, $4  }
0x170: {  	v19 =	vor.u32 s0, v8;
	s0 =	sadd.s32 $0x5, s30;
	v11 =	vld.idx.msk [tilespmem:v15+s11+$0x0], $0xffff;
	[tilespmem:s29+$0xFFFFFE80] =	vst v10  }
0x171: {  	v16 =	vor.u32 s0, v8;
	s0 =	sadd.s32 $0x6, s30;
	v9 =	vld.idx.msk [tilespmem:v20+s11+$0x0], $0xffff;
	[tilespmem:s29+$0xFFFFFF00] =	vst v14  }
0x172: {  	v10 =	vld.idx.msk [tilespmem:v22+s11+$0x0], $0xffff;
	v17 =	vor.u32 s0, v8;
	[tilespmem:s29+$0xFFFFFF80] =	vst v21  }
0x173: {  	s1 =	sadd.s32 $0x7, s31;
	v15 =	vor.u32 s30, v8;
	s30 =	smov.u32 s31;
	s31 =	sadd.s32 $0x8, s31;
	v14 =	vld.idx.msk [tilespmem:v24+s11+$0x0], $0xffff;
	[tilespmem:s29+$0x0] =	vst v23  }
0x174: {  	_ =	sdelay $0x2  }
0x175: {  	[tilespmem:s29+$0x80] =	vst v13  }
0x176: {  	s0 =	sadd.s32 $0x1, s30;
	v13 =	vor.u32 s1, v8;
	v18 =	vld.idx.msk [tilespmem:v18+s11+$0x0], $0xffff;
	[tilespmem:s29+$0x100] =	vst v12  }
0x177: {  	s31 =	sadd.s32 $0x2, s30;
	v19 =	vld.idx.msk [tilespmem:v19+s11+$0x0], $0xffff;
	s1 =	sadd.s32 $0x400, s29;
	v12 =	vor.u32 s0, v8;
	[tilespmem:s29+$0xFFFFFE00] =	vst v11  }
0x178: {  	s10 =	sadd.s32 $0x3, s30;
	v16 =	vld.idx.msk [tilespmem:v16+s11+$0x0], $0xffff;
	v11 =	vor.u32 s31, v8;
	[tilespmem:s1+$0x180] =	vst v9  }
0x179: {  	v17 =	vld.idx.msk [tilespmem:v17+s11+$0x0], $0xffff;
	s31 =	sadd.s32 $0x4, s30;
	v9 =	vor.u32 s10, v8;
	[tilespmem:s1+$0xFFFFFE80] =	vst v10  }
0x17a: {  	v15 =	vld.idx.msk [tilespmem:v15+s11+$0x0], $0xffff;
	s10 =	sadd.s32 $0x5, s30;
	v10 =	vor.u32 s31, v8;
	[tilespmem:s1+$0xFFFFFF00] =	vst v14  }
0x17b: {  	s31 =	sadd.s32 $0x6, s30;
	v14 =	vor.u32 s10, v8;
	v13 =	vld.idx.msk [tilespmem:v13+s11+$0x0], $0xffff;
	[tilespmem:s1+$0xFFFFFF80] =	vst v18  }
0x17c: {  	v18 =	vor.u32 s31, v8;
	[tilespmem:s1+$0x0] =	vst v19;
	v12 =	vld.idx.msk [tilespmem:v12+s11+$0x0], $0xffff  }
0x17d: {  	v8 =	vor.u32 s30, v8;
	[tilespmem:s1+$0x80] =	vst v16;
	v11 =	vld.idx.msk [tilespmem:v11+s11+$0x0], $0xffff  }
0x17e: {  	[tilespmem:s1+$0x100] =	vst v17;
	v9 =	vld.idx.msk [tilespmem:v9+s11+$0x0], $0xffff  }
0x17f: {  	[tilespmem:s1+$0xFFFFFE00] =	vst v15;
	s1 =	sadd.s32 $0x400, s1;
	v10 =	vld.idx.msk [tilespmem:v10+s11+$0x0], $0xffff  }
0x180: {  	v14 =	vld.idx.msk [tilespmem:v14+s11+$0x0], $0xffff;
	[tilespmem:s1+$0x180] =	vst v13  }
0x181: {  	v13 =	vld.idx.msk [tilespmem:v18+s11+$0x0], $0xffff;
	[tilespmem:s1+$0xFFFFFE80] =	vst v12  }
0x182: {  	v8 =	vld.idx.msk [tilespmem:v8+s11+$0x0], $0xffff;
	[tilespmem:s1+$0xFFFFFF00] =	vst v11  }
0x183: {  	[tilespmem:s1+$0xFFFFFF80] =	vst v9  }
0x184: {  	[tilespmem:s1+$0x0] =	vst v10  }
0x185: {  	[tilespmem:s1+$0x80] =	vst v14  }
0x186: {  	[tilespmem:s1+$0x100] =	vst v13  }
0x187: {  	[tilespmem:s1+$0xFFFFFE00] =	vst v8  }
0x188: {  	v8 =	vld [tilespmem:s28+$0x70];
	_ =	sdelay $0x4  }
0x189: {  	v8 =	vshll.u32 v8, $0x6  }
0x18a: {  	v8 =	vand.u32 $0x40, v8  }
0x18b: {  	s10 =	simm.s32 $0x7;
	v8 =	vor.u32 v7, v8  }
0x18c: {  	s31 =	simm.s32 $0x1;
	v9 =	vor.u32 s10, v8  }
0x18d: {  	s1 =	simm.s32 $0x2;
	v10 =	vor.u32 s31, v8  }
0x18e: {  	v11 =	vor.u32 s1, v8;
	s10 =	simm.s32 $0x3  }
0x18f: {  	s31 =	simm.s32 $0x4;
	v12 =	vor.u32 s10, v8  }
0x190: {  	s1 =	simm.s32 $0x5;
	v13 =	vor.u32 s31, v8  }
0x191: {  	v14 =	vor.u32 s1, v8;
	s10 =	simm.s32 $0x6;
	v9 =	vld.idx.msk [tilespmem:v9+s11+$0x0], $0xffff  }
0x192: {  	v15 =	vor.u32 s10, v8;
	s10 =	simm.s32 $0xF;
	v10 =	vld.idx.msk [tilespmem:v10+s11+$0x0], $0xffff  }
0x193: {  	s31 =	simm.s32 $0x0;
	v19 =	vor.u32 s10, v8;
	v17 =	vld.idx.msk [tilespmem:v11+s11+$0x0], $0xffff  }
0x194: {  	v16 =	vor.u32 s31, v8;
	s10 =	simm.s32 $0xA;
	v20 =	vld.idx.msk [tilespmem:v12+s11+$0x0], $0xffff  }
0x195: {  	s31 =	simm.s32 $0x9;
	v23 =	vor.u32 s10, v8;
	v22 =	vld.idx.msk [tilespmem:v13+s11+$0x0], $0xffff  }
0x196: {  	s28 =	simm.s32 $0xBA70;
	v21 =	vor.u32 s31, v8;
	s31 =	simm.s32 $0xB;
	v13 =	vld.idx.msk [tilespmem:v14+s11+$0x0], $0xffff  }
0x197: {  	s1 =	simm.s32 $0xC;
	v18 =	vor.u32 s31, v8;
	v12 =	vld.idx.msk [tilespmem:v15+s11+$0x0], $0xffff;
	[tilespmem:s28+$0x180] =	vst v9  }
0x198: {  	s31 =	simm.s32 $0xD;
	[tilespmem:s28+$0xFFFFFE80] =	vst v10;
	v9 =	vld.idx.msk [tilespmem:v19+s11+$0x0], $0xffff;
	v19 =	vor.u32 s1, v8  }
0x199: {  	v11 =	vld.idx.msk [tilespmem:v16+s11+$0x0], $0xffff;
	v16 =	vor.u32 s31, v8;
	s31 =	simm.s32 $0xE;
	[tilespmem:s28+$0xFFFFFF00] =	vst v17  }
0x19a: {  	s10 =	simm.s32 $0x8;
	v14 =	vld.idx.msk [tilespmem:v23+s11+$0x0], $0xffff;
	v17 =	vor.u32 s31, v8;
	[tilespmem:s28+$0xFFFFFF80] =	vst v20  }
0x19b: {  	s29 =	simm.s32 $0x10;
	s30 =	simm.s32 $0x18;
	v15 =	vor.u32 s10, v8;
	v10 =	vld.idx.msk [tilespmem:v21+s11+$0x0], $0xffff;
	s1 =	simm.s32 $0x17;
	[tilespmem:s28+$0x0] =	vst v22  }
.LBB2_19:
0x19c: {  	p1 =	slt.u32 s30, $0x38;
	s0 =	sadd.s32 $0x1, s29;
	v20 =	vor.u32 s1, v8;
	v21 =	vld.idx.msk [tilespmem:v18+s11+$0x0], $0xffff;
	[tilespmem:s28+$0x80] =	vst v13  }
0x19d: {  	v22 =	vor.u32 s0, v8;
	s0 =	sadd.s32 $0x2, s29;
	v23 =	vld.idx.msk [tilespmem:v19+s11+$0x0], $0xffff;
	[tilespmem:s28+$0x100] =	vst v12  }
0x19e: {  	v24 =	vor.u32 s0, v8;
	s0 =	sadd.s32 $0x3, s29;
	v13 =	vld.idx.msk [tilespmem:v16+s11+$0x0], $0xffff;
	[tilespmem:s28+$0xFFFFFE00] =	vst v11;
	s28 =	sadd.s32 $0x400, s28  }
.Ltmp8:
0x19f: {  	v18 =	vor.u32 s0, v8;
	s0 =	sadd.s32 $0x4, s29;
	v12 =	vld.idx.msk [tilespmem:v17+s11+$0x0], $0xffff;
	[tilespmem:s28+$0x180] =	vst v9;
	(pc) =	sbr.rel @p1 .LBB2_19-.Ltmp8, $4  }
0x1a0: {  	v19 =	vor.u32 s0, v8;
	s0 =	sadd.s32 $0x5, s29;
	v11 =	vld.idx.msk [tilespmem:v15+s11+$0x0], $0xffff;
	[tilespmem:s28+$0xFFFFFE80] =	vst v10  }
0x1a1: {  	v16 =	vor.u32 s0, v8;
	s0 =	sadd.s32 $0x6, s29;
	v9 =	vld.idx.msk [tilespmem:v20+s11+$0x0], $0xffff;
	[tilespmem:s28+$0xFFFFFF00] =	vst v14  }
0x1a2: {  	v10 =	vld.idx.msk [tilespmem:v22+s11+$0x0], $0xffff;
	v17 =	vor.u32 s0, v8;
	[tilespmem:s28+$0xFFFFFF80] =	vst v21  }
0x1a3: {  	s1 =	sadd.s32 $0x7, s30;
	v15 =	vor.u32 s29, v8;
	s29 =	smov.u32 s30;
	s30 =	sadd.s32 $0x8, s30;
	v14 =	vld.idx.msk [tilespmem:v24+s11+$0x0], $0xffff;
	[tilespmem:s28+$0x0] =	vst v23  }
0x1a4: {  	_ =	sdelay $0x2  }
0x1a5: {  	[tilespmem:s28+$0x80] =	vst v13  }
0x1a6: {  	s0 =	sadd.s32 $0x1, s29;
	v13 =	vor.u32 s1, v8;
	v18 =	vld.idx.msk [tilespmem:v18+s11+$0x0], $0xffff;
	[tilespmem:s28+$0x100] =	vst v12  }
0x1a7: {  	s10 =	sadd.s32 $0x2, s29;
	v19 =	vld.idx.msk [tilespmem:v19+s11+$0x0], $0xffff;
	s1 =	sadd.s32 $0x400, s28;
	v12 =	vor.u32 s0, v8;
	[tilespmem:s28+$0xFFFFFE00] =	vst v11  }
0x1a8: {  	v16 =	vld.idx.msk [tilespmem:v16+s11+$0x0], $0xffff;
	v11 =	vor.u32 s10, v8;
	s10 =	sadd.s32 $0x3, s29;
	[tilespmem:s1+$0x180] =	vst v9  }
0x1a9: {  	v17 =	vld.idx.msk [tilespmem:v17+s11+$0x0], $0xffff;
	v9 =	vor.u32 s10, v8;
	s10 =	sadd.s32 $0x4, s29;
	[tilespmem:s1+$0xFFFFFE80] =	vst v10  }
0x1aa: {  	v15 =	vld.idx.msk [tilespmem:v15+s11+$0x0], $0xffff;
	v10 =	vor.u32 s10, v8;
	s10 =	sadd.s32 $0x5, s29;
	[tilespmem:s1+$0xFFFFFF00] =	vst v14  }
0x1ab: {  	v14 =	vor.u32 s10, v8;
	s10 =	sadd.s32 $0x6, s29;
	v13 =	vld.idx.msk [tilespmem:v13+s11+$0x0], $0xffff;
	[tilespmem:s1+$0xFFFFFF80] =	vst v18  }
0x1ac: {  	v18 =	vor.u32 s10, v8;
	[tilespmem:s1+$0x0] =	vst v19;
	v12 =	vld.idx.msk [tilespmem:v12+s11+$0x0], $0xffff  }
0x1ad: {  	v8 =	vor.u32 s29, v8;
	[tilespmem:s1+$0x80] =	vst v16;
	v11 =	vld.idx.msk [tilespmem:v11+s11+$0x0], $0xffff  }
0x1ae: {  	[tilespmem:s1+$0x100] =	vst v17;
	v9 =	vld.idx.msk [tilespmem:v9+s11+$0x0], $0xffff  }
0x1af: {  	s0 =	sadd.s32 $0x400, s1;
	[tilespmem:s1+$0xFFFFFE00] =	vst v15;
	v10 =	vld.idx.msk [tilespmem:v10+s11+$0x0], $0xffff  }
0x1b0: {  	v14 =	vld.idx.msk [tilespmem:v14+s11+$0x0], $0xffff;
	[tilespmem:s0+$0x180] =	vst v13  }
0x1b1: {  	v13 =	vld.idx.msk [tilespmem:v18+s11+$0x0], $0xffff;
	[tilespmem:s0+$0xFFFFFE80] =	vst v12  }
0x1b2: {  	v8 =	vld.idx.msk [tilespmem:v8+s11+$0x0], $0xffff;
	[tilespmem:s0+$0xFFFFFF00] =	vst v11  }
0x1b3: {  	s1 =	sadd.s32 s5, s26;
	[tilespmem:s0+$0xFFFFFF80] =	vst v9  }
0x1b4: {  	s10 =	sshll.u32 s1, $0x7;
	[tilespmem:s0+$0x0] =	vst v10  }
0x1b5: {  	s1 =	sshll.u32 s1, $0xA;
	s10 =	sand.u32 $0x300, s10;
	[tilespmem:s0+$0x80] =	vst v14  }
0x1b6: {  	p1 =	seq.s32 s24, $0x18;
	s1 =	sand.u32 $0xFFFE000, s1;
	s10 =	sadd.s32 s2, s10;
	[tilespmem:s0+$0x100] =	vst v13  }
0x1b7: {  	s25 =	sshrl.u32 @!p1 s25, $0x2;
	s1 =	sadd.s32 s1, s10;
	[tilespmem:s0+$0xFFFFFE00] =	vst v8  }
0x1b8: {  	[hbm4b:s1+s15] =	stream.strided.scatter [tilespmem:s17], [sflag:$0x3], $0x2000, s16, s15, $0x38;
	[tilespmem:$0xF800] =	vst v63  }
0x1b9: {  	s10 =	simm.s32 @!p1 $0x3800;
	s0 =	sadd.s32 @!p1 $0x1D00, s25;
	s1 =	simm.s32 @!p1 $0x80  }
0x1ba: {  	[tilespmem:s10], [sflag:$0x1] =	stream.indirect.gather @!p1 [hbm4b:s4+s1], $0x80, s0, s1, $0xb8;
	[tilespmem:$0xF800] =	vst v63  }
0x1bb: {  	_ =	swait.ge [sflag:s18], $0x4000  }
0x1bc: {  	[sflag:s18] =	ssyncset.done $0x0  }
0x1bd: {  	s0 =	simm.s32 @!p0 $0x4;
	[sflag:s18] =	ssyncadd.s32 $0xFFFFC000  }
0x1be: {  	s26 =	sor.u32 $0x1, s26;
	_ =	swait.ge @!p0 [sflag:s0], $0x2000  }
0x1bf: {  	s10 =	sshll.u32 s26, $0x7;
	[sflag:s0] =	ssyncset.done @!p0 $0x0  }
0x1c0: {  	s28 =	sand.u32 $0x3FFFFF80, s10;
	[sflag:s0] =	ssyncadd.s32 @!p0 $0xFFFFE000  }
0x1c1: {  	v8 =	vld [tilespmem:s28+$0x0];
	_ =	sdelay $0x4  }
0x1c2: {  	v8 =	vshll.u32 v8, $0x6  }
0x1c3: {  	v8 =	vand.u32 $0x40, v8  }
0x1c4: {  	s1 =	simm.s32 $0x7;
	v8 =	vor.u32 v0, v8  }
0x1c5: {  	s10 =	simm.s32 $0x1;
	v9 =	vor.u32 s1, v8  }
0x1c6: {  	v10 =	vor.u32 s10, v8;
	s1 =	simm.s32 $0x2  }
0x1c7: {  	s10 =	simm.s32 $0x3;
	v11 =	vor.u32 s1, v8  }
0x1c8: {  	v12 =	vor.u32 s10, v8;
	s1 =	simm.s32 $0x4  }
0x1c9: {  	s10 =	simm.s32 $0x5;
	v13 =	vor.u32 s1, v8  }
0x1ca: {  	v14 =	vor.u32 s10, v8;
	s1 =	simm.s32 $0x6;
	v9 =	vld.idx.msk [tilespmem:v9+s13+$0x0], $0xffff  }
0x1cb: {  	s10 =	simm.s32 $0x0;
	v15 =	vld.idx.msk [tilespmem:v10+s13+$0x0], $0xffff;
	v10 =	vor.u32 s1, v8  }
0x1cc: {  	s0 =	simm.s32 $0xF;
	v16 =	vor.u32 s10, v8;
	v11 =	vld.idx.msk [tilespmem:v11+s13+$0x0], $0xffff  }
0x1cd: {  	v18 =	vor.u32 s0, v8;
	s10 =	simm.s32 $0x9;
	v20 =	vld.idx.msk [tilespmem:v12+s13+$0x0], $0xffff  }
0x1ce: {  	v21 =	vor.u32 s10, v8;
	s1 =	simm.s32 $0xA;
	v22 =	vld.idx.msk [tilespmem:v13+s13+$0x0], $0xffff  }
0x1cf: {  	s29 =	simm.s32 $0xDB80;
	s10 =	simm.s32 $0xB;
	v23 =	vor.u32 s1, v8;
	v13 =	vld.idx.msk [tilespmem:v14+s13+$0x0], $0xffff  }
0x1d0: {  	s0 =	simm.s32 $0xC;
	v17 =	vor.u32 s10, v8;
	v12 =	vld.idx.msk [tilespmem:v10+s13+$0x0], $0xffff;
	[tilespmem:s29+$0x0] =	vst v9  }
0x1d1: {  	v19 =	vor.u32 s0, v8;
	s1 =	simm.s32 $0xD;
	v10 =	vld.idx.msk [tilespmem:v16+s13+$0x0], $0xffff;
	[tilespmem:s29+$0xFFFFFD00] =	vst v15  }
0x1d2: {  	v9 =	vld.idx.msk [tilespmem:v18+s13+$0x0], $0xffff;
	v16 =	vor.u32 s1, v8;
	s1 =	simm.s32 $0xE;
	[tilespmem:s29+$0xFFFFFD80] =	vst v11  }
0x1d3: {  	s24 =	sadd.s32 $0x1, s24;
	s10 =	simm.s32 $0x8;
	v11 =	vld.idx.msk [tilespmem:v21+s13+$0x0], $0xffff;
	[tilespmem:s29+$0xFFFFFE00] =	vst v20;
	v18 =	vor.u32 s1, v8  }
0x1d4: {  	s30 =	simm.s32 $0x10;
	s31 =	simm.s32 $0x18;
	v15 =	vor.u32 s10, v8;
	s1 =	simm.s32 $0x17;
	v14 =	vld.idx.msk [tilespmem:v23+s13+$0x0], $0xffff;
	[tilespmem:s29+$0xFFFFFE80] =	vst v22  }
.LBB2_21:
0x1d5: {  	p0 =	slt.u32 s31, $0x38;
	s0 =	sadd.s32 $0x1, s30;
	v20 =	vor.u32 s1, v8;
	v21 =	vld.idx.msk [tilespmem:v17+s13+$0x0], $0xffff;
	[tilespmem:s29+$0xFFFFFF00] =	vst v13  }
0x1d6: {  	v22 =	vor.u32 s0, v8;
	s0 =	sadd.s32 $0x2, s30;
	v23 =	vld.idx.msk [tilespmem:v19+s13+$0x0], $0xffff;
	[tilespmem:s29+$0xFFFFFF80] =	vst v12  }
0x1d7: {  	v24 =	vor.u32 s0, v8;
	s0 =	sadd.s32 $0x3, s30;
	v13 =	vld.idx.msk [tilespmem:v16+s13+$0x0], $0xffff;
	[tilespmem:s29+$0xFFFFFC80] =	vst v10;
	s29 =	sadd.s32 $0x400, s29  }
.Ltmp9:
0x1d8: {  	v17 =	vor.u32 s0, v8;
	s0 =	sadd.s32 $0x4, s30;
	v12 =	vld.idx.msk [tilespmem:v18+s13+$0x0], $0xffff;
	[tilespmem:s29+$0x0] =	vst v9;
	(pc) =	sbr.rel @p0 .LBB2_21-.Ltmp9, $4  }
0x1d9: {  	v19 =	vor.u32 s0, v8;
	s0 =	sadd.s32 $0x5, s30;
	v10 =	vld.idx.msk [tilespmem:v15+s13+$0x0], $0xffff;
	[tilespmem:s29+$0xFFFFFD00] =	vst v11  }
0x1da: {  	v16 =	vor.u32 s0, v8;
	s0 =	sadd.s32 $0x6, s30;
	v9 =	vld.idx.msk [tilespmem:v20+s13+$0x0], $0xffff;
	[tilespmem:s29+$0xFFFFFD80] =	vst v14  }
0x1db: {  	v11 =	vld.idx.msk [tilespmem:v22+s13+$0x0], $0xffff;
	v18 =	vor.u32 s0, v8;
	[tilespmem:s29+$0xFFFFFE00] =	vst v21  }
0x1dc: {  	s1 =	sadd.s32 $0x7, s31;
	v15 =	vor.u32 s30, v8;
	s30 =	smov.u32 s31;
	s31 =	sadd.s32 $0x8, s31;
	v14 =	vld.idx.msk [tilespmem:v24+s13+$0x0], $0xffff;
	[tilespmem:s29+$0xFFFFFE80] =	vst v23  }
0x1dd: {  	_ =	sdelay $0x2  }
0x1de: {  	[tilespmem:s29+$0xFFFFFF00] =	vst v13  }
0x1df: {  	s0 =	sadd.s32 $0x1, s30;
	v13 =	vor.u32 s1, v8;
	v17 =	vld.idx.msk [tilespmem:v17+s13+$0x0], $0xffff;
	[tilespmem:s29+$0xFFFFFF80] =	vst v12  }
0x1e0: {  	s10 =	sadd.s32 $0x2, s30;
	v19 =	vld.idx.msk [tilespmem:v19+s13+$0x0], $0xffff;
	s1 =	sadd.s32 $0x400, s29;
	v12 =	vor.u32 s0, v8;
	[tilespmem:s29+$0xFFFFFC80] =	vst v10  }
0x1e1: {  	v16 =	vld.idx.msk [tilespmem:v16+s13+$0x0], $0xffff;
	v10 =	vor.u32 s10, v8;
	s10 =	sadd.s32 $0x3, s30;
	[tilespmem:s1+$0x0] =	vst v9  }
0x1e2: {  	v18 =	vld.idx.msk [tilespmem:v18+s13+$0x0], $0xffff;
	v9 =	vor.u32 s10, v8;
	s10 =	sadd.s32 $0x4, s30;
	[tilespmem:s1+$0xFFFFFD00] =	vst v11  }
0x1e3: {  	v15 =	vld.idx.msk [tilespmem:v15+s13+$0x0], $0xffff;
	v11 =	vor.u32 s10, v8;
	s10 =	sadd.s32 $0x5, s30;
	[tilespmem:s1+$0xFFFFFD80] =	vst v14  }
0x1e4: {  	v14 =	vor.u32 s10, v8;
	s10 =	sadd.s32 $0x6, s30;
	v13 =	vld.idx.msk [tilespmem:v13+s13+$0x0], $0xffff;
	[tilespmem:s1+$0xFFFFFE00] =	vst v17  }
0x1e5: {  	v17 =	vor.u32 s10, v8;
	[tilespmem:s1+$0xFFFFFE80] =	vst v19;
	v12 =	vld.idx.msk [tilespmem:v12+s13+$0x0], $0xffff  }
0x1e6: {  	v8 =	vor.u32 s30, v8;
	[tilespmem:s1+$0xFFFFFF00] =	vst v16;
	v10 =	vld.idx.msk [tilespmem:v10+s13+$0x0], $0xffff  }
0x1e7: {  	[tilespmem:s1+$0xFFFFFF80] =	vst v18;
	v9 =	vld.idx.msk [tilespmem:v9+s13+$0x0], $0xffff  }
0x1e8: {  	[tilespmem:s1+$0xFFFFFC80] =	vst v15;
	s10 =	sadd.s32 $0x400, s1;
	v11 =	vld.idx.msk [tilespmem:v11+s13+$0x0], $0xffff  }
0x1e9: {  	v14 =	vld.idx.msk [tilespmem:v14+s13+$0x0], $0xffff;
	[tilespmem:s10+$0x0] =	vst v13  }
0x1ea: {  	v13 =	vld.idx.msk [tilespmem:v17+s13+$0x0], $0xffff;
	[tilespmem:s10+$0xFFFFFD00] =	vst v12  }
0x1eb: {  	v8 =	vld.idx.msk [tilespmem:v8+s13+$0x0], $0xffff;
	[tilespmem:s10+$0xFFFFFD80] =	vst v10  }
0x1ec: {  	[tilespmem:s10+$0xFFFFFE00] =	vst v9  }
0x1ed: {  	[tilespmem:s10+$0xFFFFFE80] =	vst v11  }
0x1ee: {  	[tilespmem:s10+$0xFFFFFF00] =	vst v14  }
0x1ef: {  	[tilespmem:s10+$0xFFFFFF80] =	vst v13  }
0x1f0: {  	[tilespmem:s10+$0xFFFFFC80] =	vst v8  }
0x1f1: {  	v8 =	vld [tilespmem:s28+$0x10];
	_ =	sdelay $0x4  }
0x1f2: {  	v8 =	vshll.u32 v8, $0x6  }
0x1f3: {  	v8 =	vand.u32 $0x40, v8  }
0x1f4: {  	s1 =	simm.s32 $0x7;
	v8 =	vor.u32 v1, v8  }
0x1f5: {  	s10 =	simm.s32 $0x1;
	v9 =	vor.u32 s1, v8  }
0x1f6: {  	v10 =	vor.u32 s10, v8;
	s1 =	simm.s32 $0x2  }
0x1f7: {  	s10 =	simm.s32 $0x3;
	v11 =	vor.u32 s1, v8  }
0x1f8: {  	v12 =	vor.u32 s10, v8;
	s1 =	simm.s32 $0x4  }
0x1f9: {  	s10 =	simm.s32 $0x5;
	v13 =	vor.u32 s1, v8  }
0x1fa: {  	v14 =	vor.u32 s10, v8;
	s1 =	simm.s32 $0x6;
	v9 =	vld.idx.msk [tilespmem:v9+s13+$0x0], $0xffff  }
0x1fb: {  	s0 =	simm.s32 $0xF;
	v15 =	vor.u32 s1, v8;
	v10 =	vld.idx.msk [tilespmem:v10+s13+$0x0], $0xffff  }
0x1fc: {  	v19 =	vor.u32 s0, v8;
	s10 =	simm.s32 $0x0;
	v17 =	vld.idx.msk [tilespmem:v11+s13+$0x0], $0xffff  }
0x1fd: {  	v16 =	vor.u32 s10, v8;
	s1 =	simm.s32 $0xA;
	v20 =	vld.idx.msk [tilespmem:v12+s13+$0x0], $0xffff  }
0x1fe: {  	s10 =	simm.s32 $0x9;
	v23 =	vor.u32 s1, v8;
	v22 =	vld.idx.msk [tilespmem:v13+s13+$0x0], $0xffff  }
0x1ff: {  	s29 =	simm.s32 $0xDB90;
	v21 =	vor.u32 s10, v8;
	s10 =	simm.s32 $0xB;
	v13 =	vld.idx.msk [tilespmem:v14+s13+$0x0], $0xffff  }
0x200: {  	s0 =	simm.s32 $0xC;
	v18 =	vor.u32 s10, v8;
	v12 =	vld.idx.msk [tilespmem:v15+s13+$0x0], $0xffff;
	[tilespmem:s29+$0x0] =	vst v9  }
0x201: {  	s1 =	simm.s32 $0xD;
	[tilespmem:s29+$0xFFFFFD00] =	vst v10;
	v9 =	vld.idx.msk [tilespmem:v19+s13+$0x0], $0xffff;
	v19 =	vor.u32 s0, v8  }
0x202: {  	v11 =	vld.idx.msk [tilespmem:v16+s13+$0x0], $0xffff;
	v16 =	vor.u32 s1, v8;
	s1 =	simm.s32 $0xE;
	[tilespmem:s29+$0xFFFFFD80] =	vst v17  }
0x203: {  	s10 =	simm.s32 $0x8;
	v14 =	vld.idx.msk [tilespmem:v23+s13+$0x0], $0xffff;
	[tilespmem:s29+$0xFFFFFE00] =	vst v20;
	v17 =	vor.u32 s1, v8  }
0x204: {  	s31 =	simm.s32 $0x18;
	s30 =	simm.s32 $0x10;
	v15 =	vor.u32 s10, v8;
	v10 =	vld.idx.msk [tilespmem:v21+s13+$0x0], $0xffff;
	s1 =	simm.s32 $0x17;
	[tilespmem:s29+$0xFFFFFE80] =	vst v22  }
.LBB2_23:
0x205: {  	p0 =	slt.u32 s31, $0x38;
	s0 =	sadd.s32 $0x1, s30;
	v20 =	vor.u32 s1, v8;
	v21 =	vld.idx.msk [tilespmem:v18+s13+$0x0], $0xffff;
	[tilespmem:s29+$0xFFFFFF00] =	vst v13  }
0x206: {  	v22 =	vor.u32 s0, v8;
	s0 =	sadd.s32 $0x2, s30;
	v23 =	vld.idx.msk [tilespmem:v19+s13+$0x0], $0xffff;
	[tilespmem:s29+$0xFFFFFF80] =	vst v12  }
0x207: {  	v24 =	vor.u32 s0, v8;
	s0 =	sadd.s32 $0x3, s30;
	v13 =	vld.idx.msk [tilespmem:v16+s13+$0x0], $0xffff;
	[tilespmem:s29+$0xFFFFFC80] =	vst v11;
	s29 =	sadd.s32 $0x400, s29  }
.Ltmp10:
0x208: {  	v18 =	vor.u32 s0, v8;
	s0 =	sadd.s32 $0x4, s30;
	v12 =	vld.idx.msk [tilespmem:v17+s13+$0x0], $0xffff;
	[tilespmem:s29+$0x0] =	vst v9;
	(pc) =	sbr.rel @p0 .LBB2_23-.Ltmp10, $4  }
0x209: {  	v19 =	vor.u32 s0, v8;
	s0 =	sadd.s32 $0x5, s30;
	v11 =	vld.idx.msk [tilespmem:v15+s13+$0x0], $0xffff;
	[tilespmem:s29+$0xFFFFFD00] =	vst v10  }
0x20a: {  	v16 =	vor.u32 s0, v8;
	s0 =	sadd.s32 $0x6, s30;
	v9 =	vld.idx.msk [tilespmem:v20+s13+$0x0], $0xffff;
	[tilespmem:s29+$0xFFFFFD80] =	vst v14  }
0x20b: {  	v10 =	vld.idx.msk [tilespmem:v22+s13+$0x0], $0xffff;
	v17 =	vor.u32 s0, v8;
	[tilespmem:s29+$0xFFFFFE00] =	vst v21  }
0x20c: {  	s1 =	sadd.s32 $0x7, s31;
	v15 =	vor.u32 s30, v8;
	s30 =	smov.u32 s31;
	s31 =	sadd.s32 $0x8, s31;
	v14 =	vld.idx.msk [tilespmem:v24+s13+$0x0], $0xffff;
	[tilespmem:s29+$0xFFFFFE80] =	vst v23  }
0x20d: {  	_ =	sdelay $0x2  }
0x20e: {  	[tilespmem:s29+$0xFFFFFF00] =	vst v13  }
0x20f: {  	s0 =	sadd.s32 $0x1, s30;
	v13 =	vor.u32 s1, v8;
	v18 =	vld.idx.msk [tilespmem:v18+s13+$0x0], $0xffff;
	[tilespmem:s29+$0xFFFFFF80] =	vst v12  }
0x210: {  	s10 =	sadd.s32 $0x2, s30;
	v19 =	vld.idx.msk [tilespmem:v19+s13+$0x0], $0xffff;
	s1 =	sadd.s32 $0x400, s29;
	v12 =	vor.u32 s0, v8;
	[tilespmem:s29+$0xFFFFFC80] =	vst v11  }
0x211: {  	v16 =	vld.idx.msk [tilespmem:v16+s13+$0x0], $0xffff;
	v11 =	vor.u32 s10, v8;
	s10 =	sadd.s32 $0x3, s30;
	[tilespmem:s1+$0x0] =	vst v9  }
0x212: {  	v17 =	vld.idx.msk [tilespmem:v17+s13+$0x0], $0xffff;
	v9 =	vor.u32 s10, v8;
	s10 =	sadd.s32 $0x4, s30;
	[tilespmem:s1+$0xFFFFFD00] =	vst v10  }
0x213: {  	v15 =	vld.idx.msk [tilespmem:v15+s13+$0x0], $0xffff;
	v10 =	vor.u32 s10, v8;
	s10 =	sadd.s32 $0x5, s30;
	[tilespmem:s1+$0xFFFFFD80] =	vst v14  }
0x214: {  	v14 =	vor.u32 s10, v8;
	s10 =	sadd.s32 $0x6, s30;
	v13 =	vld.idx.msk [tilespmem:v13+s13+$0x0], $0xffff;
	[tilespmem:s1+$0xFFFFFE00] =	vst v18  }
0x215: {  	v18 =	vor.u32 s10, v8;
	[tilespmem:s1+$0xFFFFFE80] =	vst v19;
	v12 =	vld.idx.msk [tilespmem:v12+s13+$0x0], $0xffff  }
0x216: {  	v8 =	vor.u32 s30, v8;
	[tilespmem:s1+$0xFFFFFF00] =	vst v16;
	v11 =	vld.idx.msk [tilespmem:v11+s13+$0x0], $0xffff  }
0x217: {  	[tilespmem:s1+$0xFFFFFF80] =	vst v17;
	v9 =	vld.idx.msk [tilespmem:v9+s13+$0x0], $0xffff  }
0x218: {  	[tilespmem:s1+$0xFFFFFC80] =	vst v15;
	s10 =	sadd.s32 $0x400, s1;
	v10 =	vld.idx.msk [tilespmem:v10+s13+$0x0], $0xffff  }
0x219: {  	v14 =	vld.idx.msk [tilespmem:v14+s13+$0x0], $0xffff;
	[tilespmem:s10+$0x0] =	vst v13  }
0x21a: {  	v13 =	vld.idx.msk [tilespmem:v18+s13+$0x0], $0xffff;
	[tilespmem:s10+$0xFFFFFD00] =	vst v12  }
0x21b: {  	v8 =	vld.idx.msk [tilespmem:v8+s13+$0x0], $0xffff;
	[tilespmem:s10+$0xFFFFFD80] =	vst v11  }
0x21c: {  	[tilespmem:s10+$0xFFFFFE00] =	vst v9  }
0x21d: {  	[tilespmem:s10+$0xFFFFFE80] =	vst v10  }
0x21e: {  	[tilespmem:s10+$0xFFFFFF00] =	vst v14  }
0x21f: {  	[tilespmem:s10+$0xFFFFFF80] =	vst v13  }
0x220: {  	[tilespmem:s10+$0xFFFFFC80] =	vst v8  }
0x221: {  	v8 =	vld [tilespmem:s28+$0x20];
	_ =	sdelay $0x4  }
0x222: {  	v8 =	vshll.u32 v8, $0x6  }
0x223: {  	v8 =	vand.u32 $0x40, v8  }
0x224: {  	s1 =	simm.s32 $0x7;
	v8 =	vor.u32 v2, v8  }
0x225: {  	s10 =	simm.s32 $0x1;
	v9 =	vor.u32 s1, v8  }
0x226: {  	v10 =	vor.u32 s10, v8;
	s1 =	simm.s32 $0x2  }
0x227: {  	s10 =	simm.s32 $0x3;
	v11 =	vor.u32 s1, v8  }
0x228: {  	v12 =	vor.u32 s10, v8;
	s1 =	simm.s32 $0x4  }
0x229: {  	s10 =	simm.s32 $0x5;
	v13 =	vor.u32 s1, v8  }
0x22a: {  	v14 =	vor.u32 s10, v8;
	s1 =	simm.s32 $0x6;
	v9 =	vld.idx.msk [tilespmem:v9+s13+$0x0], $0xffff  }
0x22b: {  	s0 =	simm.s32 $0xF;
	v15 =	vor.u32 s1, v8;
	v10 =	vld.idx.msk [tilespmem:v10+s13+$0x0], $0xffff  }
0x22c: {  	v19 =	vor.u32 s0, v8;
	s10 =	simm.s32 $0x0;
	v17 =	vld.idx.msk [tilespmem:v11+s13+$0x0], $0xffff  }
0x22d: {  	v16 =	vor.u32 s10, v8;
	s1 =	simm.s32 $0xA;
	v20 =	vld.idx.msk [tilespmem:v12+s13+$0x0], $0xffff  }
0x22e: {  	s10 =	simm.s32 $0x9;
	v23 =	vor.u32 s1, v8;
	v22 =	vld.idx.msk [tilespmem:v13+s13+$0x0], $0xffff  }
0x22f: {  	s29 =	simm.s32 $0xDBA0;
	v21 =	vor.u32 s10, v8;
	s10 =	simm.s32 $0xB;
	v13 =	vld.idx.msk [tilespmem:v14+s13+$0x0], $0xffff  }
0x230: {  	s0 =	simm.s32 $0xC;
	v18 =	vor.u32 s10, v8;
	v12 =	vld.idx.msk [tilespmem:v15+s13+$0x0], $0xffff;
	[tilespmem:s29+$0x0] =	vst v9  }
0x231: {  	s1 =	simm.s32 $0xD;
	[tilespmem:s29+$0xFFFFFD00] =	vst v10;
	v9 =	vld.idx.msk [tilespmem:v19+s13+$0x0], $0xffff;
	v19 =	vor.u32 s0, v8  }
0x232: {  	v11 =	vld.idx.msk [tilespmem:v16+s13+$0x0], $0xffff;
	v16 =	vor.u32 s1, v8;
	s1 =	simm.s32 $0xE;
	[tilespmem:s29+$0xFFFFFD80] =	vst v17  }
0x233: {  	s10 =	simm.s32 $0x8;
	v14 =	vld.idx.msk [tilespmem:v23+s13+$0x0], $0xffff;
	[tilespmem:s29+$0xFFFFFE00] =	vst v20;
	v17 =	vor.u32 s1, v8  }
0x234: {  	s31 =	simm.s32 $0x18;
	s30 =	simm.s32 $0x10;
	v15 =	vor.u32 s10, v8;
	v10 =	vld.idx.msk [tilespmem:v21+s13+$0x0], $0xffff;
	s1 =	simm.s32 $0x17;
	[tilespmem:s29+$0xFFFFFE80] =	vst v22  }
.LBB2_25:
0x235: {  	p0 =	slt.u32 s31, $0x38;
	s0 =	sadd.s32 $0x1, s30;
	v20 =	vor.u32 s1, v8;
	v21 =	vld.idx.msk [tilespmem:v18+s13+$0x0], $0xffff;
	[tilespmem:s29+$0xFFFFFF00] =	vst v13  }
0x236: {  	v22 =	vor.u32 s0, v8;
	s0 =	sadd.s32 $0x2, s30;
	v23 =	vld.idx.msk [tilespmem:v19+s13+$0x0], $0xffff;
	[tilespmem:s29+$0xFFFFFF80] =	vst v12  }
0x237: {  	v24 =	vor.u32 s0, v8;
	s0 =	sadd.s32 $0x3, s30;
	v13 =	vld.idx.msk [tilespmem:v16+s13+$0x0], $0xffff;
	[tilespmem:s29+$0xFFFFFC80] =	vst v11;
	s29 =	sadd.s32 $0x400, s29  }
.Ltmp11:
0x238: {  	v18 =	vor.u32 s0, v8;
	s0 =	sadd.s32 $0x4, s30;
	v12 =	vld.idx.msk [tilespmem:v17+s13+$0x0], $0xffff;
	[tilespmem:s29+$0x0] =	vst v9;
	(pc) =	sbr.rel @p0 .LBB2_25-.Ltmp11, $4  }
0x239: {  	v19 =	vor.u32 s0, v8;
	s0 =	sadd.s32 $0x5, s30;
	v11 =	vld.idx.msk [tilespmem:v15+s13+$0x0], $0xffff;
	[tilespmem:s29+$0xFFFFFD00] =	vst v10  }
0x23a: {  	v16 =	vor.u32 s0, v8;
	s0 =	sadd.s32 $0x6, s30;
	v9 =	vld.idx.msk [tilespmem:v20+s13+$0x0], $0xffff;
	[tilespmem:s29+$0xFFFFFD80] =	vst v14  }
0x23b: {  	v10 =	vld.idx.msk [tilespmem:v22+s13+$0x0], $0xffff;
	v17 =	vor.u32 s0, v8;
	[tilespmem:s29+$0xFFFFFE00] =	vst v21  }
0x23c: {  	s1 =	sadd.s32 $0x7, s31;
	v15 =	vor.u32 s30, v8;
	s30 =	smov.u32 s31;
	s31 =	sadd.s32 $0x8, s31;
	v14 =	vld.idx.msk [tilespmem:v24+s13+$0x0], $0xffff;
	[tilespmem:s29+$0xFFFFFE80] =	vst v23  }
0x23d: {  	_ =	sdelay $0x2  }
0x23e: {  	[tilespmem:s29+$0xFFFFFF00] =	vst v13  }
0x23f: {  	s0 =	sadd.s32 $0x1, s30;
	v13 =	vor.u32 s1, v8;
	v18 =	vld.idx.msk [tilespmem:v18+s13+$0x0], $0xffff;
	[tilespmem:s29+$0xFFFFFF80] =	vst v12  }
0x240: {  	s10 =	sadd.s32 $0x2, s30;
	v19 =	vld.idx.msk [tilespmem:v19+s13+$0x0], $0xffff;
	s1 =	sadd.s32 $0x400, s29;
	v12 =	vor.u32 s0, v8;
	[tilespmem:s29+$0xFFFFFC80] =	vst v11  }
0x241: {  	v16 =	vld.idx.msk [tilespmem:v16+s13+$0x0], $0xffff;
	v11 =	vor.u32 s10, v8;
	s10 =	sadd.s32 $0x3, s30;
	[tilespmem:s1+$0x0] =	vst v9  }
0x242: {  	v17 =	vld.idx.msk [tilespmem:v17+s13+$0x0], $0xffff;
	v9 =	vor.u32 s10, v8;
	s10 =	sadd.s32 $0x4, s30;
	[tilespmem:s1+$0xFFFFFD00] =	vst v10  }
0x243: {  	v15 =	vld.idx.msk [tilespmem:v15+s13+$0x0], $0xffff;
	v10 =	vor.u32 s10, v8;
	s10 =	sadd.s32 $0x5, s30;
	[tilespmem:s1+$0xFFFFFD80] =	vst v14  }
0x244: {  	v14 =	vor.u32 s10, v8;
	s10 =	sadd.s32 $0x6, s30;
	v13 =	vld.idx.msk [tilespmem:v13+s13+$0x0], $0xffff;
	[tilespmem:s1+$0xFFFFFE00] =	vst v18  }
0x245: {  	v18 =	vor.u32 s10, v8;
	[tilespmem:s1+$0xFFFFFE80] =	vst v19;
	v12 =	vld.idx.msk [tilespmem:v12+s13+$0x0], $0xffff  }
0x246: {  	v8 =	vor.u32 s30, v8;
	[tilespmem:s1+$0xFFFFFF00] =	vst v16;
	v11 =	vld.idx.msk [tilespmem:v11+s13+$0x0], $0xffff  }
0x247: {  	[tilespmem:s1+$0xFFFFFF80] =	vst v17;
	v9 =	vld.idx.msk [tilespmem:v9+s13+$0x0], $0xffff  }
0x248: {  	[tilespmem:s1+$0xFFFFFC80] =	vst v15;
	s10 =	sadd.s32 $0x400, s1;
	v10 =	vld.idx.msk [tilespmem:v10+s13+$0x0], $0xffff  }
0x249: {  	v14 =	vld.idx.msk [tilespmem:v14+s13+$0x0], $0xffff;
	[tilespmem:s10+$0x0] =	vst v13  }
0x24a: {  	v13 =	vld.idx.msk [tilespmem:v18+s13+$0x0], $0xffff;
	[tilespmem:s10+$0xFFFFFD00] =	vst v12  }
0x24b: {  	v8 =	vld.idx.msk [tilespmem:v8+s13+$0x0], $0xffff;
	[tilespmem:s10+$0xFFFFFD80] =	vst v11  }
0x24c: {  	[tilespmem:s10+$0xFFFFFE00] =	vst v9  }
0x24d: {  	[tilespmem:s10+$0xFFFFFE80] =	vst v10  }
0x24e: {  	[tilespmem:s10+$0xFFFFFF00] =	vst v14  }
0x24f: {  	[tilespmem:s10+$0xFFFFFF80] =	vst v13  }
0x250: {  	[tilespmem:s10+$0xFFFFFC80] =	vst v8  }
0x251: {  	v8 =	vld [tilespmem:s28+$0x30];
	_ =	sdelay $0x4  }
0x252: {  	v8 =	vshll.u32 v8, $0x6  }
0x253: {  	v8 =	vand.u32 $0x40, v8  }
0x254: {  	s1 =	simm.s32 $0x7;
	v8 =	vor.u32 v3, v8  }
0x255: {  	s10 =	simm.s32 $0x1;
	v9 =	vor.u32 s1, v8  }
0x256: {  	v10 =	vor.u32 s10, v8;
	s1 =	simm.s32 $0x2  }
0x257: {  	s10 =	simm.s32 $0x3;
	v11 =	vor.u32 s1, v8  }
0x258: {  	v12 =	vor.u32 s10, v8;
	s1 =	simm.s32 $0x4  }
0x259: {  	s10 =	simm.s32 $0x5;
	v13 =	vor.u32 s1, v8  }
0x25a: {  	v14 =	vor.u32 s10, v8;
	s1 =	simm.s32 $0x6;
	v9 =	vld.idx.msk [tilespmem:v9+s13+$0x0], $0xffff  }
0x25b: {  	s0 =	simm.s32 $0xF;
	v15 =	vor.u32 s1, v8;
	v10 =	vld.idx.msk [tilespmem:v10+s13+$0x0], $0xffff  }
0x25c: {  	v19 =	vor.u32 s0, v8;
	s10 =	simm.s32 $0x0;
	v17 =	vld.idx.msk [tilespmem:v11+s13+$0x0], $0xffff  }
0x25d: {  	v16 =	vor.u32 s10, v8;
	s1 =	simm.s32 $0xA;
	v20 =	vld.idx.msk [tilespmem:v12+s13+$0x0], $0xffff  }
0x25e: {  	s10 =	simm.s32 $0x9;
	v23 =	vor.u32 s1, v8;
	v22 =	vld.idx.msk [tilespmem:v13+s13+$0x0], $0xffff  }
0x25f: {  	s29 =	simm.s32 $0xDBB0;
	v21 =	vor.u32 s10, v8;
	s10 =	simm.s32 $0xB;
	v13 =	vld.idx.msk [tilespmem:v14+s13+$0x0], $0xffff  }
0x260: {  	s0 =	simm.s32 $0xC;
	v18 =	vor.u32 s10, v8;
	v12 =	vld.idx.msk [tilespmem:v15+s13+$0x0], $0xffff;
	[tilespmem:s29+$0x0] =	vst v9  }
0x261: {  	s1 =	simm.s32 $0xD;
	[tilespmem:s29+$0xFFFFFD00] =	vst v10;
	v9 =	vld.idx.msk [tilespmem:v19+s13+$0x0], $0xffff;
	v19 =	vor.u32 s0, v8  }
0x262: {  	v11 =	vld.idx.msk [tilespmem:v16+s13+$0x0], $0xffff;
	v16 =	vor.u32 s1, v8;
	s1 =	simm.s32 $0xE;
	[tilespmem:s29+$0xFFFFFD80] =	vst v17  }
0x263: {  	s10 =	simm.s32 $0x8;
	v14 =	vld.idx.msk [tilespmem:v23+s13+$0x0], $0xffff;
	[tilespmem:s29+$0xFFFFFE00] =	vst v20;
	v17 =	vor.u32 s1, v8  }
0x264: {  	s31 =	simm.s32 $0x18;
	s30 =	simm.s32 $0x10;
	v15 =	vor.u32 s10, v8;
	v10 =	vld.idx.msk [tilespmem:v21+s13+$0x0], $0xffff;
	s1 =	simm.s32 $0x17;
	[tilespmem:s29+$0xFFFFFE80] =	vst v22  }
.LBB2_27:
0x265: {  	p0 =	slt.u32 s31, $0x38;
	s0 =	sadd.s32 $0x1, s30;
	v20 =	vor.u32 s1, v8;
	v21 =	vld.idx.msk [tilespmem:v18+s13+$0x0], $0xffff;
	[tilespmem:s29+$0xFFFFFF00] =	vst v13  }
0x266: {  	v22 =	vor.u32 s0, v8;
	s0 =	sadd.s32 $0x2, s30;
	v23 =	vld.idx.msk [tilespmem:v19+s13+$0x0], $0xffff;
	[tilespmem:s29+$0xFFFFFF80] =	vst v12  }
0x267: {  	v24 =	vor.u32 s0, v8;
	s0 =	sadd.s32 $0x3, s30;
	v13 =	vld.idx.msk [tilespmem:v16+s13+$0x0], $0xffff;
	[tilespmem:s29+$0xFFFFFC80] =	vst v11;
	s29 =	sadd.s32 $0x400, s29  }
.Ltmp12:
0x268: {  	v18 =	vor.u32 s0, v8;
	s0 =	sadd.s32 $0x4, s30;
	v12 =	vld.idx.msk [tilespmem:v17+s13+$0x0], $0xffff;
	[tilespmem:s29+$0x0] =	vst v9;
	(pc) =	sbr.rel @p0 .LBB2_27-.Ltmp12, $4  }
0x269: {  	v19 =	vor.u32 s0, v8;
	s0 =	sadd.s32 $0x5, s30;
	v11 =	vld.idx.msk [tilespmem:v15+s13+$0x0], $0xffff;
	[tilespmem:s29+$0xFFFFFD00] =	vst v10  }
0x26a: {  	v16 =	vor.u32 s0, v8;
	s0 =	sadd.s32 $0x6, s30;
	v9 =	vld.idx.msk [tilespmem:v20+s13+$0x0], $0xffff;
	[tilespmem:s29+$0xFFFFFD80] =	vst v14  }
0x26b: {  	v10 =	vld.idx.msk [tilespmem:v22+s13+$0x0], $0xffff;
	v17 =	vor.u32 s0, v8;
	[tilespmem:s29+$0xFFFFFE00] =	vst v21  }
0x26c: {  	s1 =	sadd.s32 $0x7, s31;
	v15 =	vor.u32 s30, v8;
	s30 =	smov.u32 s31;
	s31 =	sadd.s32 $0x8, s31;
	v14 =	vld.idx.msk [tilespmem:v24+s13+$0x0], $0xffff;
	[tilespmem:s29+$0xFFFFFE80] =	vst v23  }
0x26d: {  	_ =	sdelay $0x2  }
0x26e: {  	[tilespmem:s29+$0xFFFFFF00] =	vst v13  }
0x26f: {  	s0 =	sadd.s32 $0x1, s30;
	v13 =	vor.u32 s1, v8;
	v18 =	vld.idx.msk [tilespmem:v18+s13+$0x0], $0xffff;
	[tilespmem:s29+$0xFFFFFF80] =	vst v12  }
0x270: {  	s10 =	sadd.s32 $0x2, s30;
	v19 =	vld.idx.msk [tilespmem:v19+s13+$0x0], $0xffff;
	s1 =	sadd.s32 $0x400, s29;
	v12 =	vor.u32 s0, v8;
	[tilespmem:s29+$0xFFFFFC80] =	vst v11  }
0x271: {  	v16 =	vld.idx.msk [tilespmem:v16+s13+$0x0], $0xffff;
	v11 =	vor.u32 s10, v8;
	s10 =	sadd.s32 $0x3, s30;
	[tilespmem:s1+$0x0] =	vst v9  }
0x272: {  	v17 =	vld.idx.msk [tilespmem:v17+s13+$0x0], $0xffff;
	v9 =	vor.u32 s10, v8;
	s10 =	sadd.s32 $0x4, s30;
	[tilespmem:s1+$0xFFFFFD00] =	vst v10  }
0x273: {  	v15 =	vld.idx.msk [tilespmem:v15+s13+$0x0], $0xffff;
	v10 =	vor.u32 s10, v8;
	s10 =	sadd.s32 $0x5, s30;
	[tilespmem:s1+$0xFFFFFD80] =	vst v14  }
0x274: {  	v14 =	vor.u32 s10, v8;
	s10 =	sadd.s32 $0x6, s30;
	v13 =	vld.idx.msk [tilespmem:v13+s13+$0x0], $0xffff;
	[tilespmem:s1+$0xFFFFFE00] =	vst v18  }
0x275: {  	v18 =	vor.u32 s10, v8;
	[tilespmem:s1+$0xFFFFFE80] =	vst v19;
	v12 =	vld.idx.msk [tilespmem:v12+s13+$0x0], $0xffff  }
0x276: {  	v8 =	vor.u32 s30, v8;
	[tilespmem:s1+$0xFFFFFF00] =	vst v16;
	v11 =	vld.idx.msk [tilespmem:v11+s13+$0x0], $0xffff  }
0x277: {  	[tilespmem:s1+$0xFFFFFF80] =	vst v17;
	v9 =	vld.idx.msk [tilespmem:v9+s13+$0x0], $0xffff  }
0x278: {  	[tilespmem:s1+$0xFFFFFC80] =	vst v15;
	s10 =	sadd.s32 $0x400, s1;
	v10 =	vld.idx.msk [tilespmem:v10+s13+$0x0], $0xffff  }
0x279: {  	v14 =	vld.idx.msk [tilespmem:v14+s13+$0x0], $0xffff;
	[tilespmem:s10+$0x0] =	vst v13  }
0x27a: {  	v13 =	vld.idx.msk [tilespmem:v18+s13+$0x0], $0xffff;
	[tilespmem:s10+$0xFFFFFD00] =	vst v12  }
0x27b: {  	v8 =	vld.idx.msk [tilespmem:v8+s13+$0x0], $0xffff;
	[tilespmem:s10+$0xFFFFFD80] =	vst v11  }
0x27c: {  	[tilespmem:s10+$0xFFFFFE00] =	vst v9  }
0x27d: {  	[tilespmem:s10+$0xFFFFFE80] =	vst v10  }
0x27e: {  	[tilespmem:s10+$0xFFFFFF00] =	vst v14  }
0x27f: {  	[tilespmem:s10+$0xFFFFFF80] =	vst v13  }
0x280: {  	[tilespmem:s10+$0xFFFFFC80] =	vst v8  }
0x281: {  	v8 =	vld [tilespmem:s28+$0x40];
	_ =	sdelay $0x4  }
0x282: {  	v8 =	vshll.u32 v8, $0x6  }
0x283: {  	v8 =	vand.u32 $0x40, v8  }
0x284: {  	s1 =	simm.s32 $0x7;
	v8 =	vor.u32 v4, v8  }
0x285: {  	s10 =	simm.s32 $0x1;
	v9 =	vor.u32 s1, v8  }
0x286: {  	v10 =	vor.u32 s10, v8;
	s1 =	simm.s32 $0x2  }
0x287: {  	s10 =	simm.s32 $0x3;
	v11 =	vor.u32 s1, v8  }
0x288: {  	v12 =	vor.u32 s10, v8;
	s1 =	simm.s32 $0x4  }
0x289: {  	s10 =	simm.s32 $0x5;
	v13 =	vor.u32 s1, v8  }
0x28a: {  	v14 =	vor.u32 s10, v8;
	s1 =	simm.s32 $0x6;
	v9 =	vld.idx.msk [tilespmem:v9+s13+$0x0], $0xffff  }
0x28b: {  	s0 =	simm.s32 $0xF;
	v15 =	vor.u32 s1, v8;
	v10 =	vld.idx.msk [tilespmem:v10+s13+$0x0], $0xffff  }
0x28c: {  	v19 =	vor.u32 s0, v8;
	s10 =	simm.s32 $0x0;
	v17 =	vld.idx.msk [tilespmem:v11+s13+$0x0], $0xffff  }
0x28d: {  	v16 =	vor.u32 s10, v8;
	s1 =	simm.s32 $0xA;
	v20 =	vld.idx.msk [tilespmem:v12+s13+$0x0], $0xffff  }
0x28e: {  	s10 =	simm.s32 $0x9;
	v23 =	vor.u32 s1, v8;
	v22 =	vld.idx.msk [tilespmem:v13+s13+$0x0], $0xffff  }
0x28f: {  	s29 =	simm.s32 $0xDBC0;
	v21 =	vor.u32 s10, v8;
	s10 =	simm.s32 $0xB;
	v13 =	vld.idx.msk [tilespmem:v14+s13+$0x0], $0xffff  }
0x290: {  	s0 =	simm.s32 $0xC;
	v18 =	vor.u32 s10, v8;
	v12 =	vld.idx.msk [tilespmem:v15+s13+$0x0], $0xffff;
	[tilespmem:s29+$0x0] =	vst v9  }
0x291: {  	s1 =	simm.s32 $0xD;
	[tilespmem:s29+$0xFFFFFD00] =	vst v10;
	v9 =	vld.idx.msk [tilespmem:v19+s13+$0x0], $0xffff;
	v19 =	vor.u32 s0, v8  }
0x292: {  	v11 =	vld.idx.msk [tilespmem:v16+s13+$0x0], $0xffff;
	v16 =	vor.u32 s1, v8;
	s1 =	simm.s32 $0xE;
	[tilespmem:s29+$0xFFFFFD80] =	vst v17  }
0x293: {  	s10 =	simm.s32 $0x8;
	v14 =	vld.idx.msk [tilespmem:v23+s13+$0x0], $0xffff;
	[tilespmem:s29+$0xFFFFFE00] =	vst v20;
	v17 =	vor.u32 s1, v8  }
0x294: {  	s31 =	simm.s32 $0x18;
	s30 =	simm.s32 $0x10;
	v15 =	vor.u32 s10, v8;
	v10 =	vld.idx.msk [tilespmem:v21+s13+$0x0], $0xffff;
	s1 =	simm.s32 $0x17;
	[tilespmem:s29+$0xFFFFFE80] =	vst v22  }
.LBB2_29:
0x295: {  	p0 =	slt.u32 s31, $0x38;
	s0 =	sadd.s32 $0x1, s30;
	v20 =	vor.u32 s1, v8;
	v21 =	vld.idx.msk [tilespmem:v18+s13+$0x0], $0xffff;
	[tilespmem:s29+$0xFFFFFF00] =	vst v13  }
0x296: {  	v22 =	vor.u32 s0, v8;
	s0 =	sadd.s32 $0x2, s30;
	v23 =	vld.idx.msk [tilespmem:v19+s13+$0x0], $0xffff;
	[tilespmem:s29+$0xFFFFFF80] =	vst v12  }
0x297: {  	v24 =	vor.u32 s0, v8;
	s0 =	sadd.s32 $0x3, s30;
	v13 =	vld.idx.msk [tilespmem:v16+s13+$0x0], $0xffff;
	[tilespmem:s29+$0xFFFFFC80] =	vst v11;
	s29 =	sadd.s32 $0x400, s29  }
.Ltmp13:
0x298: {  	v18 =	vor.u32 s0, v8;
	s0 =	sadd.s32 $0x4, s30;
	v12 =	vld.idx.msk [tilespmem:v17+s13+$0x0], $0xffff;
	[tilespmem:s29+$0x0] =	vst v9;
	(pc) =	sbr.rel @p0 .LBB2_29-.Ltmp13, $4  }
0x299: {  	v19 =	vor.u32 s0, v8;
	s0 =	sadd.s32 $0x5, s30;
	v11 =	vld.idx.msk [tilespmem:v15+s13+$0x0], $0xffff;
	[tilespmem:s29+$0xFFFFFD00] =	vst v10  }
0x29a: {  	v16 =	vor.u32 s0, v8;
	s0 =	sadd.s32 $0x6, s30;
	v9 =	vld.idx.msk [tilespmem:v20+s13+$0x0], $0xffff;
	[tilespmem:s29+$0xFFFFFD80] =	vst v14  }
0x29b: {  	v10 =	vld.idx.msk [tilespmem:v22+s13+$0x0], $0xffff;
	v17 =	vor.u32 s0, v8;
	[tilespmem:s29+$0xFFFFFE00] =	vst v21  }
0x29c: {  	s1 =	sadd.s32 $0x7, s31;
	v15 =	vor.u32 s30, v8;
	s30 =	smov.u32 s31;
	s31 =	sadd.s32 $0x8, s31;
	v14 =	vld.idx.msk [tilespmem:v24+s13+$0x0], $0xffff;
	[tilespmem:s29+$0xFFFFFE80] =	vst v23  }
0x29d: {  	_ =	sdelay $0x2  }
0x29e: {  	[tilespmem:s29+$0xFFFFFF00] =	vst v13  }
0x29f: {  	s0 =	sadd.s32 $0x1, s30;
	v13 =	vor.u32 s1, v8;
	v18 =	vld.idx.msk [tilespmem:v18+s13+$0x0], $0xffff;
	[tilespmem:s29+$0xFFFFFF80] =	vst v12  }
0x2a0: {  	s10 =	sadd.s32 $0x2, s30;
	v19 =	vld.idx.msk [tilespmem:v19+s13+$0x0], $0xffff;
	s1 =	sadd.s32 $0x400, s29;
	v12 =	vor.u32 s0, v8;
	[tilespmem:s29+$0xFFFFFC80] =	vst v11  }
0x2a1: {  	v16 =	vld.idx.msk [tilespmem:v16+s13+$0x0], $0xffff;
	v11 =	vor.u32 s10, v8;
	s10 =	sadd.s32 $0x3, s30;
	[tilespmem:s1+$0x0] =	vst v9  }
0x2a2: {  	v17 =	vld.idx.msk [tilespmem:v17+s13+$0x0], $0xffff;
	v9 =	vor.u32 s10, v8;
	s10 =	sadd.s32 $0x4, s30;
	[tilespmem:s1+$0xFFFFFD00] =	vst v10  }
0x2a3: {  	v15 =	vld.idx.msk [tilespmem:v15+s13+$0x0], $0xffff;
	v10 =	vor.u32 s10, v8;
	s10 =	sadd.s32 $0x5, s30;
	[tilespmem:s1+$0xFFFFFD80] =	vst v14  }
0x2a4: {  	v14 =	vor.u32 s10, v8;
	s10 =	sadd.s32 $0x6, s30;
	v13 =	vld.idx.msk [tilespmem:v13+s13+$0x0], $0xffff;
	[tilespmem:s1+$0xFFFFFE00] =	vst v18  }
0x2a5: {  	v18 =	vor.u32 s10, v8;
	[tilespmem:s1+$0xFFFFFE80] =	vst v19;
	v12 =	vld.idx.msk [tilespmem:v12+s13+$0x0], $0xffff  }
0x2a6: {  	v8 =	vor.u32 s30, v8;
	[tilespmem:s1+$0xFFFFFF00] =	vst v16;
	v11 =	vld.idx.msk [tilespmem:v11+s13+$0x0], $0xffff  }
0x2a7: {  	[tilespmem:s1+$0xFFFFFF80] =	vst v17;
	v9 =	vld.idx.msk [tilespmem:v9+s13+$0x0], $0xffff  }
0x2a8: {  	[tilespmem:s1+$0xFFFFFC80] =	vst v15;
	s10 =	sadd.s32 $0x400, s1;
	v10 =	vld.idx.msk [tilespmem:v10+s13+$0x0], $0xffff  }
0x2a9: {  	v14 =	vld.idx.msk [tilespmem:v14+s13+$0x0], $0xffff;
	[tilespmem:s10+$0x0] =	vst v13  }
0x2aa: {  	v13 =	vld.idx.msk [tilespmem:v18+s13+$0x0], $0xffff;
	[tilespmem:s10+$0xFFFFFD00] =	vst v12  }
0x2ab: {  	v8 =	vld.idx.msk [tilespmem:v8+s13+$0x0], $0xffff;
	[tilespmem:s10+$0xFFFFFD80] =	vst v11  }
0x2ac: {  	[tilespmem:s10+$0xFFFFFE00] =	vst v9  }
0x2ad: {  	[tilespmem:s10+$0xFFFFFE80] =	vst v10  }
0x2ae: {  	[tilespmem:s10+$0xFFFFFF00] =	vst v14  }
0x2af: {  	[tilespmem:s10+$0xFFFFFF80] =	vst v13  }
0x2b0: {  	[tilespmem:s10+$0xFFFFFC80] =	vst v8  }
0x2b1: {  	v8 =	vld [tilespmem:s28+$0x50];
	_ =	sdelay $0x4  }
0x2b2: {  	v8 =	vshll.u32 v8, $0x6  }
0x2b3: {  	v8 =	vand.u32 $0x40, v8  }
0x2b4: {  	s1 =	simm.s32 $0x7;
	v8 =	vor.u32 v5, v8  }
0x2b5: {  	s10 =	simm.s32 $0x1;
	v9 =	vor.u32 s1, v8  }
0x2b6: {  	v10 =	vor.u32 s10, v8;
	s1 =	simm.s32 $0x2  }
0x2b7: {  	s10 =	simm.s32 $0x3;
	v11 =	vor.u32 s1, v8  }
0x2b8: {  	v12 =	vor.u32 s10, v8;
	s1 =	simm.s32 $0x4  }
0x2b9: {  	s10 =	simm.s32 $0x5;
	v13 =	vor.u32 s1, v8  }
0x2ba: {  	v14 =	vor.u32 s10, v8;
	s1 =	simm.s32 $0x6;
	v9 =	vld.idx.msk [tilespmem:v9+s13+$0x0], $0xffff  }
0x2bb: {  	s0 =	simm.s32 $0xF;
	v15 =	vor.u32 s1, v8;
	v10 =	vld.idx.msk [tilespmem:v10+s13+$0x0], $0xffff  }
0x2bc: {  	v19 =	vor.u32 s0, v8;
	s10 =	simm.s32 $0x0;
	v17 =	vld.idx.msk [tilespmem:v11+s13+$0x0], $0xffff  }
0x2bd: {  	v16 =	vor.u32 s10, v8;
	s1 =	simm.s32 $0xA;
	v20 =	vld.idx.msk [tilespmem:v12+s13+$0x0], $0xffff  }
0x2be: {  	s10 =	simm.s32 $0x9;
	v23 =	vor.u32 s1, v8;
	v22 =	vld.idx.msk [tilespmem:v13+s13+$0x0], $0xffff  }
0x2bf: {  	s29 =	simm.s32 $0xDBD0;
	v21 =	vor.u32 s10, v8;
	s10 =	simm.s32 $0xB;
	v13 =	vld.idx.msk [tilespmem:v14+s13+$0x0], $0xffff  }
0x2c0: {  	s0 =	simm.s32 $0xC;
	v18 =	vor.u32 s10, v8;
	v12 =	vld.idx.msk [tilespmem:v15+s13+$0x0], $0xffff;
	[tilespmem:s29+$0x0] =	vst v9  }
0x2c1: {  	s1 =	simm.s32 $0xD;
	[tilespmem:s29+$0xFFFFFD00] =	vst v10;
	v9 =	vld.idx.msk [tilespmem:v19+s13+$0x0], $0xffff;
	v19 =	vor.u32 s0, v8  }
0x2c2: {  	v11 =	vld.idx.msk [tilespmem:v16+s13+$0x0], $0xffff;
	v16 =	vor.u32 s1, v8;
	s1 =	simm.s32 $0xE;
	[tilespmem:s29+$0xFFFFFD80] =	vst v17  }
0x2c3: {  	s10 =	simm.s32 $0x8;
	v14 =	vld.idx.msk [tilespmem:v23+s13+$0x0], $0xffff;
	[tilespmem:s29+$0xFFFFFE00] =	vst v20;
	v17 =	vor.u32 s1, v8  }
0x2c4: {  	s31 =	simm.s32 $0x18;
	s30 =	simm.s32 $0x10;
	v15 =	vor.u32 s10, v8;
	v10 =	vld.idx.msk [tilespmem:v21+s13+$0x0], $0xffff;
	s1 =	simm.s32 $0x17;
	[tilespmem:s29+$0xFFFFFE80] =	vst v22  }
.LBB2_31:
0x2c5: {  	p0 =	slt.u32 s31, $0x38;
	s0 =	sadd.s32 $0x1, s30;
	v20 =	vor.u32 s1, v8;
	v21 =	vld.idx.msk [tilespmem:v18+s13+$0x0], $0xffff;
	[tilespmem:s29+$0xFFFFFF00] =	vst v13  }
0x2c6: {  	v22 =	vor.u32 s0, v8;
	s0 =	sadd.s32 $0x2, s30;
	v23 =	vld.idx.msk [tilespmem:v19+s13+$0x0], $0xffff;
	[tilespmem:s29+$0xFFFFFF80] =	vst v12  }
0x2c7: {  	v24 =	vor.u32 s0, v8;
	s0 =	sadd.s32 $0x3, s30;
	v13 =	vld.idx.msk [tilespmem:v16+s13+$0x0], $0xffff;
	[tilespmem:s29+$0xFFFFFC80] =	vst v11;
	s29 =	sadd.s32 $0x400, s29  }
.Ltmp14:
0x2c8: {  	v18 =	vor.u32 s0, v8;
	s0 =	sadd.s32 $0x4, s30;
	v12 =	vld.idx.msk [tilespmem:v17+s13+$0x0], $0xffff;
	[tilespmem:s29+$0x0] =	vst v9;
	(pc) =	sbr.rel @p0 .LBB2_31-.Ltmp14, $4  }
0x2c9: {  	v19 =	vor.u32 s0, v8;
	s0 =	sadd.s32 $0x5, s30;
	v11 =	vld.idx.msk [tilespmem:v15+s13+$0x0], $0xffff;
	[tilespmem:s29+$0xFFFFFD00] =	vst v10  }
0x2ca: {  	v16 =	vor.u32 s0, v8;
	s0 =	sadd.s32 $0x6, s30;
	v9 =	vld.idx.msk [tilespmem:v20+s13+$0x0], $0xffff;
	[tilespmem:s29+$0xFFFFFD80] =	vst v14  }
0x2cb: {  	v10 =	vld.idx.msk [tilespmem:v22+s13+$0x0], $0xffff;
	v17 =	vor.u32 s0, v8;
	[tilespmem:s29+$0xFFFFFE00] =	vst v21  }
0x2cc: {  	s1 =	sadd.s32 $0x7, s31;
	v15 =	vor.u32 s30, v8;
	s30 =	smov.u32 s31;
	s31 =	sadd.s32 $0x8, s31;
	v14 =	vld.idx.msk [tilespmem:v24+s13+$0x0], $0xffff;
	[tilespmem:s29+$0xFFFFFE80] =	vst v23  }
0x2cd: {  	_ =	sdelay $0x2  }
0x2ce: {  	[tilespmem:s29+$0xFFFFFF00] =	vst v13  }
0x2cf: {  	s0 =	sadd.s32 $0x1, s30;
	v13 =	vor.u32 s1, v8;
	v18 =	vld.idx.msk [tilespmem:v18+s13+$0x0], $0xffff;
	[tilespmem:s29+$0xFFFFFF80] =	vst v12  }
0x2d0: {  	s10 =	sadd.s32 $0x2, s30;
	v19 =	vld.idx.msk [tilespmem:v19+s13+$0x0], $0xffff;
	s1 =	sadd.s32 $0x400, s29;
	v12 =	vor.u32 s0, v8;
	[tilespmem:s29+$0xFFFFFC80] =	vst v11  }
0x2d1: {  	v16 =	vld.idx.msk [tilespmem:v16+s13+$0x0], $0xffff;
	v11 =	vor.u32 s10, v8;
	s10 =	sadd.s32 $0x3, s30;
	[tilespmem:s1+$0x0] =	vst v9  }
0x2d2: {  	v17 =	vld.idx.msk [tilespmem:v17+s13+$0x0], $0xffff;
	v9 =	vor.u32 s10, v8;
	s10 =	sadd.s32 $0x4, s30;
	[tilespmem:s1+$0xFFFFFD00] =	vst v10  }
0x2d3: {  	v15 =	vld.idx.msk [tilespmem:v15+s13+$0x0], $0xffff;
	v10 =	vor.u32 s10, v8;
	s10 =	sadd.s32 $0x5, s30;
	[tilespmem:s1+$0xFFFFFD80] =	vst v14  }
0x2d4: {  	v14 =	vor.u32 s10, v8;
	s10 =	sadd.s32 $0x6, s30;
	v13 =	vld.idx.msk [tilespmem:v13+s13+$0x0], $0xffff;
	[tilespmem:s1+$0xFFFFFE00] =	vst v18  }
0x2d5: {  	v18 =	vor.u32 s10, v8;
	[tilespmem:s1+$0xFFFFFE80] =	vst v19;
	v12 =	vld.idx.msk [tilespmem:v12+s13+$0x0], $0xffff  }
0x2d6: {  	v8 =	vor.u32 s30, v8;
	[tilespmem:s1+$0xFFFFFF00] =	vst v16;
	v11 =	vld.idx.msk [tilespmem:v11+s13+$0x0], $0xffff  }
0x2d7: {  	[tilespmem:s1+$0xFFFFFF80] =	vst v17;
	v9 =	vld.idx.msk [tilespmem:v9+s13+$0x0], $0xffff  }
0x2d8: {  	[tilespmem:s1+$0xFFFFFC80] =	vst v15;
	s10 =	sadd.s32 $0x400, s1;
	v10 =	vld.idx.msk [tilespmem:v10+s13+$0x0], $0xffff  }
0x2d9: {  	v14 =	vld.idx.msk [tilespmem:v14+s13+$0x0], $0xffff;
	[tilespmem:s10+$0x0] =	vst v13  }
0x2da: {  	v13 =	vld.idx.msk [tilespmem:v18+s13+$0x0], $0xffff;
	[tilespmem:s10+$0xFFFFFD00] =	vst v12  }
0x2db: {  	v8 =	vld.idx.msk [tilespmem:v8+s13+$0x0], $0xffff;
	[tilespmem:s10+$0xFFFFFD80] =	vst v11  }
0x2dc: {  	[tilespmem:s10+$0xFFFFFE00] =	vst v9  }
0x2dd: {  	[tilespmem:s10+$0xFFFFFE80] =	vst v10  }
0x2de: {  	[tilespmem:s10+$0xFFFFFF00] =	vst v14  }
0x2df: {  	[tilespmem:s10+$0xFFFFFF80] =	vst v13  }
0x2e0: {  	[tilespmem:s10+$0xFFFFFC80] =	vst v8  }
0x2e1: {  	v8 =	vld [tilespmem:s28+$0x60];
	_ =	sdelay $0x4  }
0x2e2: {  	v8 =	vshll.u32 v8, $0x6  }
0x2e3: {  	v8 =	vand.u32 $0x40, v8  }
0x2e4: {  	s1 =	simm.s32 $0x7;
	v8 =	vor.u32 v6, v8  }
0x2e5: {  	s10 =	simm.s32 $0x1;
	v9 =	vor.u32 s1, v8  }
0x2e6: {  	v10 =	vor.u32 s10, v8;
	s1 =	simm.s32 $0x2  }
0x2e7: {  	s10 =	simm.s32 $0x3;
	v11 =	vor.u32 s1, v8  }
0x2e8: {  	v12 =	vor.u32 s10, v8;
	s1 =	simm.s32 $0x4  }
0x2e9: {  	s10 =	simm.s32 $0x5;
	v13 =	vor.u32 s1, v8  }
0x2ea: {  	v14 =	vor.u32 s10, v8;
	s1 =	simm.s32 $0x6;
	v9 =	vld.idx.msk [tilespmem:v9+s13+$0x0], $0xffff  }
0x2eb: {  	s0 =	simm.s32 $0xF;
	v15 =	vor.u32 s1, v8;
	v10 =	vld.idx.msk [tilespmem:v10+s13+$0x0], $0xffff  }
0x2ec: {  	v19 =	vor.u32 s0, v8;
	s10 =	simm.s32 $0x0;
	v17 =	vld.idx.msk [tilespmem:v11+s13+$0x0], $0xffff  }
0x2ed: {  	v16 =	vor.u32 s10, v8;
	s1 =	simm.s32 $0xA;
	v20 =	vld.idx.msk [tilespmem:v12+s13+$0x0], $0xffff  }
0x2ee: {  	s10 =	simm.s32 $0x9;
	v23 =	vor.u32 s1, v8;
	v22 =	vld.idx.msk [tilespmem:v13+s13+$0x0], $0xffff  }
0x2ef: {  	s29 =	simm.s32 $0xDBE0;
	v21 =	vor.u32 s10, v8;
	s10 =	simm.s32 $0xB;
	v13 =	vld.idx.msk [tilespmem:v14+s13+$0x0], $0xffff  }
0x2f0: {  	s0 =	simm.s32 $0xC;
	v18 =	vor.u32 s10, v8;
	v12 =	vld.idx.msk [tilespmem:v15+s13+$0x0], $0xffff;
	[tilespmem:s29+$0x0] =	vst v9  }
0x2f1: {  	s1 =	simm.s32 $0xD;
	[tilespmem:s29+$0xFFFFFD00] =	vst v10;
	v9 =	vld.idx.msk [tilespmem:v19+s13+$0x0], $0xffff;
	v19 =	vor.u32 s0, v8  }
0x2f2: {  	v11 =	vld.idx.msk [tilespmem:v16+s13+$0x0], $0xffff;
	v16 =	vor.u32 s1, v8;
	s1 =	simm.s32 $0xE;
	[tilespmem:s29+$0xFFFFFD80] =	vst v17  }
0x2f3: {  	s10 =	simm.s32 $0x8;
	v14 =	vld.idx.msk [tilespmem:v23+s13+$0x0], $0xffff;
	[tilespmem:s29+$0xFFFFFE00] =	vst v20;
	v17 =	vor.u32 s1, v8  }
0x2f4: {  	s31 =	simm.s32 $0x18;
	s30 =	simm.s32 $0x10;
	v15 =	vor.u32 s10, v8;
	v10 =	vld.idx.msk [tilespmem:v21+s13+$0x0], $0xffff;
	s1 =	simm.s32 $0x17;
	[tilespmem:s29+$0xFFFFFE80] =	vst v22  }
.LBB2_33:
0x2f5: {  	p0 =	slt.u32 s31, $0x38;
	s0 =	sadd.s32 $0x1, s30;
	v20 =	vor.u32 s1, v8;
	v21 =	vld.idx.msk [tilespmem:v18+s13+$0x0], $0xffff;
	[tilespmem:s29+$0xFFFFFF00] =	vst v13  }
0x2f6: {  	v22 =	vor.u32 s0, v8;
	s0 =	sadd.s32 $0x2, s30;
	v23 =	vld.idx.msk [tilespmem:v19+s13+$0x0], $0xffff;
	[tilespmem:s29+$0xFFFFFF80] =	vst v12  }
0x2f7: {  	v24 =	vor.u32 s0, v8;
	s0 =	sadd.s32 $0x3, s30;
	v13 =	vld.idx.msk [tilespmem:v16+s13+$0x0], $0xffff;
	[tilespmem:s29+$0xFFFFFC80] =	vst v11;
	s29 =	sadd.s32 $0x400, s29  }
.Ltmp15:
0x2f8: {  	v18 =	vor.u32 s0, v8;
	s0 =	sadd.s32 $0x4, s30;
	v12 =	vld.idx.msk [tilespmem:v17+s13+$0x0], $0xffff;
	[tilespmem:s29+$0x0] =	vst v9;
	(pc) =	sbr.rel @p0 .LBB2_33-.Ltmp15, $4  }
0x2f9: {  	v19 =	vor.u32 s0, v8;
	s0 =	sadd.s32 $0x5, s30;
	v11 =	vld.idx.msk [tilespmem:v15+s13+$0x0], $0xffff;
	[tilespmem:s29+$0xFFFFFD00] =	vst v10  }
0x2fa: {  	v16 =	vor.u32 s0, v8;
	s0 =	sadd.s32 $0x6, s30;
	v9 =	vld.idx.msk [tilespmem:v20+s13+$0x0], $0xffff;
	[tilespmem:s29+$0xFFFFFD80] =	vst v14  }
0x2fb: {  	v10 =	vld.idx.msk [tilespmem:v22+s13+$0x0], $0xffff;
	v17 =	vor.u32 s0, v8;
	[tilespmem:s29+$0xFFFFFE00] =	vst v21  }
0x2fc: {  	s1 =	sadd.s32 $0x7, s31;
	v15 =	vor.u32 s30, v8;
	s30 =	smov.u32 s31;
	s31 =	sadd.s32 $0x8, s31;
	v14 =	vld.idx.msk [tilespmem:v24+s13+$0x0], $0xffff;
	[tilespmem:s29+$0xFFFFFE80] =	vst v23  }
0x2fd: {  	_ =	sdelay $0x2  }
0x2fe: {  	[tilespmem:s29+$0xFFFFFF00] =	vst v13  }
0x2ff: {  	s0 =	sadd.s32 $0x1, s30;
	v13 =	vor.u32 s1, v8;
	v18 =	vld.idx.msk [tilespmem:v18+s13+$0x0], $0xffff;
	[tilespmem:s29+$0xFFFFFF80] =	vst v12  }
0x300: {  	s31 =	sadd.s32 $0x2, s30;
	v19 =	vld.idx.msk [tilespmem:v19+s13+$0x0], $0xffff;
	s1 =	sadd.s32 $0x400, s29;
	v12 =	vor.u32 s0, v8;
	[tilespmem:s29+$0xFFFFFC80] =	vst v11  }
0x301: {  	s10 =	sadd.s32 $0x3, s30;
	v16 =	vld.idx.msk [tilespmem:v16+s13+$0x0], $0xffff;
	v11 =	vor.u32 s31, v8;
	[tilespmem:s1+$0x0] =	vst v9  }
0x302: {  	v17 =	vld.idx.msk [tilespmem:v17+s13+$0x0], $0xffff;
	s31 =	sadd.s32 $0x4, s30;
	v9 =	vor.u32 s10, v8;
	[tilespmem:s1+$0xFFFFFD00] =	vst v10  }
0x303: {  	v15 =	vld.idx.msk [tilespmem:v15+s13+$0x0], $0xffff;
	s10 =	sadd.s32 $0x5, s30;
	v10 =	vor.u32 s31, v8;
	[tilespmem:s1+$0xFFFFFD80] =	vst v14  }
0x304: {  	s31 =	sadd.s32 $0x6, s30;
	v14 =	vor.u32 s10, v8;
	v13 =	vld.idx.msk [tilespmem:v13+s13+$0x0], $0xffff;
	[tilespmem:s1+$0xFFFFFE00] =	vst v18  }
0x305: {  	v18 =	vor.u32 s31, v8;
	[tilespmem:s1+$0xFFFFFE80] =	vst v19;
	v12 =	vld.idx.msk [tilespmem:v12+s13+$0x0], $0xffff  }
0x306: {  	v8 =	vor.u32 s30, v8;
	[tilespmem:s1+$0xFFFFFF00] =	vst v16;
	v11 =	vld.idx.msk [tilespmem:v11+s13+$0x0], $0xffff  }
0x307: {  	[tilespmem:s1+$0xFFFFFF80] =	vst v17;
	v9 =	vld.idx.msk [tilespmem:v9+s13+$0x0], $0xffff  }
0x308: {  	[tilespmem:s1+$0xFFFFFC80] =	vst v15;
	s1 =	sadd.s32 $0x400, s1;
	v10 =	vld.idx.msk [tilespmem:v10+s13+$0x0], $0xffff  }
0x309: {  	v14 =	vld.idx.msk [tilespmem:v14+s13+$0x0], $0xffff;
	[tilespmem:s1+$0x0] =	vst v13  }
0x30a: {  	v13 =	vld.idx.msk [tilespmem:v18+s13+$0x0], $0xffff;
	[tilespmem:s1+$0xFFFFFD00] =	vst v12  }
0x30b: {  	v8 =	vld.idx.msk [tilespmem:v8+s13+$0x0], $0xffff;
	[tilespmem:s1+$0xFFFFFD80] =	vst v11  }
0x30c: {  	[tilespmem:s1+$0xFFFFFE00] =	vst v9  }
0x30d: {  	[tilespmem:s1+$0xFFFFFE80] =	vst v10  }
0x30e: {  	[tilespmem:s1+$0xFFFFFF00] =	vst v14  }
0x30f: {  	[tilespmem:s1+$0xFFFFFF80] =	vst v13  }
0x310: {  	[tilespmem:s1+$0xFFFFFC80] =	vst v8  }
0x311: {  	v8 =	vld [tilespmem:s28+$0x70];
	_ =	sdelay $0x4  }
0x312: {  	v8 =	vshll.u32 v8, $0x6  }
0x313: {  	v8 =	vand.u32 $0x40, v8  }
0x314: {  	s10 =	simm.s32 $0x7;
	v8 =	vor.u32 v7, v8  }
0x315: {  	s31 =	simm.s32 $0x1;
	v9 =	vor.u32 s10, v8  }
0x316: {  	s1 =	simm.s32 $0x2;
	v10 =	vor.u32 s31, v8  }
0x317: {  	v11 =	vor.u32 s1, v8;
	s10 =	simm.s32 $0x3  }
0x318: {  	s31 =	simm.s32 $0x4;
	v12 =	vor.u32 s10, v8  }
0x319: {  	s1 =	simm.s32 $0x5;
	v13 =	vor.u32 s31, v8  }
0x31a: {  	v14 =	vor.u32 s1, v8;
	s10 =	simm.s32 $0x6;
	v9 =	vld.idx.msk [tilespmem:v9+s13+$0x0], $0xffff  }
0x31b: {  	v15 =	vor.u32 s10, v8;
	s10 =	simm.s32 $0xF;
	v10 =	vld.idx.msk [tilespmem:v10+s13+$0x0], $0xffff  }
0x31c: {  	s31 =	simm.s32 $0x0;
	v19 =	vor.u32 s10, v8;
	v17 =	vld.idx.msk [tilespmem:v11+s13+$0x0], $0xffff  }
0x31d: {  	v16 =	vor.u32 s31, v8;
	s10 =	simm.s32 $0xA;
	v20 =	vld.idx.msk [tilespmem:v12+s13+$0x0], $0xffff  }
0x31e: {  	s31 =	simm.s32 $0x9;
	v23 =	vor.u32 s10, v8;
	v22 =	vld.idx.msk [tilespmem:v13+s13+$0x0], $0xffff  }
0x31f: {  	s28 =	simm.s32 $0xDBF0;
	v21 =	vor.u32 s31, v8;
	s31 =	simm.s32 $0xB;
	v13 =	vld.idx.msk [tilespmem:v14+s13+$0x0], $0xffff  }
0x320: {  	s1 =	simm.s32 $0xC;
	v18 =	vor.u32 s31, v8;
	v12 =	vld.idx.msk [tilespmem:v15+s13+$0x0], $0xffff;
	[tilespmem:s28+$0x0] =	vst v9  }
0x321: {  	s31 =	simm.s32 $0xD;
	[tilespmem:s28+$0xFFFFFD00] =	vst v10;
	v9 =	vld.idx.msk [tilespmem:v19+s13+$0x0], $0xffff;
	v19 =	vor.u32 s1, v8  }
0x322: {  	v11 =	vld.idx.msk [tilespmem:v16+s13+$0x0], $0xffff;
	v16 =	vor.u32 s31, v8;
	s31 =	simm.s32 $0xE;
	[tilespmem:s28+$0xFFFFFD80] =	vst v17  }
0x323: {  	s10 =	simm.s32 $0x8;
	v14 =	vld.idx.msk [tilespmem:v23+s13+$0x0], $0xffff;
	v17 =	vor.u32 s31, v8;
	[tilespmem:s28+$0xFFFFFE00] =	vst v20  }
0x324: {  	s29 =	simm.s32 $0x10;
	s30 =	simm.s32 $0x18;
	v15 =	vor.u32 s10, v8;
	v10 =	vld.idx.msk [tilespmem:v21+s13+$0x0], $0xffff;
	s1 =	simm.s32 $0x17;
	[tilespmem:s28+$0xFFFFFE80] =	vst v22  }
.LBB2_35:
0x325: {  	p0 =	slt.u32 s30, $0x38;
	s0 =	sadd.s32 $0x1, s29;
	v20 =	vor.u32 s1, v8;
	v21 =	vld.idx.msk [tilespmem:v18+s13+$0x0], $0xffff;
	[tilespmem:s28+$0xFFFFFF00] =	vst v13  }
0x326: {  	v22 =	vor.u32 s0, v8;
	s0 =	sadd.s32 $0x2, s29;
	v23 =	vld.idx.msk [tilespmem:v19+s13+$0x0], $0xffff;
	[tilespmem:s28+$0xFFFFFF80] =	vst v12  }
0x327: {  	v24 =	vor.u32 s0, v8;
	s0 =	sadd.s32 $0x3, s29;
	v13 =	vld.idx.msk [tilespmem:v16+s13+$0x0], $0xffff;
	[tilespmem:s28+$0xFFFFFC80] =	vst v11;
	s28 =	sadd.s32 $0x400, s28  }
.Ltmp16:
0x328: {  	v18 =	vor.u32 s0, v8;
	s0 =	sadd.s32 $0x4, s29;
	v12 =	vld.idx.msk [tilespmem:v17+s13+$0x0], $0xffff;
	[tilespmem:s28+$0x0] =	vst v9;
	(pc) =	sbr.rel @p0 .LBB2_35-.Ltmp16, $4  }
0x329: {  	v19 =	vor.u32 s0, v8;
	s0 =	sadd.s32 $0x5, s29;
	v11 =	vld.idx.msk [tilespmem:v15+s13+$0x0], $0xffff;
	[tilespmem:s28+$0xFFFFFD00] =	vst v10  }
0x32a: {  	v16 =	vor.u32 s0, v8;
	s0 =	sadd.s32 $0x6, s29;
	v9 =	vld.idx.msk [tilespmem:v20+s13+$0x0], $0xffff;
	[tilespmem:s28+$0xFFFFFD80] =	vst v14  }
0x32b: {  	v10 =	vld.idx.msk [tilespmem:v22+s13+$0x0], $0xffff;
	v17 =	vor.u32 s0, v8;
	[tilespmem:s28+$0xFFFFFE00] =	vst v21  }
0x32c: {  	s1 =	sadd.s32 $0x7, s30;
	v15 =	vor.u32 s29, v8;
	s29 =	smov.u32 s30;
	s30 =	sadd.s32 $0x8, s30;
	v14 =	vld.idx.msk [tilespmem:v24+s13+$0x0], $0xffff;
	[tilespmem:s28+$0xFFFFFE80] =	vst v23  }
0x32d: {  	_ =	sdelay $0x2  }
0x32e: {  	[tilespmem:s28+$0xFFFFFF00] =	vst v13  }
0x32f: {  	s0 =	sadd.s32 $0x1, s29;
	v56 =	vor.u32 s1, v8;
	v18 =	vld.idx.msk [tilespmem:v18+s13+$0x0], $0xffff;
	[tilespmem:s28+$0xFFFFFF80] =	vst v12  }
0x330: {  	s10 =	sadd.s32 $0x2, s29;
	v19 =	vld.idx.msk [tilespmem:v19+s13+$0x0], $0xffff;
	s1 =	sadd.s32 $0x400, s28;
	v57 =	vor.u32 s0, v8;
	[tilespmem:s28+$0xFFFFFC80] =	vst v11  }
0x331: {  	s30 =	sadd.s32 $0x3, s29;
	v16 =	vld.idx.msk [tilespmem:v16+s13+$0x0], $0xffff;
	v58 =	vor.u32 s10, v8;
	[tilespmem:s1+$0x0] =	vst v9  }
0x332: {  	s31 =	sadd.s32 $0x4, s29;
	v17 =	vld.idx.msk [tilespmem:v17+s13+$0x0], $0xffff;
	v59 =	vor.u32 s30, v8;
	[tilespmem:s1+$0xFFFFFD00] =	vst v10  }
0x333: {  	v15 =	vld.idx.msk [tilespmem:v15+s13+$0x0], $0xffff;
	v60 =	vor.u32 s31, v8;
	s10 =	sadd.s32 $0x5, s29;
	[tilespmem:s1+$0xFFFFFD80] =	vst v14  }
0x334: {  	s28 =	sadd.s32 $0x6, s29;
	v61 =	vor.u32 s10, v8;
	v13 =	vld.idx.msk [tilespmem:v56+s13+$0x0], $0xffff;
	[tilespmem:s1+$0xFFFFFE00] =	vst v18  }
0x335: {  	v62 =	vor.u32 s28, v8;
	[tilespmem:s1+$0xFFFFFE80] =	vst v19;
	v12 =	vld.idx.msk [tilespmem:v57+s13+$0x0], $0xffff  }
0x336: {  	v8 =	vor.u32 s29, v8;
	[tilespmem:s1+$0xFFFFFF00] =	vst v16;
	v11 =	vld.idx.msk [tilespmem:v58+s13+$0x0], $0xffff  }
0x337: {  	[tilespmem:s1+$0xFFFFFF80] =	vst v17;
	v9 =	vld.idx.msk [tilespmem:v59+s13+$0x0], $0xffff  }
0x338: {  	s29 =	sadd.s32 $0x400, s1;
	[tilespmem:s1+$0xFFFFFC80] =	vst v15;
	v10 =	vld.idx.msk [tilespmem:v60+s13+$0x0], $0xffff  }
0x339: {  	v14 =	vld.idx.msk [tilespmem:v61+s13+$0x0], $0xffff;
	[tilespmem:s29+$0x0] =	vst v13  }
0x33a: {  	v63 =	vld.idx.msk [tilespmem:v62+s13+$0x0], $0xffff;
	[tilespmem:s29+$0xFFFFFD00] =	vst v12  }
0x33b: {  	v8 =	vld.idx.msk [tilespmem:v8+s13+$0x0], $0xffff;
	[tilespmem:s29+$0xFFFFFD80] =	vst v11  }
0x33c: {  	s30 =	sadd.s32 s5, s26;
	[tilespmem:s29+$0xFFFFFE00] =	vst v9  }
0x33d: {  	p0 =	sne.s32 @!p1 s24, $0x19;
	s10 =	sshll.u32 s30, $0x7;
	[tilespmem:s29+$0xFFFFFE80] =	vst v10  }
0x33e: {  	p0 =	por p1, !p0;
	s10 =	sand.u32 $0x380, s10;
	s1 =	sshll.u32 s30, $0xA;
	[tilespmem:s29+$0xFFFFFF00] =	vst v14  }
.Ltmp17:
0x33f: {  	s10 =	sadd.s32 s2, s10;
	s1 =	sand.u32 $0xFFFE000, s1;
	[tilespmem:s29+$0xFFFFFF80] =	vst v63;
	(pc) =	sbr.rel @!p0 .LBB2_4-.Ltmp17, $4  }
0x340: {  	s31 =	sadd.s32 s1, s10;
	[tilespmem:s29+$0xFFFFFC80] =	vst v8  }
0x341: {  	[hbm4b:s31+s15] =	stream.strided.scatter [tilespmem:s19], [sflag:$0x4], $0x2000, s16, s15, $0x38;
	[tilespmem:$0xF800] =	vst v63  }
0x342: {  	s0 =	sadd.s32 @!p1 $0x1D80, s25;
	s1 =	simm.s32 @!p1 $0x80;
	s10 =	simm.s32 @!p1 $0x7800  }
0x343: {  	[tilespmem:s10], [sflag:$0x2] =	stream.indirect.gather @!p1 [hbm4b:s4+s1], $0x80, s0, s1, $0xb8;
	[tilespmem:$0xF800] =	vst v63  }
0x344: {  	s22 =	sadd.s32 $0x1, s22  }
0x345: {  	_ =	swait.ge [sflag:s20], $0x2000;
	p0 =	sne.s32 s22, s7  }
.Ltmp18:
0x346: {  	[sflag:s20] =	ssyncset.done $0x0;
	(pc) =	sbr.rel @p0 .LBB2_1-.Ltmp18, $4  }
0x347: {  	[sflag:s20] =	ssyncadd.s32 $0xFFFFE000  }
0x348: {  	_ =	swait.ge [sflag:s21], $0x2000  }
0x349: {  	[sflag:s21] =	ssyncset.done $0x0  }
0x34a: {  	[sflag:s21] =	ssyncadd.s32 $0xFFFFE000  }
0x34b: {  	_ =	sfence.sel $0x180000  }
0x34c: {  	[bflag:$0x0] =	sbarrier.arrive $0xFFFF  }
0x34d: {  	_ =	strace $0x90000047  }
0x34e: {  	s0 =	stileid.u32;
	[bflag:$0x2] =	sbarrier.arrive $0xFFFF  }
0x34f: {  	p0 =	sne.s32 s0, $0x0;
	s0 =	rddreg [dreg:$0x2]  }
0x350: {  	s0 =	sadd.s32 @!p0 $0x100000, s0  }
0x351: {  	[sflag:s0] =	ssyncadd.tile.s32 @!p0 $0x1;
	_ =	shalt  }
.Lfunc_end2:
_tile_overlayer_lowered:
.L_overlay_start_2:
0x352: {  	(tag) =	ssettag $0x2  }
0x353: {  	s0 =	rddreg [dreg:$0x0];
	s2 =	stileid.u32  }
0x354: {  	s1 =	rddreg [dreg:$0x1];
	p0 =	sne.s32 s2, $0x0  }
0x355: {  	s3 =	rddreg [dreg:$0x2];
	[bflag:$0x3] =	sbarrier.arrive $0xFFFF;
	s2 =	simm.s32 @!p0 $0x1C05  }
0x356: {  	[timem:s3], [sflag:s2] =	dma.local @!p0 [hbm:s0], s1  }
0x357: {  	s0 =	simm.s32 @!p0 $0x5  }
0x358: {  	_ =	swait.ge @!p0 [sflag:s0], s1  }
0x359: {  	s1 =	ssub.s32 @!p0 $0x0, s1;
	[sflag:s0] =	ssyncset.done @!p0 $0x0  }
0x35a: {  	[sflag:s0] =	ssyncadd.s32 @!p0 s1  }
0x35b: {  	[bflag:$0x3] =	sbarrier.arrive $0xFFFF  }
0x35c: {  	_ =	shalt  }

</sc_bundles>
